<compile_context>
chip_gen: v7x
topology: tpu7x:2x2x1
jax: 0.10.2.dev20260603
libtpu: 0.0.44.dev20260713+nightly
codegen_flags: <defaults>
</compile_context>

<pallas_src>
import functools

import jax
import jax.numpy as jnp
from jax import lax
from jax.experimental import pallas as pl
from jax.experimental.pallas import tpu as pltpu
from jax.experimental.pallas import tpu_sc as plsc

NS, L = 16, 16


def _body(B, P, FLAT, PPW, CH,
          perms_hbm, buf_hbm, scores_hbm, new_hbm, idx_out_hbm, out_hbm,
          cand_f, rows_v, scores_v, idxrow_v, idx_all_v, ns_v, bs_v,
          shared_idx, sem_rows, sem_misc, sem_cand):
    wid = lax.axis_index("s")
    p0 = wid * PPW
    rows = B // NS
    base = wid * rows

    cp_rows0 = pltpu.async_copy(buf_hbm.at[pl.ds(0, CH)], rows_v, sem_rows)
    cp_cand = pltpu.async_copy(perms_hbm.at[pl.ds(p0, PPW)], cand_f, sem_cand)
    cp_ns = pltpu.async_copy(new_hbm, ns_v, sem_misc)
    cp_bs = pltpu.async_copy(scores_hbm.at[pl.ds(base, rows)], bs_v, sem_misc)
    cp_sc = pltpu.async_copy(scores_hbm, scores_v, sem_misc)

    cp_cand.wait()
    nk = FLAT // L

    lanes = lax.iota(jnp.int32, L)

    def lane_or(x):
        for sh in (8, 4, 2, 1):
            x = x | x[lanes ^ sh]
        return x

    def all_found(iv):
        pending = jnp.where((iv < 0) & (lanes < PPW), 1, 0)
        return lane_or(pending)[0] == 0

    idxrow_v[...] = jnp.full((L,), -1, jnp.int32)

    def scan_rows(chunk):
        def row_body(rb, d2):
            iv = idxrow_v[...]

            @pl.when(jnp.logical_not(all_found(iv)))
            def _():
                KU = 4

                def kbody(k, accs):
                    accs = list(accs)
                    for u in range(KU):
                        off = (k * KU + u) * L
                        r = rows_v[rb, pl.ds(off, L)].astype(jnp.int32)
                        for c in range(PPW):
                            accs[c] = accs[c] | (
                                r ^ cand_f[c, pl.ds(off, L)].astype(jnp.int32))
                    return tuple(accs)

                accs = lax.fori_loop(
                    0, nk // KU, kbody,
                    tuple(jnp.zeros((L,), jnp.int32) for _ in range(PPW)))
                b = chunk * CH + rb
                iv2 = iv
                for c in range(PPW):
                    match_vec = lane_or(accs[c]) == 0
                    iv2 = jnp.where((lanes == c) & (iv2 < 0) & match_vec, b, iv2)
                idxrow_v[...] = iv2

            return d2

        lax.fori_loop(0, CH, row_body, jnp.int32(0))

    cp_rows0.wait()
    scan_rows(jnp.int32(0))

    @pl.when(jnp.logical_not(all_found(idxrow_v[...])))
    def _():
        def chunk_body(chunk, dummy):
            @pl.when(jnp.logical_not(all_found(idxrow_v[...])))
            def _():
                pltpu.async_copy(
                    buf_hbm.at[pl.ds(chunk * CH, CH)], rows_v, sem_rows).wait()
                scan_rows(chunk)

            return dummy

        lax.fori_loop(1, B // CH, chunk_body, jnp.int32(0))

    iv = idxrow_v[...]
    cp_sc.wait()

    def gbody(ch, g):
        svec = scores_v[pl.ds(ch * L, L)]
        val = svec[iv & (L - 1)]
        return jnp.where((iv >> 4) == ch, val, g)

    g = lax.fori_loop(0, B // L, gbody, jnp.full((L,), -jnp.inf, jnp.float32))
    iv = jnp.where((iv >= 0) & (g != -jnp.inf), iv, -1)
    idxrow_v[...] = iv
    cp_idx = pltpu.async_copy(
        idxrow_v.at[pl.ds(0, PPW)], idx_out_hbm.at[pl.ds(p0, PPW)], sem_cand)

    pltpu.sync_copy(idxrow_v.at[pl.ds(0, PPW)], shared_idx.at[pl.ds(p0, PPW)])
    plsc.subcore_barrier()
    pltpu.sync_copy(shared_idx, idx_all_v)
    cp_ns.wait()
    cp_bs.wait()

    nvec = rows // L
    lanevs = [base + v * L + lanes for v in range(nvec)]

    def tbody(t, accs):
        nsvec = ns_v[pl.ds(t * L, L)]
        ivec = idx_all_v[pl.ds(t * L, L)]
        for j in range(L):
            ip = ivec[j]
            sp = nsvec[j]
            accs = tuple(
                jnp.where(lanevs[v] == ip, jnp.maximum(accs[v], sp), accs[v])
                for v in range(nvec))
        return accs

    accs = lax.fori_loop(
        0, P // L, tbody, tuple(bs_v[pl.ds(v * L, L)] for v in range(nvec)))
    for v in range(nvec):
        bs_v[pl.ds(v * L, L)] = accs[v]
    pltpu.sync_copy(bs_v, out_hbm.at[pl.ds(base, rows)])
    cp_idx.wait()


def kernel(perm_buffer, buffer_scores, permutations, new_scores):
    B = perm_buffer.shape[0]
    P = permutations.shape[0]
    FLAT = perm_buffer.shape[1] * perm_buffer.shape[2]
    PPW = P // NS
    CH = 1

    buf2d = perm_buffer.reshape(B, FLAT)
    perm2d = permutations.reshape(P, FLAT)

    mesh = plsc.VectorSubcoreMesh(
        core_axis_name="c", subcore_axis_name="s", num_cores=1)

    run = functools.partial(
        pl.kernel,
        out_type=(
            jax.ShapeDtypeStruct((P,), jnp.int32),
            jax.ShapeDtypeStruct((B,), jnp.float32),
        ),
        mesh=mesh,
        scratch_types=[
            pltpu.VMEM((PPW, FLAT), jnp.float32),
            pltpu.VMEM((CH, FLAT), jnp.float32),
            pltpu.VMEM((B,), jnp.float32),
            pltpu.VMEM((L,), jnp.int32),
            pltpu.VMEM((P,), jnp.int32),
            pltpu.VMEM((P,), jnp.float32),
            pltpu.VMEM((B // NS,), jnp.float32),
            pltpu.MemorySpace.VMEM_SHARED((P,), jnp.int32),
            pltpu.SemaphoreType.DMA,
            pltpu.SemaphoreType.DMA,
            pltpu.SemaphoreType.DMA,
        ],
    )(functools.partial(_body, B, P, FLAT, PPW, CH))
    idx, updated = run(perm2d, buf2d, buffer_scores, new_scores)
    return (idx, updated)

# --- scband reference (transcript-rebuilt; emitter-appended) ---
"""Pipeline reference for scband-permutation-matrix-learning-module-with-buffer-19825569038353 (READ-ONLY COPY).

The authoritative reference and input builder live on the scoring server;
editing this copy changes nothing except your own understanding.
"""

import jax, jax.numpy as jnp
import numpy as np


def setup_inputs(seed: int = 0) -> dict:
    key = jax.random.key(seed)
    k1, k2, k3 = jax.random.split(key, 3)
    B, F, P = 512, 32, 128
    # permutation buffer (torch.zeros in __init__)
    perm_buffer = jnp.zeros((B, F, F), dtype=jnp.float32)
    # buffer scores (originally -inf; use randn so buffer entries are 'live')
    buffer_scores = jax.random.normal(k1, (B,), dtype=jnp.float32)
    # candidate hard permutations sampled from gumbel-hungarian (here: rand placeholder)
    permutations = jax.random.uniform(k2, (P, F, F), dtype=jnp.float32)
    # new scores computed from model.log_prob averaging
    new_scores = jax.random.normal(k3, (P,), dtype=jnp.float32)
    return {
        "perm_buffer": perm_buffer,
        "buffer_scores": buffer_scores,
        "permutations": permutations,
        "new_scores": new_scores,
    }


def reference(perm_buffer, buffer_scores, permutations, new_scores):
    # Faithful translation of PermutationMatrixLearningModuleWithBuffer._get_in_buffer_index
    # plus the in-place score scatter-max update from update_buffer.
    B = perm_buffer.shape[0]
    P = permutations.shape[0]
    buf_flat = perm_buffer.reshape(B, -1).astype(jnp.int32)
    perm_flat = permutations.reshape(P, -1).astype(jnp.int32)
    # [P, B] mask: which buffer row exactly equals each candidate permutation
    msk = (buf_flat[None, :, :] == perm_flat[:, None, :]).all(axis=-1).astype(jnp.int32)
    msk = jnp.concatenate([jnp.ones((P, 1), dtype=jnp.int32), 2 * msk], axis=1)
    idx = jnp.argmax(msk, axis=-1) - 1
    idx = jnp.where(buffer_scores[idx] == -jnp.inf, jnp.full_like(idx, -1), idx)
    # scatter-max update of buffer scores for candidates already in the buffer:
    # scores[pos_idx] = max(new_scores, scores[pos_idx])
    valid = idx >= 0
    safe_idx = jnp.where(valid, idx, 0)
    cand = jnp.where(valid, new_scores, -jnp.inf)
    updated_scores = buffer_scores.at[safe_idx].max(cand)
    return (idx, updated_scores)

if __name__ == "__main__":
    import jax
    _d = setup_inputs()
    print(jax.jit(kernel)(*tuple(_d.values())))

</pallas_src>

<mosaic_0001>
#map = affine_map<(d0, d1) -> (0, 0)>
#map1 = affine_map<(d0, d1) -> (0)>
module attributes {stable_mosaic.version = 14 : i64} {
  func.func @_body(%arg0: i32, %arg1: i32, %arg2: memref<128x1024xf32, #tpu.memory_space<hbm>>, %arg3: memref<512x1024xf32, #tpu.memory_space<hbm>>, %arg4: memref<512xf32, #tpu.memory_space<hbm>>, %arg5: memref<128xf32, #tpu.memory_space<hbm>>, %arg6: memref<128xi32, #tpu.memory_space<hbm>>, %arg7: memref<512xf32, #tpu.memory_space<hbm>>, %arg8: memref<8x1024xf32, #tpu.memory_space<vmem>>, %arg9: memref<1x1024xf32, #tpu.memory_space<vmem>>, %arg10: memref<512xf32, #tpu.memory_space<vmem>>, %arg11: memref<16xi32, #tpu.memory_space<vmem>>, %arg12: memref<128xi32, #tpu.memory_space<vmem>>, %arg13: memref<128xf32, #tpu.memory_space<vmem>>, %arg14: memref<32xf32, #tpu.memory_space<vmem>>, %arg15: memref<128xi32, #tpu.memory_space<vmem_shared>>, %arg16: memref<!tpu.dma_semaphore, #tpu.memory_space<semaphore_mem>>, %arg17: memref<!tpu.dma_semaphore, #tpu.memory_space<semaphore_mem>>, %arg18: memref<!tpu.dma_semaphore, #tpu.memory_space<semaphore_mem>>) attributes {dimension_semantics = [#tpu.dimension_semantics<core_parallel>, #tpu.dimension_semantics<subcore_parallel>], iteration_bounds = array<i64: 1, 16>, scalar_prefetch = 0 : i64, scratch_operands = 11 : i64, tpu.core_type = #tpu.core_type<sc_vector_subcore>, window_params = [{transform_indices = #map}, {transform_indices = #map}, {transform_indices = #map1}, {transform_indices = #map1}, {transform_indices = #map1}, {transform_indices = #map1}]} {
    %mul3A = arith.constant 8 : i32
    %mul3A_0 = arith.muli %arg1, %mul3A : i32
    %mul3A_1 = arith.constant 32 : i32
    %mul3A_2 = arith.muli %arg1, %mul3A_1 : i32
    %dma_start3A = arith.constant 0 : i32
    %dma_start3A_3 = arith.constant 0 : i32
    %dma_start3A_4 = tpu.memref_slice %arg3[%dma_start3A, %dma_start3A_3] : memref<512x1024xf32, #tpu.memory_space<hbm>> -> memref<1x1024xf32, #tpu.memory_space<hbm>>
    %dma_start3A_5 = arith.constant 0 : i32
    %dma_start3A_6 = arith.constant 0 : i32
    %dma_start3A_7 = tpu.memref_slice %arg3[%dma_start3A_5, %dma_start3A_6] : memref<512x1024xf32, #tpu.memory_space<hbm>> -> memref<1x1024xf32, #tpu.memory_space<hbm>>
    tpu.enqueue_dma source(%dma_start3A_7 : memref<1x1024xf32, #tpu.memory_space<hbm>>) target(%arg9 : memref<1x1024xf32, #tpu.memory_space<vmem>>) target_semaphore(%arg16 : memref<!tpu.dma_semaphore, #tpu.memory_space<semaphore_mem>>)
    %dma_start3A_8 = arith.constant 0 : i32
    %dma_start3A_9 = tpu.memref_slice %arg2[%mul3A_0, %dma_start3A_8] : memref<128x1024xf32, #tpu.memory_space<hbm>> -> memref<8x1024xf32, #tpu.memory_space<hbm>>
    %dma_start3A_10 = arith.constant 0 : i32
    %dma_start3A_11 = tpu.memref_slice %arg2[%mul3A_0, %dma_start3A_10] : memref<128x1024xf32, #tpu.memory_space<hbm>> -> memref<8x1024xf32, #tpu.memory_space<hbm>>
    tpu.enqueue_dma source(%dma_start3A_11 : memref<8x1024xf32, #tpu.memory_space<hbm>>) target(%arg8 : memref<8x1024xf32, #tpu.memory_space<vmem>>) target_semaphore(%arg18 : memref<!tpu.dma_semaphore, #tpu.memory_space<semaphore_mem>>)
    tpu.enqueue_dma source(%arg5 : memref<128xf32, #tpu.memory_space<hbm>>) target(%arg13 : memref<128xf32, #tpu.memory_space<vmem>>) target_semaphore(%arg17 : memref<!tpu.dma_semaphore, #tpu.memory_space<semaphore_mem>>)
    %dma_start3A_12 = tpu.memref_slice %arg4[%mul3A_2] : memref<512xf32, #tpu.memory_space<hbm>> -> memref<32xf32, #tpu.memory_space<hbm>>
    %dma_start3A_13 = tpu.memref_slice %arg4[%mul3A_2] : memref<512xf32, #tpu.memory_space<hbm>> -> memref<32xf32, #tpu.memory_space<hbm>>
    tpu.enqueue_dma source(%dma_start3A_13 : memref<32xf32, #tpu.memory_space<hbm>>) target(%arg14 : memref<32xf32, #tpu.memory_space<vmem>>) target_semaphore(%arg17 : memref<!tpu.dma_semaphore, #tpu.memory_space<semaphore_mem>>)
    tpu.enqueue_dma source(%arg4 : memref<512xf32, #tpu.memory_space<hbm>>) target(%arg10 : memref<512xf32, #tpu.memory_space<vmem>>) target_semaphore(%arg17 : memref<!tpu.dma_semaphore, #tpu.memory_space<semaphore_mem>>)
    %dma_wait3A = arith.constant 0 : i32
    %dma_wait3A_14 = tpu.memref_slice %arg2[%mul3A_0, %dma_wait3A] : memref<128x1024xf32, #tpu.memory_space<hbm>> -> memref<8x1024xf32, #tpu.memory_space<hbm>>
    %dma_wait3A_15 = arith.constant 0 : i32
    %dma_wait3A_16 = tpu.memref_slice %arg2[%mul3A_0, %dma_wait3A_15] : memref<128x1024xf32, #tpu.memory_space<hbm>> -> memref<8x1024xf32, #tpu.memory_space<hbm>>
    tpu.wait_dma2 semaphore(%arg18 : memref<!tpu.dma_semaphore, #tpu.memory_space<semaphore_mem>>) src(%dma_wait3A_16 : memref<8x1024xf32, #tpu.memory_space<hbm>>) dst(%arg8 : memref<8x1024xf32, #tpu.memory_space<vmem>>)
    %iota3A = tpu.iota {dimensions = array<i32: 0>} : vector<16xi32>
    %broadcast_in_dim3A = arith.constant -1 : i32
    %broadcast_in_dim3A_17 = vector.broadcast %broadcast_in_dim3A : i32 to vector<16xi32>
    %swap3A = arith.constant 0 : index
    %swap3A_18 = tpu.vector_load %arg11[%swap3A] {strides = array<i32>} : memref<16xi32, #tpu.memory_space<vmem>>, vector<16xi32>,
    %swap3A_19 = vector.shape_cast %swap3A_18 : vector<16xi32> to vector<16xi32>
    %swap3A_20 = vector.shape_cast %broadcast_in_dim3A_17 : vector<16xi32> to vector<16xi32>
    tpu.vector_store %arg11[%swap3A], %swap3A_20 {strides = array<i32>} : memref<16xi32, #tpu.memory_space<vmem>>, vector<16xi32>,
    %dma_wait3A_21 = arith.constant 0 : i32
    %dma_wait3A_22 = arith.constant 0 : i32
    %dma_wait3A_23 = tpu.memref_slice %arg3[%dma_wait3A_21, %dma_wait3A_22] : memref<512x1024xf32, #tpu.memory_space<hbm>> -> memref<1x1024xf32, #tpu.memory_space<hbm>>
    %dma_wait3A_24 = arith.constant 0 : i32
    %dma_wait3A_25 = arith.constant 0 : i32
    %dma_wait3A_26 = tpu.memref_slice %arg3[%dma_wait3A_24, %dma_wait3A_25] : memref<512x1024xf32, #tpu.memory_space<hbm>> -> memref<1x1024xf32, #tpu.memory_space<hbm>>
    tpu.wait_dma2 semaphore(%arg16 : memref<!tpu.dma_semaphore, #tpu.memory_space<semaphore_mem>>) src(%dma_wait3A_26 : memref<1x1024xf32, #tpu.memory_space<hbm>>) dst(%arg9 : memref<1x1024xf32, #tpu.memory_space<vmem>>)
    %scan3A = arith.constant 0 : i32
    %scan3A_27 = arith.constant 0 : i32
    %scan3A_28 = arith.constant 0 : i32
    %get3A = arith.constant 0 : index
    %get3A_29 = tpu.vector_load %arg11[%get3A] {strides = array<i32>} : memref<16xi32, #tpu.memory_space<vmem>>, vector<16xi32>,
    %get3A_30 = vector.shape_cast %get3A_29 : vector<16xi32> to vector<16xi32>
    %lt3A = arith.constant 0 : i32
    %lt3A_31 = vector.broadcast %lt3A : i32 to vector<16xi32>
    %lt3A_32 = arith.cmpi slt, %get3A_30, %lt3A_31 : vector<16xi32>
    %lt3A_33 = arith.constant 8 : i32
    %lt3A_34 = vector.broadcast %lt3A_33 : i32 to vector<16xi32>
    %lt3A_35 = arith.cmpi slt, %iota3A, %lt3A_34 : vector<16xi32>
    %and3A = arith.andi %lt3A_32, %lt3A_35 : vector<16xi1>
    %jit3A = arith.constant 1 : i32
    %jit3A_36 = arith.constant 0 : i32
    %broadcast_in_dim3A_37 = vector.broadcast %jit3A : i32 to vector<16xi32>
    %broadcast_in_dim3A_38 = vector.broadcast %jit3A_36 : i32 to vector<16xi32>
    %select_n3A = arith.select %and3A, %broadcast_in_dim3A_37, %broadcast_in_dim3A_38 : vector<16xi1>, vector<16xi32>
    %xor3A = arith.constant 8 : i32
    %xor3A_39 = vector.broadcast %xor3A : i32 to vector<16xi32>
    %xor3A_40 = arith.xori %iota3A, %xor3A_39 : vector<16xi32>
    %lt3A_41 = arith.constant 0 : i32
    %lt3A_42 = vector.broadcast %lt3A_41 : i32 to vector<16xi32>
    %lt3A_43 = arith.cmpi slt, %xor3A_40, %lt3A_42 : vector<16xi32>
    %add3A = arith.constant 16 : i32
    %add3A_44 = vector.broadcast %add3A : i32 to vector<16xi32>
    %add3A_45 = arith.addi %xor3A_40, %add3A_44 : vector<16xi32>
    %select_n3A_46 = arith.select %lt3A_43, %add3A_45, %xor3A_40 : vector<16xi1>, vector<16xi32>
    %broadcast_in_dim3A_47 = vector.shape_cast %select_n3A_46 : vector<16xi32> to vector<16x1xi32>
    %gather3A = vector.shape_cast %broadcast_in_dim3A_47 : vector<16x1xi32> to vector<16xi32>
    %gather3A_48 = tpu.dynamic_gather %select_n3A[%gather3A] in [0] : vector<16xi32>, vector<16xi32> -> vector<16xi32>
    %or3A = arith.ori %select_n3A, %gather3A_48 : vector<16xi32>
    %xor3A_49 = arith.constant 4 : i32
    %xor3A_50 = vector.broadcast %xor3A_49 : i32 to vector<16xi32>
    %xor3A_51 = arith.xori %iota3A, %xor3A_50 : vector<16xi32>
    %lt3A_52 = arith.constant 0 : i32
    %lt3A_53 = vector.broadcast %lt3A_52 : i32 to vector<16xi32>
    %lt3A_54 = arith.cmpi slt, %xor3A_51, %lt3A_53 : vector<16xi32>
    %add3A_55 = arith.constant 16 : i32
    %add3A_56 = vector.broadcast %add3A_55 : i32 to vector<16xi32>
    %add3A_57 = arith.addi %xor3A_51, %add3A_56 : vector<16xi32>
    %select_n3A_58 = arith.select %lt3A_54, %add3A_57, %xor3A_51 : vector<16xi1>, vector<16xi32>
    %broadcast_in_dim3A_59 = vector.shape_cast %select_n3A_58 : vector<16xi32> to vector<16x1xi32>
    %gather3A_60 = vector.shape_cast %broadcast_in_dim3A_59 : vector<16x1xi32> to vector<16xi32>
    %gather3A_61 = tpu.dynamic_gather %or3A[%gather3A_60] in [0] : vector<16xi32>, vector<16xi32> -> vector<16xi32>
    %or3A_62 = arith.ori %or3A, %gather3A_61 : vector<16xi32>
    %xor3A_63 = arith.constant 2 : i32
    %xor3A_64 = vector.broadcast %xor3A_63 : i32 to vector<16xi32>
    %xor3A_65 = arith.xori %iota3A, %xor3A_64 : vector<16xi32>
    %lt3A_66 = arith.constant 0 : i32
    %lt3A_67 = vector.broadcast %lt3A_66 : i32 to vector<16xi32>
    %lt3A_68 = arith.cmpi slt, %xor3A_65, %lt3A_67 : vector<16xi32>
    %add3A_69 = arith.constant 16 : i32
    %add3A_70 = vector.broadcast %add3A_69 : i32 to vector<16xi32>
    %add3A_71 = arith.addi %xor3A_65, %add3A_70 : vector<16xi32>
    %select_n3A_72 = arith.select %lt3A_68, %add3A_71, %xor3A_65 : vector<16xi1>, vector<16xi32>
    %broadcast_in_dim3A_73 = vector.shape_cast %select_n3A_72 : vector<16xi32> to vector<16x1xi32>
    %gather3A_74 = vector.shape_cast %broadcast_in_dim3A_73 : vector<16x1xi32> to vector<16xi32>
    %gather3A_75 = tpu.dynamic_gather %or3A_62[%gather3A_74] in [0] : vector<16xi32>, vector<16xi32> -> vector<16xi32>
    %or3A_76 = arith.ori %or3A_62, %gather3A_75 : vector<16xi32>
    %xor3A_77 = arith.constant 1 : i32
    %xor3A_78 = vector.broadcast %xor3A_77 : i32 to vector<16xi32>
    %xor3A_79 = arith.xori %iota3A, %xor3A_78 : vector<16xi32>
    %lt3A_80 = arith.constant 0 : i32
    %lt3A_81 = vector.broadcast %lt3A_80 : i32 to vector<16xi32>
    %lt3A_82 = arith.cmpi slt, %xor3A_79, %lt3A_81 : vector<16xi32>
    %add3A_83 = arith.constant 16 : i32
    %add3A_84 = vector.broadcast %add3A_83 : i32 to vector<16xi32>
    %add3A_85 = arith.addi %xor3A_79, %add3A_84 : vector<16xi32>
    %select_n3A_86 = arith.select %lt3A_82, %add3A_85, %xor3A_79 : vector<16xi1>, vector<16xi32>
    %broadcast_in_dim3A_87 = vector.shape_cast %select_n3A_86 : vector<16xi32> to vector<16x1xi32>
    %gather3A_88 = vector.shape_cast %broadcast_in_dim3A_87 : vector<16x1xi32> to vector<16xi32>
    %gather3A_89 = tpu.dynamic_gather %or3A_76[%gather3A_88] in [0] : vector<16xi32>, vector<16xi32> -> vector<16xi32>
    %or3A_90 = arith.ori %or3A_76, %gather3A_89 : vector<16xi32>
    %slice3A = vector.extract_strided_slice %or3A_90 {offsets = [0], sizes = [1], strides = [1]} : vector<16xi32> to vector<1xi32>
    %squeeze3A = vector.extract %slice3A[0] : i32 from vector<1xi32>
    %eq3A = arith.constant 0 : i32
    %eq3A_91 = arith.cmpi eq, %squeeze3A, %eq3A : i32
    %not3A = arith.constant true
    %not3A_92 = arith.xori %eq3A_91, %not3A : i1
    %convert_element_type3A = arith.extui %not3A_92 : i1 to i32
    %cond3A = arith.constant 0 : i32
    %cond3A_93 = arith.cmpi ne, %convert_element_type3A, %cond3A : i32
    scf.if %cond3A_93 {
      %broadcast_in_dim3A_240 = arith.constant 0 : i32
      %broadcast_in_dim3A_241 = vector.broadcast %broadcast_in_dim3A_240 : i32 to vector<16xi32>
      %broadcast_in_dim3A_242 = arith.constant 0 : i32
      %broadcast_in_dim3A_243 = vector.broadcast %broadcast_in_dim3A_242 : i32 to vector<16xi32>
      %broadcast_in_dim3A_244 = arith.constant 0 : i32
      %broadcast_in_dim3A_245 = vector.broadcast %broadcast_in_dim3A_244 : i32 to vector<16xi32>
      %broadcast_in_dim3A_246 = arith.constant 0 : i32
      %broadcast_in_dim3A_247 = vector.broadcast %broadcast_in_dim3A_246 : i32 to vector<16xi32>
      %broadcast_in_dim3A_248 = arith.constant 0 : i32
      %broadcast_in_dim3A_249 = vector.broadcast %broadcast_in_dim3A_248 : i32 to vector<16xi32>
      %broadcast_in_dim3A_250 = arith.constant 0 : i32
      %broadcast_in_dim3A_251 = vector.broadcast %broadcast_in_dim3A_250 : i32 to vector<16xi32>
      %broadcast_in_dim3A_252 = arith.constant 0 : i32
      %broadcast_in_dim3A_253 = vector.broadcast %broadcast_in_dim3A_252 : i32 to vector<16xi32>
      %broadcast_in_dim3A_254 = arith.constant 0 : i32
      %broadcast_in_dim3A_255 = vector.broadcast %broadcast_in_dim3A_254 : i32 to vector<16xi32>
      %scan3A_256 = arith.constant 0 : i32
      %scan3A_257 = arith.constant 16 : i32
      %scan3A_258 = arith.addi %scan3A_256, %scan3A_257 : i32
      %scan3A_259 = arith.constant 1 : i32
      %scan3A_260:8 = scf.for %scan3A_821 = %scan3A_256 to %scan3A_258 step %scan3A_259 iter_args(%scan3A_822 = %broadcast_in_dim3A_241, %scan3A_823 = %broadcast_in_dim3A_243, %scan3A_824 = %broadcast_in_dim3A_245, %scan3A_825 = %broadcast_in_dim3A_247, %scan3A_826 = %broadcast_in_dim3A_249, %scan3A_827 = %broadcast_in_dim3A_251, %scan3A_828 = %broadcast_in_dim3A_253, %scan3A_829 = %broadcast_in_dim3A_255) -> (vector<16xi32>, vector<16xi32>, vector<16xi32>, vector<16xi32>, vector<16xi32>, vector<16xi32>, vector<16xi32>, vector<16xi32>)  : i32 {
        %mul3A_830 = arith.constant 4 : i32
        %mul3A_831 = arith.muli %scan3A_821, %mul3A_830 : i32
        %add3A_832 = arith.constant 0 : i32
        %add3A_833 = arith.addi %mul3A_831, %add3A_832 : i32
        %mul3A_834 = arith.constant 16 : i32
        %mul3A_835 = arith.muli %add3A_833, %mul3A_834 : i32
        %get3A_836 = arith.index_cast %scan3A_28 : i32 to index
        %get3A_837 = arith.index_cast %mul3A_835 : i32 to index
        %get3A_838 = tpu.vector_load %arg9[%get3A_836, %get3A_837] {strides = array<i32>} : memref<1x1024xf32, #tpu.memory_space<vmem>>, vector<1x16xf32>,
        %get3A_839 = vector.shape_cast %get3A_838 : vector<1x16xf32> to vector<16xf32>
        %convert_element_type3A_840 = arith.fptosi %get3A_839 : vector<16xf32> to vector<16xi32>
        %get3A_841 = arith.constant 0 : i32
        %get3A_842 = arith.index_cast %get3A_841 : i32 to index
        %get3A_843 = arith.index_cast %mul3A_835 : i32 to index
        %get3A_844 = tpu.vector_load %arg8[%get3A_842, %get3A_843] {strides = array<i32>} : memref<8x1024xf32, #tpu.memory_space<vmem>>, vector<1x16xf32>,
        %get3A_845 = vector.shape_cast %get3A_844 : vector<1x16xf32> to vector<16xf32>
        %convert_element_type3A_846 = arith.fptosi %get3A_845 : vector<16xf32> to vector<16xi32>
        %xor3A_847 = arith.xori %convert_element_type3A_840, %convert_element_type3A_846 : vector<16xi32>
        %or3A_848 = arith.ori %scan3A_822, %xor3A_847 : vector<16xi32>
        %get3A_849 = arith.constant 1 : i32
        %get3A_850 = arith.index_cast %get3A_849 : i32 to index
        %get3A_851 = arith.index_cast %mul3A_835 : i32 to index
        %get3A_852 = tpu.vector_load %arg8[%get3A_850, %get3A_851] {strides = array<i32>} : memref<8x1024xf32, #tpu.memory_space<vmem>>, vector<1x16xf32>,
        %get3A_853 = vector.shape_cast %get3A_852 : vector<1x16xf32> to vector<16xf32>
        %convert_element_type3A_854 = arith.fptosi %get3A_853 : vector<16xf32> to vector<16xi32>
        %xor3A_855 = arith.xori %convert_element_type3A_840, %convert_element_type3A_854 : vector<16xi32>
        %or3A_856 = arith.ori %scan3A_823, %xor3A_855 : vector<16xi32>
        %get3A_857 = arith.constant 2 : i32
        %get3A_858 = arith.index_cast %get3A_857 : i32 to index
        %get3A_859 = arith.index_cast %mul3A_835 : i32 to index
        %get3A_860 = tpu.vector_load %arg8[%get3A_858, %get3A_859] {strides = array<i32>} : memref<8x1024xf32, #tpu.memory_space<vmem>>, vector<1x16xf32>,
        %get3A_861 = vector.shape_cast %get3A_860 : vector<1x16xf32> to vector<16xf32>
        %convert_element_type3A_862 = arith.fptosi %get3A_861 : vector<16xf32> to vector<16xi32>
        %xor3A_863 = arith.xori %convert_element_type3A_840, %convert_element_type3A_862 : vector<16xi32>
        %or3A_864 = arith.ori %scan3A_824, %xor3A_863 : vector<16xi32>
        %get3A_865 = arith.constant 3 : i32
        %get3A_866 = arith.index_cast %get3A_865 : i32 to index
        %get3A_867 = arith.index_cast %mul3A_835 : i32 to index
        %get3A_868 = tpu.vector_load %arg8[%get3A_866, %get3A_867] {strides = array<i32>} : memref<8x1024xf32, #tpu.memory_space<vmem>>, vector<1x16xf32>,
        %get3A_869 = vector.shape_cast %get3A_868 : vector<1x16xf32> to vector<16xf32>
        %convert_element_type3A_870 = arith.fptosi %get3A_869 : vector<16xf32> to vector<16xi32>
        %xor3A_871 = arith.xori %convert_element_type3A_840, %convert_element_type3A_870 : vector<16xi32>
        %or3A_872 = arith.ori %scan3A_825, %xor3A_871 : vector<16xi32>
        %get3A_873 = arith.constant 4 : i32
        %get3A_874 = arith.index_cast %get3A_873 : i32 to index
        %get3A_875 = arith.index_cast %mul3A_835 : i32 to index
        %get3A_876 = tpu.vector_load %arg8[%get3A_874, %get3A_875] {strides = array<i32>} : memref<8x1024xf32, #tpu.memory_space<vmem>>, vector<1x16xf32>,
        %get3A_877 = vector.shape_cast %get3A_876 : vector<1x16xf32> to vector<16xf32>
        %convert_element_type3A_878 = arith.fptosi %get3A_877 : vector<16xf32> to vector<16xi32>
        %xor3A_879 = arith.xori %convert_element_type3A_840, %convert_element_type3A_878 : vector<16xi32>
        %or3A_880 = arith.ori %scan3A_826, %xor3A_879 : vector<16xi32>
        %get3A_881 = arith.constant 5 : i32
        %get3A_882 = arith.index_cast %get3A_881 : i32 to index
        %get3A_883 = arith.index_cast %mul3A_835 : i32 to index
        %get3A_884 = tpu.vector_load %arg8[%get3A_882, %get3A_883] {strides = array<i32>} : memref<8x1024xf32, #tpu.memory_space<vmem>>, vector<1x16xf32>,
        %get3A_885 = vector.shape_cast %get3A_884 : vector<1x16xf32> to vector<16xf32>
        %convert_element_type3A_886 = arith.fptosi %get3A_885 : vector<16xf32> to vector<16xi32>
        %xor3A_887 = arith.xori %convert_element_type3A_840, %convert_element_type3A_886 : vector<16xi32>
        %or3A_888 = arith.ori %scan3A_827, %xor3A_887 : vector<16xi32>
        %get3A_889 = arith.constant 6 : i32
        %get3A_890 = arith.index_cast %get3A_889 : i32 to index
        %get3A_891 = arith.index_cast %mul3A_835 : i32 to index
        %get3A_892 = tpu.vector_load %arg8[%get3A_890, %get3A_891] {strides = array<i32>} : memref<8x1024xf32, #tpu.memory_space<vmem>>, vector<1x16xf32>,
        %get3A_893 = vector.shape_cast %get3A_892 : vector<1x16xf32> to vector<16xf32>
        %convert_element_type3A_894 = arith.fptosi %get3A_893 : vector<16xf32> to vector<16xi32>
        %xor3A_895 = arith.xori %convert_element_type3A_840, %convert_element_type3A_894 : vector<16xi32>
        %or3A_896 = arith.ori %scan3A_828, %xor3A_895 : vector<16xi32>
        %get3A_897 = arith.constant 7 : i32
        %get3A_898 = arith.index_cast %get3A_897 : i32 to index
        %get3A_899 = arith.index_cast %mul3A_835 : i32 to index
        %get3A_900 = tpu.vector_load %arg8[%get3A_898, %get3A_899] {strides = array<i32>} : memref<8x1024xf32, #tpu.memory_space<vmem>>, vector<1x16xf32>,
        %get3A_901 = vector.shape_cast %get3A_900 : vector<1x16xf32> to vector<16xf32>
        %convert_element_type3A_902 = arith.fptosi %get3A_901 : vector<16xf32> to vector<16xi32>
        %xor3A_903 = arith.xori %convert_element_type3A_840, %convert_element_type3A_902 : vector<16xi32>
        %or3A_904 = arith.ori %scan3A_829, %xor3A_903 : vector<16xi32>
        %mul3A_905 = arith.constant 4 : i32
        %mul3A_906 = arith.muli %scan3A_821, %mul3A_905 : i32
        %add3A_907 = arith.constant 1 : i32
        %add3A_908 = arith.addi %mul3A_906, %add3A_907 : i32
        %mul3A_909 = arith.constant 16 : i32
        %mul3A_910 = arith.muli %add3A_908, %mul3A_909 : i32
        %get3A_911 = arith.index_cast %scan3A_28 : i32 to index
        %get3A_912 = arith.index_cast %mul3A_910 : i32 to index
        %get3A_913 = tpu.vector_load %arg9[%get3A_911, %get3A_912] {strides = array<i32>} : memref<1x1024xf32, #tpu.memory_space<vmem>>, vector<1x16xf32>,
        %get3A_914 = vector.shape_cast %get3A_913 : vector<1x16xf32> to vector<16xf32>
        %convert_element_type3A_915 = arith.fptosi %get3A_914 : vector<16xf32> to vector<16xi32>
        %get3A_916 = arith.constant 0 : i32
        %get3A_917 = arith.index_cast %get3A_916 : i32 to index
        %get3A_918 = arith.index_cast %mul3A_910 : i32 to index
        %get3A_919 = tpu.vector_load %arg8[%get3A_917, %get3A_918] {strides = array<i32>} : memref<8x1024xf32, #tpu.memory_space<vmem>>, vector<1x16xf32>,
        %get3A_920 = vector.shape_cast %get3A_919 : vector<1x16xf32> to vector<16xf32>
        %convert_element_type3A_921 = arith.fptosi %get3A_920 : vector<16xf32> to vector<16xi32>
        %xor3A_922 = arith.xori %convert_element_type3A_915, %convert_element_type3A_921 : vector<16xi32>
        %or3A_923 = arith.ori %or3A_848, %xor3A_922 : vector<16xi32>
        %get3A_924 = arith.constant 1 : i32
        %get3A_925 = arith.index_cast %get3A_924 : i32 to index
        %get3A_926 = arith.index_cast %mul3A_910 : i32 to index
        %get3A_927 = tpu.vector_load %arg8[%get3A_925, %get3A_926] {strides = array<i32>} : memref<8x1024xf32, #tpu.memory_space<vmem>>, vector<1x16xf32>,
        %get3A_928 = vector.shape_cast %get3A_927 : vector<1x16xf32> to vector<16xf32>
        %convert_element_type3A_929 = arith.fptosi %get3A_928 : vector<16xf32> to vector<16xi32>
        %xor3A_930 = arith.xori %convert_element_type3A_915, %convert_element_type3A_929 : vector<16xi32>
        %or3A_931 = arith.ori %or3A_856, %xor3A_930 : vector<16xi32>
        %get3A_932 = arith.constant 2 : i32
        %get3A_933 = arith.index_cast %get3A_932 : i32 to index
        %get3A_934 = arith.index_cast %mul3A_910 : i32 to index
        %get3A_935 = tpu.vector_load %arg8[%get3A_933, %get3A_934] {strides = array<i32>} : memref<8x1024xf32, #tpu.memory_space<vmem>>, vector<1x16xf32>,
        %get3A_936 = vector.shape_cast %get3A_935 : vector<1x16xf32> to vector<16xf32>
        %convert_element_type3A_937 = arith.fptosi %get3A_936 : vector<16xf32> to vector<16xi32>
        %xor3A_938 = arith.xori %convert_element_type3A_915, %convert_element_type3A_937 : vector<16xi32>
        %or3A_939 = arith.ori %or3A_864, %xor3A_938 : vector<16xi32>
        %get3A_940 = arith.constant 3 : i32
        %get3A_941 = arith.index_cast %get3A_940 : i32 to index
        %get3A_942 = arith.index_cast %mul3A_910 : i32 to index
        %get3A_943 = tpu.vector_load %arg8[%get3A_941, %get3A_942] {strides = array<i32>} : memref<8x1024xf32, #tpu.memory_space<vmem>>, vector<1x16xf32>,
        %get3A_944 = vector.shape_cast %get3A_943 : vector<1x16xf32> to vector<16xf32>
        %convert_element_type3A_945 = arith.fptosi %get3A_944 : vector<16xf32> to vector<16xi32>
        %xor3A_946 = arith.xori %convert_element_type3A_915, %convert_element_type3A_945 : vector<16xi32>
        %or3A_947 = arith.ori %or3A_872, %xor3A_946 : vector<16xi32>
        %get3A_948 = arith.constant 4 : i32
        %get3A_949 = arith.index_cast %get3A_948 : i32 to index
        %get3A_950 = arith.index_cast %mul3A_910 : i32 to index
        %get3A_951 = tpu.vector_load %arg8[%get3A_949, %get3A_950] {strides = array<i32>} : memref<8x1024xf32, #tpu.memory_space<vmem>>, vector<1x16xf32>,
        %get3A_952 = vector.shape_cast %get3A_951 : vector<1x16xf32> to vector<16xf32>
        %convert_element_type3A_953 = arith.fptosi %get3A_952 : vector<16xf32> to vector<16xi32>
        %xor3A_954 = arith.xori %convert_element_type3A_915, %convert_element_type3A_953 : vector<16xi32>
        %or3A_955 = arith.ori %or3A_880, %xor3A_954 : vector<16xi32>
        %get3A_956 = arith.constant 5 : i32
        %get3A_957 = arith.index_cast %get3A_956 : i32 to index
        %get3A_958 = arith.index_cast %mul3A_910 : i32 to index
        %get3A_959 = tpu.vector_load %arg8[%get3A_957, %get3A_958] {strides = array<i32>} : memref<8x1024xf32, #tpu.memory_space<vmem>>, vector<1x16xf32>,
        %get3A_960 = vector.shape_cast %get3A_959 : vector<1x16xf32> to vector<16xf32>
        %convert_element_type3A_961 = arith.fptosi %get3A_960 : vector<16xf32> to vector<16xi32>
        %xor3A_962 = arith.xori %convert_element_type3A_915, %convert_element_type3A_961 : vector<16xi32>
        %or3A_963 = arith.ori %or3A_888, %xor3A_962 : vector<16xi32>
        %get3A_964 = arith.constant 6 : i32
        %get3A_965 = arith.index_cast %get3A_964 : i32 to index
        %get3A_966 = arith.index_cast %mul3A_910 : i32 to index
        %get3A_967 = tpu.vector_load %arg8[%get3A_965, %get3A_966] {strides = array<i32>} : memref<8x1024xf32, #tpu.memory_space<vmem>>, vector<1x16xf32>,
        %get3A_968 = vector.shape_cast %get3A_967 : vector<1x16xf32> to vector<16xf32>
        %convert_element_type3A_969 = arith.fptosi %get3A_968 : vector<16xf32> to vector<16xi32>
        %xor3A_970 = arith.xori %convert_element_type3A_915, %convert_element_type3A_969 : vector<16xi32>
        %or3A_971 = arith.ori %or3A_896, %xor3A_970 : vector<16xi32>
        %get3A_972 = arith.constant 7 : i32
        %get3A_973 = arith.index_cast %get3A_972 : i32 to index
        %get3A_974 = arith.index_cast %mul3A_910 : i32 to index
        %get3A_975 = tpu.vector_load %arg8[%get3A_973, %get3A_974] {strides = array<i32>} : memref<8x1024xf32, #tpu.memory_space<vmem>>, vector<1x16xf32>,
        %get3A_976 = vector.shape_cast %get3A_975 : vector<1x16xf32> to vector<16xf32>
        %convert_element_type3A_977 = arith.fptosi %get3A_976 : vector<16xf32> to vector<16xi32>
        %xor3A_978 = arith.xori %convert_element_type3A_915, %convert_element_type3A_977 : vector<16xi32>
        %or3A_979 = arith.ori %or3A_904, %xor3A_978 : vector<16xi32>
        %mul3A_980 = arith.constant 4 : i32
        %mul3A_981 = arith.muli %scan3A_821, %mul3A_980 : i32
        %add3A_982 = arith.constant 2 : i32
        %add3A_983 = arith.addi %mul3A_981, %add3A_982 : i32
        %mul3A_984 = arith.constant 16 : i32
        %mul3A_985 = arith.muli %add3A_983, %mul3A_984 : i32
        %get3A_986 = arith.index_cast %scan3A_28 : i32 to index
        %get3A_987 = arith.index_cast %mul3A_985 : i32 to index
        %get3A_988 = tpu.vector_load %arg9[%get3A_986, %get3A_987] {strides = array<i32>} : memref<1x1024xf32, #tpu.memory_space<vmem>>, vector<1x16xf32>,
        %get3A_989 = vector.shape_cast %get3A_988 : vector<1x16xf32> to vector<16xf32>
        %convert_element_type3A_990 = arith.fptosi %get3A_989 : vector<16xf32> to vector<16xi32>
        %get3A_991 = arith.constant 0 : i32
        %get3A_992 = arith.index_cast %get3A_991 : i32 to index
        %get3A_993 = arith.index_cast %mul3A_985 : i32 to index
        %get3A_994 = tpu.vector_load %arg8[%get3A_992, %get3A_993] {strides = array<i32>} : memref<8x1024xf32, #tpu.memory_space<vmem>>, vector<1x16xf32>,
        %get3A_995 = vector.shape_cast %get3A_994 : vector<1x16xf32> to vector<16xf32>
        %convert_element_type3A_996 = arith.fptosi %get3A_995 : vector<16xf32> to vector<16xi32>
        %xor3A_997 = arith.xori %convert_element_type3A_990, %convert_element_type3A_996 : vector<16xi32>
        %or3A_998 = arith.ori %or3A_923, %xor3A_997 : vector<16xi32>
        %get3A_999 = arith.constant 1 : i32
        %get3A_1000 = arith.index_cast %get3A_999 : i32 to index
        %get3A_1001 = arith.index_cast %mul3A_985 : i32 to index
        %get3A_1002 = tpu.vector_load %arg8[%get3A_1000, %get3A_1001] {strides = array<i32>} : memref<8x1024xf32, #tpu.memory_space<vmem>>, vector<1x16xf32>,
        %get3A_1003 = vector.shape_cast %get3A_1002 : vector<1x16xf32> to vector<16xf32>
        %convert_element_type3A_1004 = arith.fptosi %get3A_1003 : vector<16xf32> to vector<16xi32>
        %xor3A_1005 = arith.xori %convert_element_type3A_990, %convert_element_type3A_1004 : vector<16xi32>
        %or3A_1006 = arith.ori %or3A_931, %xor3A_1005 : vector<16xi32>
        %get3A_1007 = arith.constant 2 : i32
        %get3A_1008 = arith.index_cast %get3A_1007 : i32 to index
        %get3A_1009 = arith.index_cast %mul3A_985 : i32 to index
        %get3A_1010 = tpu.vector_load %arg8[%get3A_1008, %get3A_1009] {strides = array<i32>} : memref<8x1024xf32, #tpu.memory_space<vmem>>, vector<1x16xf32>,
        %get3A_1011 = vector.shape_cast %get3A_1010 : vector<1x16xf32> to vector<16xf32>
        %convert_element_type3A_1012 = arith.fptosi %get3A_1011 : vector<16xf32> to vector<16xi32>
        %xor3A_1013 = arith.xori %convert_element_type3A_990, %convert_element_type3A_1012 : vector<16xi32>
        %or3A_1014 = arith.ori %or3A_939, %xor3A_1013 : vector<16xi32>
        %get3A_1015 = arith.constant 3 : i32
        %get3A_1016 = arith.index_cast %get3A_1015 : i32 to index
        %get3A_1017 = arith.index_cast %mul3A_985 : i32 to index
        %get3A_1018 = tpu.vector_load %arg8[%get3A_1016, %get3A_1017] {strides = array<i32>} : memref<8x1024xf32, #tpu.memory_space<vmem>>, vector<1x16xf32>,
        %get3A_1019 = vector.shape_cast %get3A_1018 : vector<1x16xf32> to vector<16xf32>
        %convert_element_type3A_1020 = arith.fptosi %get3A_1019 : vector<16xf32> to vector<16xi32>
        %xor3A_1021 = arith.xori %convert_element_type3A_990, %convert_element_type3A_1020 : vector<16xi32>
        %or3A_1022 = arith.ori %or3A_947, %xor3A_1021 : vector<16xi32>
        %get3A_1023 = arith.constant 4 : i32
        %get3A_1024 = arith.index_cast %get3A_1023 : i32 to index
        %get3A_1025 = arith.index_cast %mul3A_985 : i32 to index
        %get3A_1026 = tpu.vector_load %arg8[%get3A_1024, %get3A_1025] {strides = array<i32>} : memref<8x1024xf32, #tpu.memory_space<vmem>>, vector<1x16xf32>,
        %get3A_1027 = vector.shape_cast %get3A_1026 : vector<1x16xf32> to vector<16xf32>
        %convert_element_type3A_1028 = arith.fptosi %get3A_1027 : vector<16xf32> to vector<16xi32>
        %xor3A_1029 = arith.xori %convert_element_type3A_990, %convert_element_type3A_1028 : vector<16xi32>
        %or3A_1030 = arith.ori %or3A_955, %xor3A_1029 : vector<16xi32>
        %get3A_1031 = arith.constant 5 : i32
        %get3A_1032 = arith.index_cast %get3A_1031 : i32 to index
        %get3A_1033 = arith.index_cast %mul3A_985 : i32 to index
        %get3A_1034 = tpu.vector_load %arg8[%get3A_1032, %get3A_1033] {strides = array<i32>} : memref<8x1024xf32, #tpu.memory_space<vmem>>, vector<1x16xf32>,
        %get3A_1035 = vector.shape_cast %get3A_1034 : vector<1x16xf32> to vector<16xf32>
        %convert_element_type3A_1036 = arith.fptosi %get3A_1035 : vector<16xf32> to vector<16xi32>
        %xor3A_1037 = arith.xori %convert_element_type3A_990, %convert_element_type3A_1036 : vector<16xi32>
        %or3A_1038 = arith.ori %or3A_963, %xor3A_1037 : vector<16xi32>
        %get3A_1039 = arith.constant 6 : i32
        %get3A_1040 = arith.index_cast %get3A_1039 : i32 to index
        %get3A_1041 = arith.index_cast %mul3A_985 : i32 to index
        %get3A_1042 = tpu.vector_load %arg8[%get3A_1040, %get3A_1041] {strides = array<i32>} : memref<8x1024xf32, #tpu.memory_space<vmem>>, vector<1x16xf32>,
        %get3A_1043 = vector.shape_cast %get3A_1042 : vector<1x16xf32> to vector<16xf32>
        %convert_element_type3A_1044 = arith.fptosi %get3A_1043 : vector<16xf32> to vector<16xi32>
        %xor3A_1045 = arith.xori %convert_element_type3A_990, %convert_element_type3A_1044 : vector<16xi32>
        %or3A_1046 = arith.ori %or3A_971, %xor3A_1045 : vector<16xi32>
        %get3A_1047 = arith.constant 7 : i32
        %get3A_1048 = arith.index_cast %get3A_1047 : i32 to index
        %get3A_1049 = arith.index_cast %mul3A_985 : i32 to index
        %get3A_1050 = tpu.vector_load %arg8[%get3A_1048, %get3A_1049] {strides = array<i32>} : memref<8x1024xf32, #tpu.memory_space<vmem>>, vector<1x16xf32>,
        %get3A_1051 = vector.shape_cast %get3A_1050 : vector<1x16xf32> to vector<16xf32>
        %convert_element_type3A_1052 = arith.fptosi %get3A_1051 : vector<16xf32> to vector<16xi32>
        %xor3A_1053 = arith.xori %convert_element_type3A_990, %convert_element_type3A_1052 : vector<16xi32>
        %or3A_1054 = arith.ori %or3A_979, %xor3A_1053 : vector<16xi32>
        %mul3A_1055 = arith.constant 4 : i32
        %mul3A_1056 = arith.muli %scan3A_821, %mul3A_1055 : i32
        %add3A_1057 = arith.constant 3 : i32
        %add3A_1058 = arith.addi %mul3A_1056, %add3A_1057 : i32
        %mul3A_1059 = arith.constant 16 : i32
        %mul3A_1060 = arith.muli %add3A_1058, %mul3A_1059 : i32
        %get3A_1061 = arith.index_cast %scan3A_28 : i32 to index
        %get3A_1062 = arith.index_cast %mul3A_1060 : i32 to index
        %get3A_1063 = tpu.vector_load %arg9[%get3A_1061, %get3A_1062] {strides = array<i32>} : memref<1x1024xf32, #tpu.memory_space<vmem>>, vector<1x16xf32>,
        %get3A_1064 = vector.shape_cast %get3A_1063 : vector<1x16xf32> to vector<16xf32>
        %convert_element_type3A_1065 = arith.fptosi %get3A_1064 : vector<16xf32> to vector<16xi32>
        %get3A_1066 = arith.constant 0 : i32
        %get3A_1067 = arith.index_cast %get3A_1066 : i32 to index
        %get3A_1068 = arith.index_cast %mul3A_1060 : i32 to index
        %get3A_1069 = tpu.vector_load %arg8[%get3A_1067, %get3A_1068] {strides = array<i32>} : memref<8x1024xf32, #tpu.memory_space<vmem>>, vector<1x16xf32>,
        %get3A_1070 = vector.shape_cast %get3A_1069 : vector<1x16xf32> to vector<16xf32>
        %convert_element_type3A_1071 = arith.fptosi %get3A_1070 : vector<16xf32> to vector<16xi32>
        %xor3A_1072 = arith.xori %convert_element_type3A_1065, %convert_element_type3A_1071 : vector<16xi32>
        %or3A_1073 = arith.ori %or3A_998, %xor3A_1072 : vector<16xi32>
        %get3A_1074 = arith.constant 1 : i32
        %get3A_1075 = arith.index_cast %get3A_1074 : i32 to index
        %get3A_1076 = arith.index_cast %mul3A_1060 : i32 to index
        %get3A_1077 = tpu.vector_load %arg8[%get3A_1075, %get3A_1076] {strides = array<i32>} : memref<8x1024xf32, #tpu.memory_space<vmem>>, vector<1x16xf32>,
        %get3A_1078 = vector.shape_cast %get3A_1077 : vector<1x16xf32> to vector<16xf32>
        %convert_element_type3A_1079 = arith.fptosi %get3A_1078 : vector<16xf32> to vector<16xi32>
        %xor3A_1080 = arith.xori %convert_element_type3A_1065, %convert_element_type3A_1079 : vector<16xi32>
        %or3A_1081 = arith.ori %or3A_1006, %xor3A_1080 : vector<16xi32>
        %get3A_1082 = arith.constant 2 : i32
        %get3A_1083 = arith.index_cast %get3A_1082 : i32 to index
        %get3A_1084 = arith.index_cast %mul3A_1060 : i32 to index
        %get3A_1085 = tpu.vector_load %arg8[%get3A_1083, %get3A_1084] {strides = array<i32>} : memref<8x1024xf32, #tpu.memory_space<vmem>>, vector<1x16xf32>,
        %get3A_1086 = vector.shape_cast %get3A_1085 : vector<1x16xf32> to vector<16xf32>
        %convert_element_type3A_1087 = arith.fptosi %get3A_1086 : vector<16xf32> to vector<16xi32>
        %xor3A_1088 = arith.xori %convert_element_type3A_1065, %convert_element_type3A_1087 : vector<16xi32>
        %or3A_1089 = arith.ori %or3A_1014, %xor3A_1088 : vector<16xi32>
        %get3A_1090 = arith.constant 3 : i32
        %get3A_1091 = arith.index_cast %get3A_1090 : i32 to index
        %get3A_1092 = arith.index_cast %mul3A_1060 : i32 to index
        %get3A_1093 = tpu.vector_load %arg8[%get3A_1091, %get3A_1092] {strides = array<i32>} : memref<8x1024xf32, #tpu.memory_space<vmem>>, vector<1x16xf32>,
        %get3A_1094 = vector.shape_cast %get3A_1093 : vector<1x16xf32> to vector<16xf32>
        %convert_element_type3A_1095 = arith.fptosi %get3A_1094 : vector<16xf32> to vector<16xi32>
        %xor3A_1096 = arith.xori %convert_element_type3A_1065, %convert_element_type3A_1095 : vector<16xi32>
        %or3A_1097 = arith.ori %or3A_1022, %xor3A_1096 : vector<16xi32>
        %get3A_1098 = arith.constant 4 : i32
        %get3A_1099 = arith.index_cast %get3A_1098 : i32 to index
        %get3A_1100 = arith.index_cast %mul3A_1060 : i32 to index
        %get3A_1101 = tpu.vector_load %arg8[%get3A_1099, %get3A_1100] {strides = array<i32>} : memref<8x1024xf32, #tpu.memory_space<vmem>>, vector<1x16xf32>,
        %get3A_1102 = vector.shape_cast %get3A_1101 : vector<1x16xf32> to vector<16xf32>
        %convert_element_type3A_1103 = arith.fptosi %get3A_1102 : vector<16xf32> to vector<16xi32>
        %xor3A_1104 = arith.xori %convert_element_type3A_1065, %convert_element_type3A_1103 : vector<16xi32>
        %or3A_1105 = arith.ori %or3A_1030, %xor3A_1104 : vector<16xi32>
        %get3A_1106 = arith.constant 5 : i32
        %get3A_1107 = arith.index_cast %get3A_1106 : i32 to index
        %get3A_1108 = arith.index_cast %mul3A_1060 : i32 to index
        %get3A_1109 = tpu.vector_load %arg8[%get3A_1107, %get3A_1108] {strides = array<i32>} : memref<8x1024xf32, #tpu.memory_space<vmem>>, vector<1x16xf32>,
        %get3A_1110 = vector.shape_cast %get3A_1109 : vector<1x16xf32> to vector<16xf32>
        %convert_element_type3A_1111 = arith.fptosi %get3A_1110 : vector<16xf32> to vector<16xi32>
        %xor3A_1112 = arith.xori %convert_element_type3A_1065, %convert_element_type3A_1111 : vector<16xi32>
        %or3A_1113 = arith.ori %or3A_1038, %xor3A_1112 : vector<16xi32>
        %get3A_1114 = arith.constant 6 : i32
        %get3A_1115 = arith.index_cast %get3A_1114 : i32 to index
        %get3A_1116 = arith.index_cast %mul3A_1060 : i32 to index
        %get3A_1117 = tpu.vector_load %arg8[%get3A_1115, %get3A_1116] {strides = array<i32>} : memref<8x1024xf32, #tpu.memory_space<vmem>>, vector<1x16xf32>,
        %get3A_1118 = vector.shape_cast %get3A_1117 : vector<1x16xf32> to vector<16xf32>
        %convert_element_type3A_1119 = arith.fptosi %get3A_1118 : vector<16xf32> to vector<16xi32>
        %xor3A_1120 = arith.xori %convert_element_type3A_1065, %convert_element_type3A_1119 : vector<16xi32>
        %or3A_1121 = arith.ori %or3A_1046, %xor3A_1120 : vector<16xi32>
        %get3A_1122 = arith.constant 7 : i32
        %get3A_1123 = arith.index_cast %get3A_1122 : i32 to index
        %get3A_1124 = arith.index_cast %mul3A_1060 : i32 to index
        %get3A_1125 = tpu.vector_load %arg8[%get3A_1123, %get3A_1124] {strides = array<i32>} : memref<8x1024xf32, #tpu.memory_space<vmem>>, vector<1x16xf32>,
        %get3A_1126 = vector.shape_cast %get3A_1125 : vector<1x16xf32> to vector<16xf32>
        %convert_element_type3A_1127 = arith.fptosi %get3A_1126 : vector<16xf32> to vector<16xi32>
        %xor3A_1128 = arith.xori %convert_element_type3A_1065, %convert_element_type3A_1127 : vector<16xi32>
        %or3A_1129 = arith.ori %or3A_1054, %xor3A_1128 : vector<16xi32>
        scf.yield %or3A_1073, %or3A_1081, %or3A_1089, %or3A_1097, %or3A_1105, %or3A_1113, %or3A_1121, %or3A_1129 : vector<16xi32>, vector<16xi32>, vector<16xi32>, vector<16xi32>, vector<16xi32>, vector<16xi32>, vector<16xi32>, vector<16xi32>
      }
      %scan3A_261 = arith.constant 16 : i32
      %mul3A_262 = arith.constant 1 : i32
      %mul3A_263 = arith.muli %scan3A_27, %mul3A_262 : i32
      %add3A_264 = arith.addi %mul3A_263, %scan3A_28 : i32
      %xor3A_265 = arith.constant 8 : i32
      %xor3A_266 = vector.broadcast %xor3A_265 : i32 to vector<16xi32>
      %xor3A_267 = arith.xori %iota3A, %xor3A_266 : vector<16xi32>
      %lt3A_268 = arith.constant 0 : i32
      %lt3A_269 = vector.broadcast %lt3A_268 : i32 to vector<16xi32>
      %lt3A_270 = arith.cmpi slt, %xor3A_267, %lt3A_269 : vector<16xi32>
      %add3A_271 = arith.constant 16 : i32
      %add3A_272 = vector.broadcast %add3A_271 : i32 to vector<16xi32>
      %add3A_273 = arith.addi %xor3A_267, %add3A_272 : vector<16xi32>
      %select_n3A_274 = arith.select %lt3A_270, %add3A_273, %xor3A_267 : vector<16xi1>, vector<16xi32>
      %broadcast_in_dim3A_275 = vector.shape_cast %select_n3A_274 : vector<16xi32> to vector<16x1xi32>
      %gather3A_276 = vector.shape_cast %broadcast_in_dim3A_275 : vector<16x1xi32> to vector<16xi32>
      %gather3A_277 = tpu.dynamic_gather %scan3A_260#0[%gather3A_276] in [0] : vector<16xi32>, vector<16xi32> -> vector<16xi32>
      %or3A_278 = arith.ori %scan3A_260#0, %gather3A_277 : vector<16xi32>
      %xor3A_279 = arith.constant 4 : i32
      %xor3A_280 = vector.broadcast %xor3A_279 : i32 to vector<16xi32>
      %xor3A_281 = arith.xori %iota3A, %xor3A_280 : vector<16xi32>
      %lt3A_282 = arith.constant 0 : i32
      %lt3A_283 = vector.broadcast %lt3A_282 : i32 to vector<16xi32>
      %lt3A_284 = arith.cmpi slt, %xor3A_281, %lt3A_283 : vector<16xi32>
      %add3A_285 = arith.constant 16 : i32
      %add3A_286 = vector.broadcast %add3A_285 : i32 to vector<16xi32>
      %add3A_287 = arith.addi %xor3A_281, %add3A_286 : vector<16xi32>
      %select_n3A_288 = arith.select %lt3A_284, %add3A_287, %xor3A_281 : vector<16xi1>, vector<16xi32>
      %broadcast_in_dim3A_289 = vector.shape_cast %select_n3A_288 : vector<16xi32> to vector<16x1xi32>
      %gather3A_290 = vector.shape_cast %broadcast_in_dim3A_289 : vector<16x1xi32> to vector<16xi32>
      %gather3A_291 = tpu.dynamic_gather %or3A_278[%gather3A_290] in [0] : vector<16xi32>, vector<16xi32> -> vector<16xi32>
      %or3A_292 = arith.ori %or3A_278, %gather3A_291 : vector<16xi32>
      %xor3A_293 = arith.constant 2 : i32
      %xor3A_294 = vector.broadcast %xor3A_293 : i32 to vector<16xi32>
      %xor3A_295 = arith.xori %iota3A, %xor3A_294 : vector<16xi32>
      %lt3A_296 = arith.constant 0 : i32
      %lt3A_297 = vector.broadcast %lt3A_296 : i32 to vector<16xi32>
      %lt3A_298 = arith.cmpi slt, %xor3A_295, %lt3A_297 : vector<16xi32>
      %add3A_299 = arith.constant 16 : i32
      %add3A_300 = vector.broadcast %add3A_299 : i32 to vector<16xi32>
      %add3A_301 = arith.addi %xor3A_295, %add3A_300 : vector<16xi32>
      %select_n3A_302 = arith.select %lt3A_298, %add3A_301, %xor3A_295 : vector<16xi1>, vector<16xi32>
      %broadcast_in_dim3A_303 = vector.shape_cast %select_n3A_302 : vector<16xi32> to vector<16x1xi32>
      %gather3A_304 = vector.shape_cast %broadcast_in_dim3A_303 : vector<16x1xi32> to vector<16xi32>
      %gather3A_305 = tpu.dynamic_gather %or3A_292[%gather3A_304] in [0] : vector<16xi32>, vector<16xi32> -> vector<16xi32>
      %or3A_306 = arith.ori %or3A_292, %gather3A_305 : vector<16xi32>
      %xor3A_307 = arith.constant 1 : i32
      %xor3A_308 = vector.broadcast %xor3A_307 : i32 to vector<16xi32>
      %xor3A_309 = arith.xori %iota3A, %xor3A_308 : vector<16xi32>
      %lt3A_310 = arith.constant 0 : i32
      %lt3A_311 = vector.broadcast %lt3A_310 : i32 to vector<16xi32>
      %lt3A_312 = arith.cmpi slt, %xor3A_309, %lt3A_311 : vector<16xi32>
      %add3A_313 = arith.constant 16 : i32
      %add3A_314 = vector.broadcast %add3A_313 : i32 to vector<16xi32>
      %add3A_315 = arith.addi %xor3A_309, %add3A_314 : vector<16xi32>
      %select_n3A_316 = arith.select %lt3A_312, %add3A_315, %xor3A_309 : vector<16xi1>, vector<16xi32>
      %broadcast_in_dim3A_317 = vector.shape_cast %select_n3A_316 : vector<16xi32> to vector<16x1xi32>
      %gather3A_318 = vector.shape_cast %broadcast_in_dim3A_317 : vector<16x1xi32> to vector<16xi32>
      %gather3A_319 = tpu.dynamic_gather %or3A_306[%gather3A_318] in [0] : vector<16xi32>, vector<16xi32> -> vector<16xi32>
      %or3A_320 = arith.ori %or3A_306, %gather3A_319 : vector<16xi32>
      %eq3A_321 = arith.constant 0 : i32
      %eq3A_322 = vector.broadcast %eq3A_321 : i32 to vector<16xi32>
      %eq3A_323 = arith.cmpi eq, %or3A_320, %eq3A_322 : vector<16xi32>
      %eq3A_324 = arith.constant 0 : i32
      %eq3A_325 = vector.broadcast %eq3A_324 : i32 to vector<16xi32>
      %eq3A_326 = arith.cmpi eq, %iota3A, %eq3A_325 : vector<16xi32>
      %lt3A_327 = arith.constant 0 : i32
      %lt3A_328 = vector.broadcast %lt3A_327 : i32 to vector<16xi32>
      %lt3A_329 = arith.cmpi slt, %get3A_30, %lt3A_328 : vector<16xi32>
      %and3A_330 = arith.andi %eq3A_326, %lt3A_329 : vector<16xi1>
      %and3A_331 = arith.andi %and3A_330, %eq3A_323 : vector<16xi1>
      %broadcast_in_dim3A_332 = vector.broadcast %add3A_264 : i32 to vector<16xi32>
      %select_n3A_333 = arith.select %and3A_331, %broadcast_in_dim3A_332, %get3A_30 : vector<16xi1>, vector<16xi32>
      %xor3A_334 = arith.constant 8 : i32
      %xor3A_335 = vector.broadcast %xor3A_334 : i32 to vector<16xi32>
      %xor3A_336 = arith.xori %iota3A, %xor3A_335 : vector<16xi32>
      %lt3A_337 = arith.constant 0 : i32
      %lt3A_338 = vector.broadcast %lt3A_337 : i32 to vector<16xi32>
      %lt3A_339 = arith.cmpi slt, %xor3A_336, %lt3A_338 : vector<16xi32>
      %add3A_340 = arith.constant 16 : i32
      %add3A_341 = vector.broadcast %add3A_340 : i32 to vector<16xi32>
      %add3A_342 = arith.addi %xor3A_336, %add3A_341 : vector<16xi32>
      %select_n3A_343 = arith.select %lt3A_339, %add3A_342, %xor3A_336 : vector<16xi1>, vector<16xi32>
      %broadcast_in_dim3A_344 = vector.shape_cast %select_n3A_343 : vector<16xi32> to vector<16x1xi32>
      %gather3A_345 = vector.shape_cast %broadcast_in_dim3A_344 : vector<16x1xi32> to vector<16xi32>
      %gather3A_346 = tpu.dynamic_gather %scan3A_260#1[%gather3A_345] in [0] : vector<16xi32>, vector<16xi32> -> vector<16xi32>
      %or3A_347 = arith.ori %scan3A_260#1, %gather3A_346 : vector<16xi32>
      %xor3A_348 = arith.constant 4 : i32
      %xor3A_349 = vector.broadcast %xor3A_348 : i32 to vector<16xi32>
      %xor3A_350 = arith.xori %iota3A, %xor3A_349 : vector<16xi32>
      %lt3A_351 = arith.constant 0 : i32
      %lt3A_352 = vector.broadcast %lt3A_351 : i32 to vector<16xi32>
      %lt3A_353 = arith.cmpi slt, %xor3A_350, %lt3A_352 : vector<16xi32>
      %add3A_354 = arith.constant 16 : i32
      %add3A_355 = vector.broadcast %add3A_354 : i32 to vector<16xi32>
      %add3A_356 = arith.addi %xor3A_350, %add3A_355 : vector<16xi32>
      %select_n3A_357 = arith.select %lt3A_353, %add3A_356, %xor3A_350 : vector<16xi1>, vector<16xi32>
      %broadcast_in_dim3A_358 = vector.shape_cast %select_n3A_357 : vector<16xi32> to vector<16x1xi32>
      %gather3A_359 = vector.shape_cast %broadcast_in_dim3A_358 : vector<16x1xi32> to vector<16xi32>
      %gather3A_360 = tpu.dynamic_gather %or3A_347[%gather3A_359] in [0] : vector<16xi32>, vector<16xi32> -> vector<16xi32>
      %or3A_361 = arith.ori %or3A_347, %gather3A_360 : vector<16xi32>
      %xor3A_362 = arith.constant 2 : i32
      %xor3A_363 = vector.broadcast %xor3A_362 : i32 to vector<16xi32>
      %xor3A_364 = arith.xori %iota3A, %xor3A_363 : vector<16xi32>
      %lt3A_365 = arith.constant 0 : i32
      %lt3A_366 = vector.broadcast %lt3A_365 : i32 to vector<16xi32>
      %lt3A_367 = arith.cmpi slt, %xor3A_364, %lt3A_366 : vector<16xi32>
      %add3A_368 = arith.constant 16 : i32
      %add3A_369 = vector.broadcast %add3A_368 : i32 to vector<16xi32>
      %add3A_370 = arith.addi %xor3A_364, %add3A_369 : vector<16xi32>
      %select_n3A_371 = arith.select %lt3A_367, %add3A_370, %xor3A_364 : vector<16xi1>, vector<16xi32>
      %broadcast_in_dim3A_372 = vector.shape_cast %select_n3A_371 : vector<16xi32> to vector<16x1xi32>
      %gather3A_373 = vector.shape_cast %broadcast_in_dim3A_372 : vector<16x1xi32> to vector<16xi32>
      %gather3A_374 = tpu.dynamic_gather %or3A_361[%gather3A_373] in [0] : vector<16xi32>, vector<16xi32> -> vector<16xi32>
      %or3A_375 = arith.ori %or3A_361, %gather3A_374 : vector<16xi32>
      %xor3A_376 = arith.constant 1 : i32
      %xor3A_377 = vector.broadcast %xor3A_376 : i32 to vector<16xi32>
      %xor3A_378 = arith.xori %iota3A, %xor3A_377 : vector<16xi32>
      %lt3A_379 = arith.constant 0 : i32
      %lt3A_380 = vector.broadcast %lt3A_379 : i32 to vector<16xi32>
      %lt3A_381 = arith.cmpi slt, %xor3A_378, %lt3A_380 : vector<16xi32>
      %add3A_382 = arith.constant 16 : i32
      %add3A_383 = vector.broadcast %add3A_382 : i32 to vector<16xi32>
      %add3A_384 = arith.addi %xor3A_378, %add3A_383 : vector<16xi32>
      %select_n3A_385 = arith.select %lt3A_381, %add3A_384, %xor3A_378 : vector<16xi1>, vector<16xi32>
      %broadcast_in_dim3A_386 = vector.shape_cast %select_n3A_385 : vector<16xi32> to vector<16x1xi32>
      %gather3A_387 = vector.shape_cast %broadcast_in_dim3A_386 : vector<16x1xi32> to vector<16xi32>
      %gather3A_388 = tpu.dynamic_gather %or3A_375[%gather3A_387] in [0] : vector<16xi32>, vector<16xi32> -> vector<16xi32>
      %or3A_389 = arith.ori %or3A_375, %gather3A_388 : vector<16xi32>
      %eq3A_390 = arith.constant 0 : i32
      %eq3A_391 = vector.broadcast %eq3A_390 : i32 to vector<16xi32>
      %eq3A_392 = arith.cmpi eq, %or3A_389, %eq3A_391 : vector<16xi32>
      %eq3A_393 = arith.constant 1 : i32
      %eq3A_394 = vector.broadcast %eq3A_393 : i32 to vector<16xi32>
      %eq3A_395 = arith.cmpi eq, %iota3A, %eq3A_394 : vector<16xi32>
      %lt3A_396 = arith.constant 0 : i32
      %lt3A_397 = vector.broadcast %lt3A_396 : i32 to vector<16xi32>
      %lt3A_398 = arith.cmpi slt, %select_n3A_333, %lt3A_397 : vector<16xi32>
      %and3A_399 = arith.andi %eq3A_395, %lt3A_398 : vector<16xi1>
      %and3A_400 = arith.andi %and3A_399, %eq3A_392 : vector<16xi1>
      %broadcast_in_dim3A_401 = vector.broadcast %add3A_264 : i32 to vector<16xi32>
      %select_n3A_402 = arith.select %and3A_400, %broadcast_in_dim3A_401, %select_n3A_333 : vector<16xi1>, vector<16xi32>
      %xor3A_403 = arith.constant 8 : i32
      %xor3A_404 = vector.broadcast %xor3A_403 : i32 to vector<16xi32>
      %xor3A_405 = arith.xori %iota3A, %xor3A_404 : vector<16xi32>
      %lt3A_406 = arith.constant 0 : i32
      %lt3A_407 = vector.broadcast %lt3A_406 : i32 to vector<16xi32>
      %lt3A_408 = arith.cmpi slt, %xor3A_405, %lt3A_407 : vector<16xi32>
      %add3A_409 = arith.constant 16 : i32
      %add3A_410 = vector.broadcast %add3A_409 : i32 to vector<16xi32>
      %add3A_411 = arith.addi %xor3A_405, %add3A_410 : vector<16xi32>
      %select_n3A_412 = arith.select %lt3A_408, %add3A_411, %xor3A_405 : vector<16xi1>, vector<16xi32>
      %broadcast_in_dim3A_413 = vector.shape_cast %select_n3A_412 : vector<16xi32> to vector<16x1xi32>
      %gather3A_414 = vector.shape_cast %broadcast_in_dim3A_413 : vector<16x1xi32> to vector<16xi32>
      %gather3A_415 = tpu.dynamic_gather %scan3A_260#2[%gather3A_414] in [0] : vector<16xi32>, vector<16xi32> -> vector<16xi32>
      %or3A_416 = arith.ori %scan3A_260#2, %gather3A_415 : vector<16xi32>
      %xor3A_417 = arith.constant 4 : i32
      %xor3A_418 = vector.broadcast %xor3A_417 : i32 to vector<16xi32>
      %xor3A_419 = arith.xori %iota3A, %xor3A_418 : vector<16xi32>
      %lt3A_420 = arith.constant 0 : i32
      %lt3A_421 = vector.broadcast %lt3A_420 : i32 to vector<16xi32>
      %lt3A_422 = arith.cmpi slt, %xor3A_419, %lt3A_421 : vector<16xi32>
      %add3A_423 = arith.constant 16 : i32
      %add3A_424 = vector.broadcast %add3A_423 : i32 to vector<16xi32>
      %add3A_425 = arith.addi %xor3A_419, %add3A_424 : vector<16xi32>
      %select_n3A_426 = arith.select %lt3A_422, %add3A_425, %xor3A_419 : vector<16xi1>, vector<16xi32>
      %broadcast_in_dim3A_427 = vector.shape_cast %select_n3A_426 : vector<16xi32> to vector<16x1xi32>
      %gather3A_428 = vector.shape_cast %broadcast_in_dim3A_427 : vector<16x1xi32> to vector<16xi32>
      %gather3A_429 = tpu.dynamic_gather %or3A_416[%gather3A_428] in [0] : vector<16xi32>, vector<16xi32> -> vector<16xi32>
      %or3A_430 = arith.ori %or3A_416, %gather3A_429 : vector<16xi32>
      %xor3A_431 = arith.constant 2 : i32
      %xor3A_432 = vector.broadcast %xor3A_431 : i32 to vector<16xi32>
      %xor3A_433 = arith.xori %iota3A, %xor3A_432 : vector<16xi32>
      %lt3A_434 = arith.constant 0 : i32
      %lt3A_435 = vector.broadcast %lt3A_434 : i32 to vector<16xi32>
      %lt3A_436 = arith.cmpi slt, %xor3A_433, %lt3A_435 : vector<16xi32>
      %add3A_437 = arith.constant 16 : i32
      %add3A_438 = vector.broadcast %add3A_437 : i32 to vector<16xi32>
      %add3A_439 = arith.addi %xor3A_433, %add3A_438 : vector<16xi32>
      %select_n3A_440 = arith.select %lt3A_436, %add3A_439, %xor3A_433 : vector<16xi1>, vector<16xi32>
      %broadcast_in_dim3A_441 = vector.shape_cast %select_n3A_440 : vector<16xi32> to vector<16x1xi32>
      %gather3A_442 = vector.shape_cast %broadcast_in_dim3A_441 : vector<16x1xi32> to vector<16xi32>
      %gather3A_443 = tpu.dynamic_gather %or3A_430[%gather3A_442] in [0] : vector<16xi32>, vector<16xi32> -> vector<16xi32>
      %or3A_444 = arith.ori %or3A_430, %gather3A_443 : vector<16xi32>
      %xor3A_445 = arith.constant 1 : i32
      %xor3A_446 = vector.broadcast %xor3A_445 : i32 to vector<16xi32>
      %xor3A_447 = arith.xori %iota3A, %xor3A_446 : vector<16xi32>
      %lt3A_448 = arith.constant 0 : i32
      %lt3A_449 = vector.broadcast %lt3A_448 : i32 to vector<16xi32>
      %lt3A_450 = arith.cmpi slt, %xor3A_447, %lt3A_449 : vector<16xi32>
      %add3A_451 = arith.constant 16 : i32
      %add3A_452 = vector.broadcast %add3A_451 : i32 to vector<16xi32>
      %add3A_453 = arith.addi %xor3A_447, %add3A_452 : vector<16xi32>
      %select_n3A_454 = arith.select %lt3A_450, %add3A_453, %xor3A_447 : vector<16xi1>, vector<16xi32>
      %broadcast_in_dim3A_455 = vector.shape_cast %select_n3A_454 : vector<16xi32> to vector<16x1xi32>
      %gather3A_456 = vector.shape_cast %broadcast_in_dim3A_455 : vector<16x1xi32> to vector<16xi32>
      %gather3A_457 = tpu.dynamic_gather %or3A_444[%gather3A_456] in [0] : vector<16xi32>, vector<16xi32> -> vector<16xi32>
      %or3A_458 = arith.ori %or3A_444, %gather3A_457 : vector<16xi32>
      %eq3A_459 = arith.constant 0 : i32
      %eq3A_460 = vector.broadcast %eq3A_459 : i32 to vector<16xi32>
      %eq3A_461 = arith.cmpi eq, %or3A_458, %eq3A_460 : vector<16xi32>
      %eq3A_462 = arith.constant 2 : i32
      %eq3A_463 = vector.broadcast %eq3A_462 : i32 to vector<16xi32>
      %eq3A_464 = arith.cmpi eq, %iota3A, %eq3A_463 : vector<16xi32>
      %lt3A_465 = arith.constant 0 : i32
      %lt3A_466 = vector.broadcast %lt3A_465 : i32 to vector<16xi32>
      %lt3A_467 = arith.cmpi slt, %select_n3A_402, %lt3A_466 : vector<16xi32>
      %and3A_468 = arith.andi %eq3A_464, %lt3A_467 : vector<16xi1>
      %and3A_469 = arith.andi %and3A_468, %eq3A_461 : vector<16xi1>
      %broadcast_in_dim3A_470 = vector.broadcast %add3A_264 : i32 to vector<16xi32>
      %select_n3A_471 = arith.select %and3A_469, %broadcast_in_dim3A_470, %select_n3A_402 : vector<16xi1>, vector<16xi32>
      %xor3A_472 = arith.constant 8 : i32
      %xor3A_473 = vector.broadcast %xor3A_472 : i32 to vector<16xi32>
      %xor3A_474 = arith.xori %iota3A, %xor3A_473 : vector<16xi32>
      %lt3A_475 = arith.constant 0 : i32
      %lt3A_476 = vector.broadcast %lt3A_475 : i32 to vector<16xi32>
      %lt3A_477 = arith.cmpi slt, %xor3A_474, %lt3A_476 : vector<16xi32>
      %add3A_478 = arith.constant 16 : i32
      %add3A_479 = vector.broadcast %add3A_478 : i32 to vector<16xi32>
      %add3A_480 = arith.addi %xor3A_474, %add3A_479 : vector<16xi32>
      %select_n3A_481 = arith.select %lt3A_477, %add3A_480, %xor3A_474 : vector<16xi1>, vector<16xi32>
      %broadcast_in_dim3A_482 = vector.shape_cast %select_n3A_481 : vector<16xi32> to vector<16x1xi32>
      %gather3A_483 = vector.shape_cast %broadcast_in_dim3A_482 : vector<16x1xi32> to vector<16xi32>
      %gather3A_484 = tpu.dynamic_gather %scan3A_260#3[%gather3A_483] in [0] : vector<16xi32>, vector<16xi32> -> vector<16xi32>
      %or3A_485 = arith.ori %scan3A_260#3, %gather3A_484 : vector<16xi32>
      %xor3A_486 = arith.constant 4 : i32
      %xor3A_487 = vector.broadcast %xor3A_486 : i32 to vector<16xi32>
      %xor3A_488 = arith.xori %iota3A, %xor3A_487 : vector<16xi32>
      %lt3A_489 = arith.constant 0 : i32
      %lt3A_490 = vector.broadcast %lt3A_489 : i32 to vector<16xi32>
      %lt3A_491 = arith.cmpi slt, %xor3A_488, %lt3A_490 : vector<16xi32>
      %add3A_492 = arith.constant 16 : i32
      %add3A_493 = vector.broadcast %add3A_492 : i32 to vector<16xi32>
      %add3A_494 = arith.addi %xor3A_488, %add3A_493 : vector<16xi32>
      %select_n3A_495 = arith.select %lt3A_491, %add3A_494, %xor3A_488 : vector<16xi1>, vector<16xi32>
      %broadcast_in_dim3A_496 = vector.shape_cast %select_n3A_495 : vector<16xi32> to vector<16x1xi32>
      %gather3A_497 = vector.shape_cast %broadcast_in_dim3A_496 : vector<16x1xi32> to vector<16xi32>
      %gather3A_498 = tpu.dynamic_gather %or3A_485[%gather3A_497] in [0] : vector<16xi32>, vector<16xi32> -> vector<16xi32>
      %or3A_499 = arith.ori %or3A_485, %gather3A_498 : vector<16xi32>
      %xor3A_500 = arith.constant 2 : i32
      %xor3A_501 = vector.broadcast %xor3A_500 : i32 to vector<16xi32>
      %xor3A_502 = arith.xori %iota3A, %xor3A_501 : vector<16xi32>
      %lt3A_503 = arith.constant 0 : i32
      %lt3A_504 = vector.broadcast %lt3A_503 : i32 to vector<16xi32>
      %lt3A_505 = arith.cmpi slt, %xor3A_502, %lt3A_504 : vector<16xi32>
      %add3A_506 = arith.constant 16 : i32
      %add3A_507 = vector.broadcast %add3A_506 : i32 to vector<16xi32>
      %add3A_508 = arith.addi %xor3A_502, %add3A_507 : vector<16xi32>
      %select_n3A_509 = arith.select %lt3A_505, %add3A_508, %xor3A_502 : vector<16xi1>, vector<16xi32>
      %broadcast_in_dim3A_510 = vector.shape_cast %select_n3A_509 : vector<16xi32> to vector<16x1xi32>
      %gather3A_511 = vector.shape_cast %broadcast_in_dim3A_510 : vector<16x1xi32> to vector<16xi32>
      %gather3A_512 = tpu.dynamic_gather %or3A_499[%gather3A_511] in [0] : vector<16xi32>, vector<16xi32> -> vector<16xi32>
      %or3A_513 = arith.ori %or3A_499, %gather3A_512 : vector<16xi32>
      %xor3A_514 = arith.constant 1 : i32
      %xor3A_515 = vector.broadcast %xor3A_514 : i32 to vector<16xi32>
      %xor3A_516 = arith.xori %iota3A, %xor3A_515 : vector<16xi32>
      %lt3A_517 = arith.constant 0 : i32
      %lt3A_518 = vector.broadcast %lt3A_517 : i32 to vector<16xi32>
      %lt3A_519 = arith.cmpi slt, %xor3A_516, %lt3A_518 : vector<16xi32>
      %add3A_520 = arith.constant 16 : i32
      %add3A_521 = vector.broadcast %add3A_520 : i32 to vector<16xi32>
      %add3A_522 = arith.addi %xor3A_516, %add3A_521 : vector<16xi32>
      %select_n3A_523 = arith.select %lt3A_519, %add3A_522, %xor3A_516 : vector<16xi1>, vector<16xi32>
      %broadcast_in_dim3A_524 = vector.shape_cast %select_n3A_523 : vector<16xi32> to vector<16x1xi32>
      %gather3A_525 = vector.shape_cast %broadcast_in_dim3A_524 : vector<16x1xi32> to vector<16xi32>
      %gather3A_526 = tpu.dynamic_gather %or3A_513[%gather3A_525] in [0] : vector<16xi32>, vector<16xi32> -> vector<16xi32>
      %or3A_527 = arith.ori %or3A_513, %gather3A_526 : vector<16xi32>
      %eq3A_528 = arith.constant 0 : i32
      %eq3A_529 = vector.broadcast %eq3A_528 : i32 to vector<16xi32>
      %eq3A_530 = arith.cmpi eq, %or3A_527, %eq3A_529 : vector<16xi32>
      %eq3A_531 = arith.constant 3 : i32
      %eq3A_532 = vector.broadcast %eq3A_531 : i32 to vector<16xi32>
      %eq3A_533 = arith.cmpi eq, %iota3A, %eq3A_532 : vector<16xi32>
      %lt3A_534 = arith.constant 0 : i32
      %lt3A_535 = vector.broadcast %lt3A_534 : i32 to vector<16xi32>
      %lt3A_536 = arith.cmpi slt, %select_n3A_471, %lt3A_535 : vector<16xi32>
      %and3A_537 = arith.andi %eq3A_533, %lt3A_536 : vector<16xi1>
      %and3A_538 = arith.andi %and3A_537, %eq3A_530 : vector<16xi1>
      %broadcast_in_dim3A_539 = vector.broadcast %add3A_264 : i32 to vector<16xi32>
      %select_n3A_540 = arith.select %and3A_538, %broadcast_in_dim3A_539, %select_n3A_471 : vector<16xi1>, vector<16xi32>
      %xor3A_541 = arith.constant 8 : i32
      %xor3A_542 = vector.broadcast %xor3A_541 : i32 to vector<16xi32>
      %xor3A_543 = arith.xori %iota3A, %xor3A_542 : vector<16xi32>
      %lt3A_544 = arith.constant 0 : i32
      %lt3A_545 = vector.broadcast %lt3A_544 : i32 to vector<16xi32>
      %lt3A_546 = arith.cmpi slt, %xor3A_543, %lt3A_545 : vector<16xi32>
      %add3A_547 = arith.constant 16 : i32
      %add3A_548 = vector.broadcast %add3A_547 : i32 to vector<16xi32>
      %add3A_549 = arith.addi %xor3A_543, %add3A_548 : vector<16xi32>
      %select_n3A_550 = arith.select %lt3A_546, %add3A_549, %xor3A_543 : vector<16xi1>, vector<16xi32>
      %broadcast_in_dim3A_551 = vector.shape_cast %select_n3A_550 : vector<16xi32> to vector<16x1xi32>
      %gather3A_552 = vector.shape_cast %broadcast_in_dim3A_551 : vector<16x1xi32> to vector<16xi32>
      %gather3A_553 = tpu.dynamic_gather %scan3A_260#4[%gather3A_552] in [0] : vector<16xi32>, vector<16xi32> -> vector<16xi32>
      %or3A_554 = arith.ori %scan3A_260#4, %gather3A_553 : vector<16xi32>
      %xor3A_555 = arith.constant 4 : i32
      %xor3A_556 = vector.broadcast %xor3A_555 : i32 to vector<16xi32>
      %xor3A_557 = arith.xori %iota3A, %xor3A_556 : vector<16xi32>
      %lt3A_558 = arith.constant 0 : i32
      %lt3A_559 = vector.broadcast %lt3A_558 : i32 to vector<16xi32>
      %lt3A_560 = arith.cmpi slt, %xor3A_557, %lt3A_559 : vector<16xi32>
      %add3A_561 = arith.constant 16 : i32
      %add3A_562 = vector.broadcast %add3A_561 : i32 to vector<16xi32>
      %add3A_563 = arith.addi %xor3A_557, %add3A_562 : vector<16xi32>
      %select_n3A_564 = arith.select %lt3A_560, %add3A_563, %xor3A_557 : vector<16xi1>, vector<16xi32>
      %broadcast_in_dim3A_565 = vector.shape_cast %select_n3A_564 : vector<16xi32> to vector<16x1xi32>
      %gather3A_566 = vector.shape_cast %broadcast_in_dim3A_565 : vector<16x1xi32> to vector<16xi32>
      %gather3A_567 = tpu.dynamic_gather %or3A_554[%gather3A_566] in [0] : vector<16xi32>, vector<16xi32> -> vector<16xi32>
      %or3A_568 = arith.ori %or3A_554, %gather3A_567 : vector<16xi32>
      %xor3A_569 = arith.constant 2 : i32
      %xor3A_570 = vector.broadcast %xor3A_569 : i32 to vector<16xi32>
      %xor3A_571 = arith.xori %iota3A, %xor3A_570 : vector<16xi32>
      %lt3A_572 = arith.constant 0 : i32
      %lt3A_573 = vector.broadcast %lt3A_572 : i32 to vector<16xi32>
      %lt3A_574 = arith.cmpi slt, %xor3A_571, %lt3A_573 : vector<16xi32>
      %add3A_575 = arith.constant 16 : i32
      %add3A_576 = vector.broadcast %add3A_575 : i32 to vector<16xi32>
      %add3A_577 = arith.addi %xor3A_571, %add3A_576 : vector<16xi32>
      %select_n3A_578 = arith.select %lt3A_574, %add3A_577, %xor3A_571 : vector<16xi1>, vector<16xi32>
      %broadcast_in_dim3A_579 = vector.shape_cast %select_n3A_578 : vector<16xi32> to vector<16x1xi32>
      %gather3A_580 = vector.shape_cast %broadcast_in_dim3A_579 : vector<16x1xi32> to vector<16xi32>
      %gather3A_581 = tpu.dynamic_gather %or3A_568[%gather3A_580] in [0] : vector<16xi32>, vector<16xi32> -> vector<16xi32>
      %or3A_582 = arith.ori %or3A_568, %gather3A_581 : vector<16xi32>
      %xor3A_583 = arith.constant 1 : i32
      %xor3A_584 = vector.broadcast %xor3A_583 : i32 to vector<16xi32>
      %xor3A_585 = arith.xori %iota3A, %xor3A_584 : vector<16xi32>
      %lt3A_586 = arith.constant 0 : i32
      %lt3A_587 = vector.broadcast %lt3A_586 : i32 to vector<16xi32>
      %lt3A_588 = arith.cmpi slt, %xor3A_585, %lt3A_587 : vector<16xi32>
      %add3A_589 = arith.constant 16 : i32
      %add3A_590 = vector.broadcast %add3A_589 : i32 to vector<16xi32>
      %add3A_591 = arith.addi %xor3A_585, %add3A_590 : vector<16xi32>
      %select_n3A_592 = arith.select %lt3A_588, %add3A_591, %xor3A_585 : vector<16xi1>, vector<16xi32>
      %broadcast_in_dim3A_593 = vector.shape_cast %select_n3A_592 : vector<16xi32> to vector<16x1xi32>
      %gather3A_594 = vector.shape_cast %broadcast_in_dim3A_593 : vector<16x1xi32> to vector<16xi32>
      %gather3A_595 = tpu.dynamic_gather %or3A_582[%gather3A_594] in [0] : vector<16xi32>, vector<16xi32> -> vector<16xi32>
      %or3A_596 = arith.ori %or3A_582, %gather3A_595 : vector<16xi32>
      %eq3A_597 = arith.constant 0 : i32
      %eq3A_598 = vector.broadcast %eq3A_597 : i32 to vector<16xi32>
      %eq3A_599 = arith.cmpi eq, %or3A_596, %eq3A_598 : vector<16xi32>
      %eq3A_600 = arith.constant 4 : i32
      %eq3A_601 = vector.broadcast %eq3A_600 : i32 to vector<16xi32>
      %eq3A_602 = arith.cmpi eq, %iota3A, %eq3A_601 : vector<16xi32>
      %lt3A_603 = arith.constant 0 : i32
      %lt3A_604 = vector.broadcast %lt3A_603 : i32 to vector<16xi32>
      %lt3A_605 = arith.cmpi slt, %select_n3A_540, %lt3A_604 : vector<16xi32>
      %and3A_606 = arith.andi %eq3A_602, %lt3A_605 : vector<16xi1>
      %and3A_607 = arith.andi %and3A_606, %eq3A_599 : vector<16xi1>
      %broadcast_in_dim3A_608 = vector.broadcast %add3A_264 : i32 to vector<16xi32>
      %select_n3A_609 = arith.select %and3A_607, %broadcast_in_dim3A_608, %select_n3A_540 : vector<16xi1>, vector<16xi32>
      %xor3A_610 = arith.constant 8 : i32
      %xor3A_611 = vector.broadcast %xor3A_610 : i32 to vector<16xi32>
      %xor3A_612 = arith.xori %iota3A, %xor3A_611 : vector<16xi32>
      %lt3A_613 = arith.constant 0 : i32
      %lt3A_614 = vector.broadcast %lt3A_613 : i32 to vector<16xi32>
      %lt3A_615 = arith.cmpi slt, %xor3A_612, %lt3A_614 : vector<16xi32>
      %add3A_616 = arith.constant 16 : i32
      %add3A_617 = vector.broadcast %add3A_616 : i32 to vector<16xi32>
      %add3A_618 = arith.addi %xor3A_612, %add3A_617 : vector<16xi32>
      %select_n3A_619 = arith.select %lt3A_615, %add3A_618, %xor3A_612 : vector<16xi1>, vector<16xi32>
      %broadcast_in_dim3A_620 = vector.shape_cast %select_n3A_619 : vector<16xi32> to vector<16x1xi32>
      %gather3A_621 = vector.shape_cast %broadcast_in_dim3A_620 : vector<16x1xi32> to vector<16xi32>
      %gather3A_622 = tpu.dynamic_gather %scan3A_260#5[%gather3A_621] in [0] : vector<16xi32>, vector<16xi32> -> vector<16xi32>
      %or3A_623 = arith.ori %scan3A_260#5, %gather3A_622 : vector<16xi32>
      %xor3A_624 = arith.constant 4 : i32
      %xor3A_625 = vector.broadcast %xor3A_624 : i32 to vector<16xi32>
      %xor3A_626 = arith.xori %iota3A, %xor3A_625 : vector<16xi32>
      %lt3A_627 = arith.constant 0 : i32
      %lt3A_628 = vector.broadcast %lt3A_627 : i32 to vector<16xi32>
      %lt3A_629 = arith.cmpi slt, %xor3A_626, %lt3A_628 : vector<16xi32>
      %add3A_630 = arith.constant 16 : i32
      %add3A_631 = vector.broadcast %add3A_630 : i32 to vector<16xi32>
      %add3A_632 = arith.addi %xor3A_626, %add3A_631 : vector<16xi32>
      %select_n3A_633 = arith.select %lt3A_629, %add3A_632, %xor3A_626 : vector<16xi1>, vector<16xi32>
      %broadcast_in_dim3A_634 = vector.shape_cast %select_n3A_633 : vector<16xi32> to vector<16x1xi32>
      %gather3A_635 = vector.shape_cast %broadcast_in_dim3A_634 : vector<16x1xi32> to vector<16xi32>
      %gather3A_636 = tpu.dynamic_gather %or3A_623[%gather3A_635] in [0] : vector<16xi32>, vector<16xi32> -> vector<16xi32>
      %or3A_637 = arith.ori %or3A_623, %gather3A_636 : vector<16xi32>
      %xor3A_638 = arith.constant 2 : i32
      %xor3A_639 = vector.broadcast %xor3A_638 : i32 to vector<16xi32>
      %xor3A_640 = arith.xori %iota3A, %xor3A_639 : vector<16xi32>
      %lt3A_641 = arith.constant 0 : i32
      %lt3A_642 = vector.broadcast %lt3A_641 : i32 to vector<16xi32>
      %lt3A_643 = arith.cmpi slt, %xor3A_640, %lt3A_642 : vector<16xi32>
      %add3A_644 = arith.constant 16 : i32
      %add3A_645 = vector.broadcast %add3A_644 : i32 to vector<16xi32>
      %add3A_646 = arith.addi %xor3A_640, %add3A_645 : vector<16xi32>
      %select_n3A_647 = arith.select %lt3A_643, %add3A_646, %xor3A_640 : vector<16xi1>, vector<16xi32>
      %broadcast_in_dim3A_648 = vector.shape_cast %select_n3A_647 : vector<16xi32> to vector<16x1xi32>
      %gather3A_649 = vector.shape_cast %broadcast_in_dim3A_648 : vector<16x1xi32> to vector<16xi32>
      %gather3A_650 = tpu.dynamic_gather %or3A_637[%gather3A_649] in [0] : vector<16xi32>, vector<16xi32> -> vector<16xi32>
      %or3A_651 = arith.ori %or3A_637, %gather3A_650 : vector<16xi32>
      %xor3A_652 = arith.constant 1 : i32
      %xor3A_653 = vector.broadcast %xor3A_652 : i32 to vector<16xi32>
      %xor3A_654 = arith.xori %iota3A, %xor3A_653 : vector<16xi32>
      %lt3A_655 = arith.constant 0 : i32
      %lt3A_656 = vector.broadcast %lt3A_655 : i32 to vector<16xi32>
      %lt3A_657 = arith.cmpi slt, %xor3A_654, %lt3A_656 : vector<16xi32>
      %add3A_658 = arith.constant 16 : i32
      %add3A_659 = vector.broadcast %add3A_658 : i32 to vector<16xi32>
      %add3A_660 = arith.addi %xor3A_654, %add3A_659 : vector<16xi32>
      %select_n3A_661 = arith.select %lt3A_657, %add3A_660, %xor3A_654 : vector<16xi1>, vector<16xi32>
      %broadcast_in_dim3A_662 = vector.shape_cast %select_n3A_661 : vector<16xi32> to vector<16x1xi32>
      %gather3A_663 = vector.shape_cast %broadcast_in_dim3A_662 : vector<16x1xi32> to vector<16xi32>
      %gather3A_664 = tpu.dynamic_gather %or3A_651[%gather3A_663] in [0] : vector<16xi32>, vector<16xi32> -> vector<16xi32>
      %or3A_665 = arith.ori %or3A_651, %gather3A_664 : vector<16xi32>
      %eq3A_666 = arith.constant 0 : i32
      %eq3A_667 = vector.broadcast %eq3A_666 : i32 to vector<16xi32>
      %eq3A_668 = arith.cmpi eq, %or3A_665, %eq3A_667 : vector<16xi32>
      %eq3A_669 = arith.constant 5 : i32
      %eq3A_670 = vector.broadcast %eq3A_669 : i32 to vector<16xi32>
      %eq3A_671 = arith.cmpi eq, %iota3A, %eq3A_670 : vector<16xi32>
      %lt3A_672 = arith.constant 0 : i32
      %lt3A_673 = vector.broadcast %lt3A_672 : i32 to vector<16xi32>
      %lt3A_674 = arith.cmpi slt, %select_n3A_609, %lt3A_673 : vector<16xi32>
      %and3A_675 = arith.andi %eq3A_671, %lt3A_674 : vector<16xi1>
      %and3A_676 = arith.andi %and3A_675, %eq3A_668 : vector<16xi1>
      %broadcast_in_dim3A_677 = vector.broadcast %add3A_264 : i32 to vector<16xi32>
      %select_n3A_678 = arith.select %and3A_676, %broadcast_in_dim3A_677, %select_n3A_609 : vector<16xi1>, vector<16xi32>
      %xor3A_679 = arith.constant 8 : i32
      %xor3A_680 = vector.broadcast %xor3A_679 : i32 to vector<16xi32>
      %xor3A_681 = arith.xori %iota3A, %xor3A_680 : vector<16xi32>
      %lt3A_682 = arith.constant 0 : i32
      %lt3A_683 = vector.broadcast %lt3A_682 : i32 to vector<16xi32>
      %lt3A_684 = arith.cmpi slt, %xor3A_681, %lt3A_683 : vector<16xi32>
      %add3A_685 = arith.constant 16 : i32
      %add3A_686 = vector.broadcast %add3A_685 : i32 to vector<16xi32>
      %add3A_687 = arith.addi %xor3A_681, %add3A_686 : vector<16xi32>
      %select_n3A_688 = arith.select %lt3A_684, %add3A_687, %xor3A_681 : vector<16xi1>, vector<16xi32>
      %broadcast_in_dim3A_689 = vector.shape_cast %select_n3A_688 : vector<16xi32> to vector<16x1xi32>
      %gather3A_690 = vector.shape_cast %broadcast_in_dim3A_689 : vector<16x1xi32> to vector<16xi32>
      %gather3A_691 = tpu.dynamic_gather %scan3A_260#6[%gather3A_690] in [0] : vector<16xi32>, vector<16xi32> -> vector<16xi32>
      %or3A_692 = arith.ori %scan3A_260#6, %gather3A_691 : vector<16xi32>
      %xor3A_693 = arith.constant 4 : i32
      %xor3A_694 = vector.broadcast %xor3A_693 : i32 to vector<16xi32>
      %xor3A_695 = arith.xori %iota3A, %xor3A_694 : vector<16xi32>
      %lt3A_696 = arith.constant 0 : i32
      %lt3A_697 = vector.broadcast %lt3A_696 : i32 to vector<16xi32>
      %lt3A_698 = arith.cmpi slt, %xor3A_695, %lt3A_697 : vector<16xi32>
      %add3A_699 = arith.constant 16 : i32
      %add3A_700 = vector.broadcast %add3A_699 : i32 to vector<16xi32>
      %add3A_701 = arith.addi %xor3A_695, %add3A_700 : vector<16xi32>
      %select_n3A_702 = arith.select %lt3A_698, %add3A_701, %xor3A_695 : vector<16xi1>, vector<16xi32>
      %broadcast_in_dim3A_703 = vector.shape_cast %select_n3A_702 : vector<16xi32> to vector<16x1xi32>
      %gather3A_704 = vector.shape_cast %broadcast_in_dim3A_703 : vector<16x1xi32> to vector<16xi32>
      %gather3A_705 = tpu.dynamic_gather %or3A_692[%gather3A_704] in [0] : vector<16xi32>, vector<16xi32> -> vector<16xi32>
      %or3A_706 = arith.ori %or3A_692, %gather3A_705 : vector<16xi32>
      %xor3A_707 = arith.constant 2 : i32
      %xor3A_708 = vector.broadcast %xor3A_707 : i32 to vector<16xi32>
      %xor3A_709 = arith.xori %iota3A, %xor3A_708 : vector<16xi32>
      %lt3A_710 = arith.constant 0 : i32
      %lt3A_711 = vector.broadcast %lt3A_710 : i32 to vector<16xi32>
      %lt3A_712 = arith.cmpi slt, %xor3A_709, %lt3A_711 : vector<16xi32>
      %add3A_713 = arith.constant 16 : i32
      %add3A_714 = vector.broadcast %add3A_713 : i32 to vector<16xi32>
      %add3A_715 = arith.addi %xor3A_709, %add3A_714 : vector<16xi32>
      %select_n3A_716 = arith.select %lt3A_712, %add3A_715, %xor3A_709 : vector<16xi1>, vector<16xi32>
      %broadcast_in_dim3A_717 = vector.shape_cast %select_n3A_716 : vector<16xi32> to vector<16x1xi32>
      %gather3A_718 = vector.shape_cast %broadcast_in_dim3A_717 : vector<16x1xi32> to vector<16xi32>
      %gather3A_719 = tpu.dynamic_gather %or3A_706[%gather3A_718] in [0] : vector<16xi32>, vector<16xi32> -> vector<16xi32>
      %or3A_720 = arith.ori %or3A_706, %gather3A_719 : vector<16xi32>
      %xor3A_721 = arith.constant 1 : i32
      %xor3A_722 = vector.broadcast %xor3A_721 : i32 to vector<16xi32>
      %xor3A_723 = arith.xori %iota3A, %xor3A_722 : vector<16xi32>
      %lt3A_724 = arith.constant 0 : i32
      %lt3A_725 = vector.broadcast %lt3A_724 : i32 to vector<16xi32>
      %lt3A_726 = arith.cmpi slt, %xor3A_723, %lt3A_725 : vector<16xi32>
      %add3A_727 = arith.constant 16 : i32
      %add3A_728 = vector.broadcast %add3A_727 : i32 to vector<16xi32>
      %add3A_729 = arith.addi %xor3A_723, %add3A_728 : vector<16xi32>
      %select_n3A_730 = arith.select %lt3A_726, %add3A_729, %xor3A_723 : vector<16xi1>, vector<16xi32>
      %broadcast_in_dim3A_731 = vector.shape_cast %select_n3A_730 : vector<16xi32> to vector<16x1xi32>
      %gather3A_732 = vector.shape_cast %broadcast_in_dim3A_731 : vector<16x1xi32> to vector<16xi32>
      %gather3A_733 = tpu.dynamic_gather %or3A_720[%gather3A_732] in [0] : vector<16xi32>, vector<16xi32> -> vector<16xi32>
      %or3A_734 = arith.ori %or3A_720, %gather3A_733 : vector<16xi32>
      %eq3A_735 = arith.constant 0 : i32
      %eq3A_736 = vector.broadcast %eq3A_735 : i32 to vector<16xi32>
      %eq3A_737 = arith.cmpi eq, %or3A_734, %eq3A_736 : vector<16xi32>
      %eq3A_738 = arith.constant 6 : i32
      %eq3A_739 = vector.broadcast %eq3A_738 : i32 to vector<16xi32>
      %eq3A_740 = arith.cmpi eq, %iota3A, %eq3A_739 : vector<16xi32>
      %lt3A_741 = arith.constant 0 : i32
      %lt3A_742 = vector.broadcast %lt3A_741 : i32 to vector<16xi32>
      %lt3A_743 = arith.cmpi slt, %select_n3A_678, %lt3A_742 : vector<16xi32>
      %and3A_744 = arith.andi %eq3A_740, %lt3A_743 : vector<16xi1>
      %and3A_745 = arith.andi %and3A_744, %eq3A_737 : vector<16xi1>
      %broadcast_in_dim3A_746 = vector.broadcast %add3A_264 : i32 to vector<16xi32>
      %select_n3A_747 = arith.select %and3A_745, %broadcast_in_dim3A_746, %select_n3A_678 : vector<16xi1>, vector<16xi32>
      %xor3A_748 = arith.constant 8 : i32
      %xor3A_749 = vector.broadcast %xor3A_748 : i32 to vector<16xi32>
      %xor3A_750 = arith.xori %iota3A, %xor3A_749 : vector<16xi32>
      %lt3A_751 = arith.constant 0 : i32
      %lt3A_752 = vector.broadcast %lt3A_751 : i32 to vector<16xi32>
      %lt3A_753 = arith.cmpi slt, %xor3A_750, %lt3A_752 : vector<16xi32>
      %add3A_754 = arith.constant 16 : i32
      %add3A_755 = vector.broadcast %add3A_754 : i32 to vector<16xi32>
      %add3A_756 = arith.addi %xor3A_750, %add3A_755 : vector<16xi32>
      %select_n3A_757 = arith.select %lt3A_753, %add3A_756, %xor3A_750 : vector<16xi1>, vector<16xi32>
      %broadcast_in_dim3A_758 = vector.shape_cast %select_n3A_757 : vector<16xi32> to vector<16x1xi32>
      %gather3A_759 = vector.shape_cast %broadcast_in_dim3A_758 : vector<16x1xi32> to vector<16xi32>
      %gather3A_760 = tpu.dynamic_gather %scan3A_260#7[%gather3A_759] in [0] : vector<16xi32>, vector<16xi32> -> vector<16xi32>
      %or3A_761 = arith.ori %scan3A_260#7, %gather3A_760 : vector<16xi32>
      %xor3A_762 = arith.constant 4 : i32
      %xor3A_763 = vector.broadcast %xor3A_762 : i32 to vector<16xi32>
      %xor3A_764 = arith.xori %iota3A, %xor3A_763 : vector<16xi32>
      %lt3A_765 = arith.constant 0 : i32
      %lt3A_766 = vector.broadcast %lt3A_765 : i32 to vector<16xi32>
      %lt3A_767 = arith.cmpi slt, %xor3A_764, %lt3A_766 : vector<16xi32>
      %add3A_768 = arith.constant 16 : i32
      %add3A_769 = vector.broadcast %add3A_768 : i32 to vector<16xi32>
      %add3A_770 = arith.addi %xor3A_764, %add3A_769 : vector<16xi32>
      %select_n3A_771 = arith.select %lt3A_767, %add3A_770, %xor3A_764 : vector<16xi1>, vector<16xi32>
      %broadcast_in_dim3A_772 = vector.shape_cast %select_n3A_771 : vector<16xi32> to vector<16x1xi32>
      %gather3A_773 = vector.shape_cast %broadcast_in_dim3A_772 : vector<16x1xi32> to vector<16xi32>
      %gather3A_774 = tpu.dynamic_gather %or3A_761[%gather3A_773] in [0] : vector<16xi32>, vector<16xi32> -> vector<16xi32>
      %or3A_775 = arith.ori %or3A_761, %gather3A_774 : vector<16xi32>
      %xor3A_776 = arith.constant 2 : i32
      %xor3A_777 = vector.broadcast %xor3A_776 : i32 to vector<16xi32>
      %xor3A_778 = arith.xori %iota3A, %xor3A_777 : vector<16xi32>
      %lt3A_779 = arith.constant 0 : i32
      %lt3A_780 = vector.broadcast %lt3A_779 : i32 to vector<16xi32>
      %lt3A_781 = arith.cmpi slt, %xor3A_778, %lt3A_780 : vector<16xi32>
      %add3A_782 = arith.constant 16 : i32
      %add3A_783 = vector.broadcast %add3A_782 : i32 to vector<16xi32>
      %add3A_784 = arith.addi %xor3A_778, %add3A_783 : vector<16xi32>
      %select_n3A_785 = arith.select %lt3A_781, %add3A_784, %xor3A_778 : vector<16xi1>, vector<16xi32>
      %broadcast_in_dim3A_786 = vector.shape_cast %select_n3A_785 : vector<16xi32> to vector<16x1xi32>
      %gather3A_787 = vector.shape_cast %broadcast_in_dim3A_786 : vector<16x1xi32> to vector<16xi32>
      %gather3A_788 = tpu.dynamic_gather %or3A_775[%gather3A_787] in [0] : vector<16xi32>, vector<16xi32> -> vector<16xi32>
      %or3A_789 = arith.ori %or3A_775, %gather3A_788 : vector<16xi32>
      %xor3A_790 = arith.constant 1 : i32
      %xor3A_791 = vector.broadcast %xor3A_790 : i32 to vector<16xi32>
      %xor3A_792 = arith.xori %iota3A, %xor3A_791 : vector<16xi32>
      %lt3A_793 = arith.constant 0 : i32
      %lt3A_794 = vector.broadcast %lt3A_793 : i32 to vector<16xi32>
      %lt3A_795 = arith.cmpi slt, %xor3A_792, %lt3A_794 : vector<16xi32>
      %add3A_796 = arith.constant 16 : i32
      %add3A_797 = vector.broadcast %add3A_796 : i32 to vector<16xi32>
      %add3A_798 = arith.addi %xor3A_792, %add3A_797 : vector<16xi32>
      %select_n3A_799 = arith.select %lt3A_795, %add3A_798, %xor3A_792 : vector<16xi1>, vector<16xi32>
      %broadcast_in_dim3A_800 = vector.shape_cast %select_n3A_799 : vector<16xi32> to vector<16x1xi32>
      %gather3A_801 = vector.shape_cast %broadcast_in_dim3A_800 : vector<16x1xi32> to vector<16xi32>
      %gather3A_802 = tpu.dynamic_gather %or3A_789[%gather3A_801] in [0] : vector<16xi32>, vector<16xi32> -> vector<16xi32>
      %or3A_803 = arith.ori %or3A_789, %gather3A_802 : vector<16xi32>
      %eq3A_804 = arith.constant 0 : i32
      %eq3A_805 = vector.broadcast %eq3A_804 : i32 to vector<16xi32>
      %eq3A_806 = arith.cmpi eq, %or3A_803, %eq3A_805 : vector<16xi32>
      %eq3A_807 = arith.constant 7 : i32
      %eq3A_808 = vector.broadcast %eq3A_807 : i32 to vector<16xi32>
      %eq3A_809 = arith.cmpi eq, %iota3A, %eq3A_808 : vector<16xi32>
      %lt3A_810 = arith.constant 0 : i32
      %lt3A_811 = vector.broadcast %lt3A_810 : i32 to vector<16xi32>
      %lt3A_812 = arith.cmpi slt, %select_n3A_747, %lt3A_811 : vector<16xi32>
      %and3A_813 = arith.andi %eq3A_809, %lt3A_812 : vector<16xi1>
      %and3A_814 = arith.andi %and3A_813, %eq3A_806 : vector<16xi1>
      %broadcast_in_dim3A_815 = vector.broadcast %add3A_264 : i32 to vector<16xi32>
      %select_n3A_816 = arith.select %and3A_814, %broadcast_in_dim3A_815, %select_n3A_747 : vector<16xi1>, vector<16xi32>
      %swap3A_817 = arith.constant 0 : index
      %swap3A_818 = tpu.vector_load %arg11[%swap3A_817] {strides = array<i32>} : memref<16xi32, #tpu.memory_space<vmem>>, vector<16xi32>,
      %swap3A_819 = vector.shape_cast %swap3A_818 : vector<16xi32> to vector<16xi32>
      %swap3A_820 = vector.shape_cast %select_n3A_816 : vector<16xi32> to vector<16xi32>
      tpu.vector_store %arg11[%swap3A_817], %swap3A_820 {strides = array<i32>} : memref<16xi32, #tpu.memory_space<vmem>>, vector<16xi32>,
    } else {
    }
    %scan3A_94 = arith.constant 1 : i32
    %get3A_95 = arith.constant 0 : index
    %get3A_96 = tpu.vector_load %arg11[%get3A_95] {strides = array<i32>} : memref<16xi32, #tpu.memory_space<vmem>>, vector<16xi32>,
    %get3A_97 = vector.shape_cast %get3A_96 : vector<16xi32> to vector<16xi32>
    %lt3A_98 = arith.constant 0 : i32
    %lt3A_99 = vector.broadcast %lt3A_98 : i32 to vector<16xi32>
    %lt3A_100 = arith.cmpi slt, %get3A_97, %lt3A_99 : vector<16xi32>
    %lt3A_101 = arith.constant 8 : i32
    %lt3A_102 = vector.broadcast %lt3A_101 : i32 to vector<16xi32>
    %lt3A_103 = arith.cmpi slt, %iota3A, %lt3A_102 : vector<16xi32>
    %and3A_104 = arith.andi %lt3A_100, %lt3A_103 : vector<16xi1>
    %jit3A_105 = arith.constant 1 : i32
    %jit3A_106 = arith.constant 0 : i32
    %broadcast_in_dim3A_107 = vector.broadcast %jit3A_105 : i32 to vector<16xi32>
    %broadcast_in_dim3A_108 = vector.broadcast %jit3A_106 : i32 to vector<16xi32>
    %select_n3A_109 = arith.select %and3A_104, %broadcast_in_dim3A_107, %broadcast_in_dim3A_108 : vector<16xi1>, vector<16xi32>
    %xor3A_110 = arith.constant 8 : i32
    %xor3A_111 = vector.broadcast %xor3A_110 : i32 to vector<16xi32>
    %xor3A_112 = arith.xori %iota3A, %xor3A_111 : vector<16xi32>
    %lt3A_113 = arith.constant 0 : i32
    %lt3A_114 = vector.broadcast %lt3A_113 : i32 to vector<16xi32>
    %lt3A_115 = arith.cmpi slt, %xor3A_112, %lt3A_114 : vector<16xi32>
    %add3A_116 = arith.constant 16 : i32
    %add3A_117 = vector.broadcast %add3A_116 : i32 to vector<16xi32>
    %add3A_118 = arith.addi %xor3A_112, %add3A_117 : vector<16xi32>
    %select_n3A_119 = arith.select %lt3A_115, %add3A_118, %xor3A_112 : vector<16xi1>, vector<16xi32>
    %broadcast_in_dim3A_120 = vector.shape_cast %select_n3A_119 : vector<16xi32> to vector<16x1xi32>
    %gather3A_121 = vector.shape_cast %broadcast_in_dim3A_120 : vector<16x1xi32> to vector<16xi32>
    %gather3A_122 = tpu.dynamic_gather %select_n3A_109[%gather3A_121] in [0] : vector<16xi32>, vector<16xi32> -> vector<16xi32>
    %or3A_123 = arith.ori %select_n3A_109, %gather3A_122 : vector<16xi32>
    %xor3A_124 = arith.constant 4 : i32
    %xor3A_125 = vector.broadcast %xor3A_124 : i32 to vector<16xi32>
    %xor3A_126 = arith.xori %iota3A, %xor3A_125 : vector<16xi32>
    %lt3A_127 = arith.constant 0 : i32
    %lt3A_128 = vector.broadcast %lt3A_127 : i32 to vector<16xi32>
    %lt3A_129 = arith.cmpi slt, %xor3A_126, %lt3A_128 : vector<16xi32>
    %add3A_130 = arith.constant 16 : i32
    %add3A_131 = vector.broadcast %add3A_130 : i32 to vector<16xi32>
    %add3A_132 = arith.addi %xor3A_126, %add3A_131 : vector<16xi32>
    %select_n3A_133 = arith.select %lt3A_129, %add3A_132, %xor3A_126 : vector<16xi1>, vector<16xi32>
    %broadcast_in_dim3A_134 = vector.shape_cast %select_n3A_133 : vector<16xi32> to vector<16x1xi32>
    %gather3A_135 = vector.shape_cast %broadcast_in_dim3A_134 : vector<16x1xi32> to vector<16xi32>
    %gather3A_136 = tpu.dynamic_gather %or3A_123[%gather3A_135] in [0] : vector<16xi32>, vector<16xi32> -> vector<16xi32>
    %or3A_137 = arith.ori %or3A_123, %gather3A_136 : vector<16xi32>
    %xor3A_138 = arith.constant 2 : i32
    %xor3A_139 = vector.broadcast %xor3A_138 : i32 to vector<16xi32>
    %xor3A_140 = arith.xori %iota3A, %xor3A_139 : vector<16xi32>
    %lt3A_141 = arith.constant 0 : i32
    %lt3A_142 = vector.broadcast %lt3A_141 : i32 to vector<16xi32>
    %lt3A_143 = arith.cmpi slt, %xor3A_140, %lt3A_142 : vector<16xi32>
    %add3A_144 = arith.constant 16 : i32
    %add3A_145 = vector.broadcast %add3A_144 : i32 to vector<16xi32>
    %add3A_146 = arith.addi %xor3A_140, %add3A_145 : vector<16xi32>
    %select_n3A_147 = arith.select %lt3A_143, %add3A_146, %xor3A_140 : vector<16xi1>, vector<16xi32>
    %broadcast_in_dim3A_148 = vector.shape_cast %select_n3A_147 : vector<16xi32> to vector<16x1xi32>
    %gather3A_149 = vector.shape_cast %broadcast_in_dim3A_148 : vector<16x1xi32> to vector<16xi32>
    %gather3A_150 = tpu.dynamic_gather %or3A_137[%gather3A_149] in [0] : vector<16xi32>, vector<16xi32> -> vector<16xi32>
    %or3A_151 = arith.ori %or3A_137, %gather3A_150 : vector<16xi32>
    %xor3A_152 = arith.constant 1 : i32
    %xor3A_153 = vector.broadcast %xor3A_152 : i32 to vector<16xi32>
    %xor3A_154 = arith.xori %iota3A, %xor3A_153 : vector<16xi32>
    %lt3A_155 = arith.constant 0 : i32
    %lt3A_156 = vector.broadcast %lt3A_155 : i32 to vector<16xi32>
    %lt3A_157 = arith.cmpi slt, %xor3A_154, %lt3A_156 : vector<16xi32>
    %add3A_158 = arith.constant 16 : i32
    %add3A_159 = vector.broadcast %add3A_158 : i32 to vector<16xi32>
    %add3A_160 = arith.addi %xor3A_154, %add3A_159 : vector<16xi32>
    %select_n3A_161 = arith.select %lt3A_157, %add3A_160, %xor3A_154 : vector<16xi1>, vector<16xi32>
    %broadcast_in_dim3A_162 = vector.shape_cast %select_n3A_161 : vector<16xi32> to vector<16x1xi32>
    %gather3A_163 = vector.shape_cast %broadcast_in_dim3A_162 : vector<16x1xi32> to vector<16xi32>
    %gather3A_164 = tpu.dynamic_gather %or3A_151[%gather3A_163] in [0] : vector<16xi32>, vector<16xi32> -> vector<16xi32>
    %or3A_165 = arith.ori %or3A_151, %gather3A_164 : vector<16xi32>
    %slice3A_166 = vector.extract_strided_slice %or3A_165 {offsets = [0], sizes = [1], strides = [1]} : vector<16xi32> to vector<1xi32>
    %squeeze3A_167 = vector.extract %slice3A_166[0] : i32 from vector<1xi32>
    %eq3A_168 = arith.constant 0 : i32
    %eq3A_169 = arith.cmpi eq, %squeeze3A_167, %eq3A_168 : i32
    %not3A_170 = arith.constant true
    %not3A_171 = arith.xori %eq3A_169, %not3A_170 : i1
    %convert_element_type3A_172 = arith.extui %not3A_171 : i1 to i32
    %cond3A_173 = arith.constant 0 : i32
    %cond3A_174 = arith.cmpi ne, %convert_element_type3A_172, %cond3A_173 : i32
    scf.if %cond3A_174 {
      %scan3A_240 = arith.constant 0 : i32
      %scan3A_241 = arith.constant 1 : i32
      %scan3A_242 = arith.constant 511 : i32
      %scan3A_243 = arith.addi %scan3A_241, %scan3A_242 : i32
      %scan3A_244 = arith.constant 1 : i32
      scf.for %scan3A_246 = %scan3A_241 to %scan3A_243 step %scan3A_244  : i32 {
        %get3A_247 = arith.constant 0 : index
        %get3A_248 = tpu.vector_load %arg11[%get3A_247] {strides = array<i32>} : memref<16xi32, #tpu.memory_space<vmem>>, vector<16xi32>,
        %get3A_249 = vector.shape_cast %get3A_248 : vector<16xi32> to vector<16xi32>
        %lt3A_250 = arith.constant 0 : i32
        %lt3A_251 = vector.broadcast %lt3A_250 : i32 to vector<16xi32>
        %lt3A_252 = arith.cmpi slt, %get3A_249, %lt3A_251 : vector<16xi32>
        %lt3A_253 = arith.constant 8 : i32
        %lt3A_254 = vector.broadcast %lt3A_253 : i32 to vector<16xi32>
        %lt3A_255 = arith.cmpi slt, %iota3A, %lt3A_254 : vector<16xi32>
        %and3A_256 = arith.andi %lt3A_252, %lt3A_255 : vector<16xi1>
        %jit3A_257 = arith.constant 1 : i32
        %jit3A_258 = arith.constant 0 : i32
        %broadcast_in_dim3A_259 = vector.broadcast %jit3A_257 : i32 to vector<16xi32>
        %broadcast_in_dim3A_260 = vector.broadcast %jit3A_258 : i32 to vector<16xi32>
        %select_n3A_261 = arith.select %and3A_256, %broadcast_in_dim3A_259, %broadcast_in_dim3A_260 : vector<16xi1>, vector<16xi32>
        %xor3A_262 = arith.constant 8 : i32
        %xor3A_263 = vector.broadcast %xor3A_262 : i32 to vector<16xi32>
        %xor3A_264 = arith.xori %iota3A, %xor3A_263 : vector<16xi32>
        %lt3A_265 = arith.constant 0 : i32
        %lt3A_266 = vector.broadcast %lt3A_265 : i32 to vector<16xi32>
        %lt3A_267 = arith.cmpi slt, %xor3A_264, %lt3A_266 : vector<16xi32>
        %add3A_268 = arith.constant 16 : i32
        %add3A_269 = vector.broadcast %add3A_268 : i32 to vector<16xi32>
        %add3A_270 = arith.addi %xor3A_264, %add3A_269 : vector<16xi32>
        %select_n3A_271 = arith.select %lt3A_267, %add3A_270, %xor3A_264 : vector<16xi1>, vector<16xi32>
        %broadcast_in_dim3A_272 = vector.shape_cast %select_n3A_271 : vector<16xi32> to vector<16x1xi32>
        %gather3A_273 = vector.shape_cast %broadcast_in_dim3A_272 : vector<16x1xi32> to vector<16xi32>
        %gather3A_274 = tpu.dynamic_gather %select_n3A_261[%gather3A_273] in [0] : vector<16xi32>, vector<16xi32> -> vector<16xi32>
        %or3A_275 = arith.ori %select_n3A_261, %gather3A_274 : vector<16xi32>
        %xor3A_276 = arith.constant 4 : i32
        %xor3A_277 = vector.broadcast %xor3A_276 : i32 to vector<16xi32>
        %xor3A_278 = arith.xori %iota3A, %xor3A_277 : vector<16xi32>
        %lt3A_279 = arith.constant 0 : i32
        %lt3A_280 = vector.broadcast %lt3A_279 : i32 to vector<16xi32>
        %lt3A_281 = arith.cmpi slt, %xor3A_278, %lt3A_280 : vector<16xi32>
        %add3A_282 = arith.constant 16 : i32
        %add3A_283 = vector.broadcast %add3A_282 : i32 to vector<16xi32>
        %add3A_284 = arith.addi %xor3A_278, %add3A_283 : vector<16xi32>
        %select_n3A_285 = arith.select %lt3A_281, %add3A_284, %xor3A_278 : vector<16xi1>, vector<16xi32>
        %broadcast_in_dim3A_286 = vector.shape_cast %select_n3A_285 : vector<16xi32> to vector<16x1xi32>
        %gather3A_287 = vector.shape_cast %broadcast_in_dim3A_286 : vector<16x1xi32> to vector<16xi32>
        %gather3A_288 = tpu.dynamic_gather %or3A_275[%gather3A_287] in [0] : vector<16xi32>, vector<16xi32> -> vector<16xi32>
        %or3A_289 = arith.ori %or3A_275, %gather3A_288 : vector<16xi32>
        %xor3A_290 = arith.constant 2 : i32
        %xor3A_291 = vector.broadcast %xor3A_290 : i32 to vector<16xi32>
        %xor3A_292 = arith.xori %iota3A, %xor3A_291 : vector<16xi32>
        %lt3A_293 = arith.constant 0 : i32
        %lt3A_294 = vector.broadcast %lt3A_293 : i32 to vector<16xi32>
        %lt3A_295 = arith.cmpi slt, %xor3A_292, %lt3A_294 : vector<16xi32>
        %add3A_296 = arith.constant 16 : i32
        %add3A_297 = vector.broadcast %add3A_296 : i32 to vector<16xi32>
        %add3A_298 = arith.addi %xor3A_292, %add3A_297 : vector<16xi32>
        %select_n3A_299 = arith.select %lt3A_295, %add3A_298, %xor3A_292 : vector<16xi1>, vector<16xi32>
        %broadcast_in_dim3A_300 = vector.shape_cast %select_n3A_299 : vector<16xi32> to vector<16x1xi32>
        %gather3A_301 = vector.shape_cast %broadcast_in_dim3A_300 : vector<16x1xi32> to vector<16xi32>
        %gather3A_302 = tpu.dynamic_gather %or3A_289[%gather3A_301] in [0] : vector<16xi32>, vector<16xi32> -> vector<16xi32>
        %or3A_303 = arith.ori %or3A_289, %gather3A_302 : vector<16xi32>
        %xor3A_304 = arith.constant 1 : i32
        %xor3A_305 = vector.broadcast %xor3A_304 : i32 to vector<16xi32>
        %xor3A_306 = arith.xori %iota3A, %xor3A_305 : vector<16xi32>
        %lt3A_307 = arith.constant 0 : i32
        %lt3A_308 = vector.broadcast %lt3A_307 : i32 to vector<16xi32>
        %lt3A_309 = arith.cmpi slt, %xor3A_306, %lt3A_308 : vector<16xi32>
        %add3A_310 = arith.constant 16 : i32
        %add3A_311 = vector.broadcast %add3A_310 : i32 to vector<16xi32>
        %add3A_312 = arith.addi %xor3A_306, %add3A_311 : vector<16xi32>
        %select_n3A_313 = arith.select %lt3A_309, %add3A_312, %xor3A_306 : vector<16xi1>, vector<16xi32>
        %broadcast_in_dim3A_314 = vector.shape_cast %select_n3A_313 : vector<16xi32> to vector<16x1xi32>
        %gather3A_315 = vector.shape_cast %broadcast_in_dim3A_314 : vector<16x1xi32> to vector<16xi32>
        %gather3A_316 = tpu.dynamic_gather %or3A_303[%gather3A_315] in [0] : vector<16xi32>, vector<16xi32> -> vector<16xi32>
        %or3A_317 = arith.ori %or3A_303, %gather3A_316 : vector<16xi32>
        %slice3A_318 = vector.extract_strided_slice %or3A_317 {offsets = [0], sizes = [1], strides = [1]} : vector<16xi32> to vector<1xi32>
        %squeeze3A_319 = vector.extract %slice3A_318[0] : i32 from vector<1xi32>
        %eq3A_320 = arith.constant 0 : i32
        %eq3A_321 = arith.cmpi eq, %squeeze3A_319, %eq3A_320 : i32
        %not3A_322 = arith.constant true
        %not3A_323 = arith.xori %eq3A_321, %not3A_322 : i1
        %convert_element_type3A_324 = arith.extui %not3A_323 : i1 to i32
        %cond3A_325 = arith.constant 0 : i32
        %cond3A_326 = arith.cmpi ne, %convert_element_type3A_324, %cond3A_325 : i32
        scf.if %cond3A_326 {
          %mul3A_327 = arith.constant 1 : i32
          %mul3A_328 = arith.muli %scan3A_246, %mul3A_327 : i32
          %dma_start3A_329 = arith.constant 0 : i32
          %dma_start3A_330 = tpu.memref_slice %arg3[%mul3A_328, %dma_start3A_329] : memref<512x1024xf32, #tpu.memory_space<hbm>> -> memref<1x1024xf32, #tpu.memory_space<hbm>>
          %dma_start3A_331 = arith.constant 0 : i32
          %dma_start3A_332 = tpu.memref_slice %arg3[%mul3A_328, %dma_start3A_331] : memref<512x1024xf32, #tpu.memory_space<hbm>> -> memref<1x1024xf32, #tpu.memory_space<hbm>>
          tpu.enqueue_dma source(%dma_start3A_332 : memref<1x1024xf32, #tpu.memory_space<hbm>>) target(%arg9 : memref<1x1024xf32, #tpu.memory_space<vmem>>) target_semaphore(%arg16 : memref<!tpu.dma_semaphore, #tpu.memory_space<semaphore_mem>>)
          %dma_wait3A_333 = arith.constant 0 : i32
          %dma_wait3A_334 = tpu.memref_slice %arg3[%mul3A_328, %dma_wait3A_333] : memref<512x1024xf32, #tpu.memory_space<hbm>> -> memref<1x1024xf32, #tpu.memory_space<hbm>>
          %dma_wait3A_335 = arith.constant 0 : i32
          %dma_wait3A_336 = tpu.memref_slice %arg3[%mul3A_328, %dma_wait3A_335] : memref<512x1024xf32, #tpu.memory_space<hbm>> -> memref<1x1024xf32, #tpu.memory_space<hbm>>
          tpu.wait_dma2 semaphore(%arg16 : memref<!tpu.dma_semaphore, #tpu.memory_space<semaphore_mem>>) src(%dma_wait3A_336 : memref<1x1024xf32, #tpu.memory_space<hbm>>) dst(%arg9 : memref<1x1024xf32, #tpu.memory_space<vmem>>)
          %scan3A_337 = arith.constant 0 : i32
          %scan3A_338 = arith.constant 0 : i32
          %get3A_339 = arith.constant 0 : index
          %get3A_340 = tpu.vector_load %arg11[%get3A_339] {strides = array<i32>} : memref<16xi32, #tpu.memory_space<vmem>>, vector<16xi32>,
          %get3A_341 = vector.shape_cast %get3A_340 : vector<16xi32> to vector<16xi32>
          %lt3A_342 = arith.constant 0 : i32
          %lt3A_343 = vector.broadcast %lt3A_342 : i32 to vector<16xi32>
          %lt3A_344 = arith.cmpi slt, %get3A_341, %lt3A_343 : vector<16xi32>
          %lt3A_345 = arith.constant 8 : i32
          %lt3A_346 = vector.broadcast %lt3A_345 : i32 to vector<16xi32>
          %lt3A_347 = arith.cmpi slt, %iota3A, %lt3A_346 : vector<16xi32>
          %and3A_348 = arith.andi %lt3A_344, %lt3A_347 : vector<16xi1>
          %jit3A_349 = arith.constant 1 : i32
          %jit3A_350 = arith.constant 0 : i32
          %broadcast_in_dim3A_351 = vector.broadcast %jit3A_349 : i32 to vector<16xi32>
          %broadcast_in_dim3A_352 = vector.broadcast %jit3A_350 : i32 to vector<16xi32>
          %select_n3A_353 = arith.select %and3A_348, %broadcast_in_dim3A_351, %broadcast_in_dim3A_352 : vector<16xi1>, vector<16xi32>
          %xor3A_354 = arith.constant 8 : i32
          %xor3A_355 = vector.broadcast %xor3A_354 : i32 to vector<16xi32>
          %xor3A_356 = arith.xori %iota3A, %xor3A_355 : vector<16xi32>
          %lt3A_357 = arith.constant 0 : i32
          %lt3A_358 = vector.broadcast %lt3A_357 : i32 to vector<16xi32>
          %lt3A_359 = arith.cmpi slt, %xor3A_356, %lt3A_358 : vector<16xi32>
          %add3A_360 = arith.constant 16 : i32
          %add3A_361 = vector.broadcast %add3A_360 : i32 to vector<16xi32>
          %add3A_362 = arith.addi %xor3A_356, %add3A_361 : vector<16xi32>
          %select_n3A_363 = arith.select %lt3A_359, %add3A_362, %xor3A_356 : vector<16xi1>, vector<16xi32>
          %broadcast_in_dim3A_364 = vector.shape_cast %select_n3A_363 : vector<16xi32> to vector<16x1xi32>
          %gather3A_365 = vector.shape_cast %broadcast_in_dim3A_364 : vector<16x1xi32> to vector<16xi32>
          %gather3A_366 = tpu.dynamic_gather %select_n3A_353[%gather3A_365] in [0] : vector<16xi32>, vector<16xi32> -> vector<16xi32>
          %or3A_367 = arith.ori %select_n3A_353, %gather3A_366 : vector<16xi32>
          %xor3A_368 = arith.constant 4 : i32
          %xor3A_369 = vector.broadcast %xor3A_368 : i32 to vector<16xi32>
          %xor3A_370 = arith.xori %iota3A, %xor3A_369 : vector<16xi32>
          %lt3A_371 = arith.constant 0 : i32
          %lt3A_372 = vector.broadcast %lt3A_371 : i32 to vector<16xi32>
          %lt3A_373 = arith.cmpi slt, %xor3A_370, %lt3A_372 : vector<16xi32>
          %add3A_374 = arith.constant 16 : i32
          %add3A_375 = vector.broadcast %add3A_374 : i32 to vector<16xi32>
          %add3A_376 = arith.addi %xor3A_370, %add3A_375 : vector<16xi32>
          %select_n3A_377 = arith.select %lt3A_373, %add3A_376, %xor3A_370 : vector<16xi1>, vector<16xi32>
          %broadcast_in_dim3A_378 = vector.shape_cast %select_n3A_377 : vector<16xi32> to vector<16x1xi32>
          %gather3A_379 = vector.shape_cast %broadcast_in_dim3A_378 : vector<16x1xi32> to vector<16xi32>
          %gather3A_380 = tpu.dynamic_gather %or3A_367[%gather3A_379] in [0] : vector<16xi32>, vector<16xi32> -> vector<16xi32>
          %or3A_381 = arith.ori %or3A_367, %gather3A_380 : vector<16xi32>
          %xor3A_382 = arith.constant 2 : i32
          %xor3A_383 = vector.broadcast %xor3A_382 : i32 to vector<16xi32>
          %xor3A_384 = arith.xori %iota3A, %xor3A_383 : vector<16xi32>
          %lt3A_385 = arith.constant 0 : i32
          %lt3A_386 = vector.broadcast %lt3A_385 : i32 to vector<16xi32>
          %lt3A_387 = arith.cmpi slt, %xor3A_384, %lt3A_386 : vector<16xi32>
          %add3A_388 = arith.constant 16 : i32
          %add3A_389 = vector.broadcast %add3A_388 : i32 to vector<16xi32>
          %add3A_390 = arith.addi %xor3A_384, %add3A_389 : vector<16xi32>
          %select_n3A_391 = arith.select %lt3A_387, %add3A_390, %xor3A_384 : vector<16xi1>, vector<16xi32>
          %broadcast_in_dim3A_392 = vector.shape_cast %select_n3A_391 : vector<16xi32> to vector<16x1xi32>
          %gather3A_393 = vector.shape_cast %broadcast_in_dim3A_392 : vector<16x1xi32> to vector<16xi32>
          %gather3A_394 = tpu.dynamic_gather %or3A_381[%gather3A_393] in [0] : vector<16xi32>, vector<16xi32> -> vector<16xi32>
          %or3A_395 = arith.ori %or3A_381, %gather3A_394 : vector<16xi32>
          %xor3A_396 = arith.constant 1 : i32
          %xor3A_397 = vector.broadcast %xor3A_396 : i32 to vector<16xi32>
          %xor3A_398 = arith.xori %iota3A, %xor3A_397 : vector<16xi32>
          %lt3A_399 = arith.constant 0 : i32
          %lt3A_400 = vector.broadcast %lt3A_399 : i32 to vector<16xi32>
          %lt3A_401 = arith.cmpi slt, %xor3A_398, %lt3A_400 : vector<16xi32>
          %add3A_402 = arith.constant 16 : i32
          %add3A_403 = vector.broadcast %add3A_402 : i32 to vector<16xi32>
          %add3A_404 = arith.addi %xor3A_398, %add3A_403 : vector<16xi32>
          %select_n3A_405 = arith.select %lt3A_401, %add3A_404, %xor3A_398 : vector<16xi1>, vector<16xi32>
          %broadcast_in_dim3A_406 = vector.shape_cast %select_n3A_405 : vector<16xi32> to vector<16x1xi32>
          %gather3A_407 = vector.shape_cast %broadcast_in_dim3A_406 : vector<16x1xi32> to vector<16xi32>
          %gather3A_408 = tpu.dynamic_gather %or3A_395[%gather3A_407] in [0] : vector<16xi32>, vector<16xi32> -> vector<16xi32>
          %or3A_409 = arith.ori %or3A_395, %gather3A_408 : vector<16xi32>
          %slice3A_410 = vector.extract_strided_slice %or3A_409 {offsets = [0], sizes = [1], strides = [1]} : vector<16xi32> to vector<1xi32>
          %squeeze3A_411 = vector.extract %slice3A_410[0] : i32 from vector<1xi32>
          %eq3A_412 = arith.constant 0 : i32
          %eq3A_413 = arith.cmpi eq, %squeeze3A_411, %eq3A_412 : i32
          %not3A_414 = arith.constant true
          %not3A_415 = arith.xori %eq3A_413, %not3A_414 : i1
          %convert_element_type3A_416 = arith.extui %not3A_415 : i1 to i32
          %cond3A_417 = arith.constant 0 : i32
          %cond3A_418 = arith.cmpi ne, %convert_element_type3A_416, %cond3A_417 : i32
          scf.if %cond3A_418 {
            %broadcast_in_dim3A_420 = arith.constant 0 : i32
            %broadcast_in_dim3A_421 = vector.broadcast %broadcast_in_dim3A_420 : i32 to vector<16xi32>
            %broadcast_in_dim3A_422 = arith.constant 0 : i32
            %broadcast_in_dim3A_423 = vector.broadcast %broadcast_in_dim3A_422 : i32 to vector<16xi32>
            %broadcast_in_dim3A_424 = arith.constant 0 : i32
            %broadcast_in_dim3A_425 = vector.broadcast %broadcast_in_dim3A_424 : i32 to vector<16xi32>
            %broadcast_in_dim3A_426 = arith.constant 0 : i32
            %broadcast_in_dim3A_427 = vector.broadcast %broadcast_in_dim3A_426 : i32 to vector<16xi32>
            %broadcast_in_dim3A_428 = arith.constant 0 : i32
            %broadcast_in_dim3A_429 = vector.broadcast %broadcast_in_dim3A_428 : i32 to vector<16xi32>
            %broadcast_in_dim3A_430 = arith.constant 0 : i32
            %broadcast_in_dim3A_431 = vector.broadcast %broadcast_in_dim3A_430 : i32 to vector<16xi32>
            %broadcast_in_dim3A_432 = arith.constant 0 : i32
            %broadcast_in_dim3A_433 = vector.broadcast %broadcast_in_dim3A_432 : i32 to vector<16xi32>
            %broadcast_in_dim3A_434 = arith.constant 0 : i32
            %broadcast_in_dim3A_435 = vector.broadcast %broadcast_in_dim3A_434 : i32 to vector<16xi32>
            %scan3A_436 = arith.constant 0 : i32
            %scan3A_437 = arith.constant 16 : i32
            %scan3A_438 = arith.addi %scan3A_436, %scan3A_437 : i32
            %scan3A_439 = arith.constant 1 : i32
            %scan3A_440:8 = scf.for %scan3A_1001 = %scan3A_436 to %scan3A_438 step %scan3A_439 iter_args(%scan3A_1002 = %broadcast_in_dim3A_421, %scan3A_1003 = %broadcast_in_dim3A_423, %scan3A_1004 = %broadcast_in_dim3A_425, %scan3A_1005 = %broadcast_in_dim3A_427, %scan3A_1006 = %broadcast_in_dim3A_429, %scan3A_1007 = %broadcast_in_dim3A_431, %scan3A_1008 = %broadcast_in_dim3A_433, %scan3A_1009 = %broadcast_in_dim3A_435) -> (vector<16xi32>, vector<16xi32>, vector<16xi32>, vector<16xi32>, vector<16xi32>, vector<16xi32>, vector<16xi32>, vector<16xi32>)  : i32 {
              %mul3A_1010 = arith.constant 4 : i32
              %mul3A_1011 = arith.muli %scan3A_1001, %mul3A_1010 : i32
              %add3A_1012 = arith.constant 0 : i32
              %add3A_1013 = arith.addi %mul3A_1011, %add3A_1012 : i32
              %mul3A_1014 = arith.constant 16 : i32
              %mul3A_1015 = arith.muli %add3A_1013, %mul3A_1014 : i32
              %get3A_1016 = arith.index_cast %scan3A_338 : i32 to index
              %get3A_1017 = arith.index_cast %mul3A_1015 : i32 to index
              %get3A_1018 = tpu.vector_load %arg9[%get3A_1016, %get3A_1017] {strides = array<i32>} : memref<1x1024xf32, #tpu.memory_space<vmem>>, vector<1x16xf32>,
              %get3A_1019 = vector.shape_cast %get3A_1018 : vector<1x16xf32> to vector<16xf32>
              %convert_element_type3A_1020 = arith.fptosi %get3A_1019 : vector<16xf32> to vector<16xi32>
              %get3A_1021 = arith.constant 0 : i32
              %get3A_1022 = arith.index_cast %get3A_1021 : i32 to index
              %get3A_1023 = arith.index_cast %mul3A_1015 : i32 to index
              %get3A_1024 = tpu.vector_load %arg8[%get3A_1022, %get3A_1023] {strides = array<i32>} : memref<8x1024xf32, #tpu.memory_space<vmem>>, vector<1x16xf32>,
              %get3A_1025 = vector.shape_cast %get3A_1024 : vector<1x16xf32> to vector<16xf32>
              %convert_element_type3A_1026 = arith.fptosi %get3A_1025 : vector<16xf32> to vector<16xi32>
              %xor3A_1027 = arith.xori %convert_element_type3A_1020, %convert_element_type3A_1026 : vector<16xi32>
              %or3A_1028 = arith.ori %scan3A_1002, %xor3A_1027 : vector<16xi32>
              %get3A_1029 = arith.constant 1 : i32
              %get3A_1030 = arith.index_cast %get3A_1029 : i32 to index
              %get3A_1031 = arith.index_cast %mul3A_1015 : i32 to index
              %get3A_1032 = tpu.vector_load %arg8[%get3A_1030, %get3A_1031] {strides = array<i32>} : memref<8x1024xf32, #tpu.memory_space<vmem>>, vector<1x16xf32>,
              %get3A_1033 = vector.shape_cast %get3A_1032 : vector<1x16xf32> to vector<16xf32>
              %convert_element_type3A_1034 = arith.fptosi %get3A_1033 : vector<16xf32> to vector<16xi32>
              %xor3A_1035 = arith.xori %convert_element_type3A_1020, %convert_element_type3A_1034 : vector<16xi32>
              %or3A_1036 = arith.ori %scan3A_1003, %xor3A_1035 : vector<16xi32>
              %get3A_1037 = arith.constant 2 : i32
              %get3A_1038 = arith.index_cast %get3A_1037 : i32 to index
              %get3A_1039 = arith.index_cast %mul3A_1015 : i32 to index
              %get3A_1040 = tpu.vector_load %arg8[%get3A_1038, %get3A_1039] {strides = array<i32>} : memref<8x1024xf32, #tpu.memory_space<vmem>>, vector<1x16xf32>,
              %get3A_1041 = vector.shape_cast %get3A_1040 : vector<1x16xf32> to vector<16xf32>
              %convert_element_type3A_1042 = arith.fptosi %get3A_1041 : vector<16xf32> to vector<16xi32>
              %xor3A_1043 = arith.xori %convert_element_type3A_1020, %convert_element_type3A_1042 : vector<16xi32>
              %or3A_1044 = arith.ori %scan3A_1004, %xor3A_1043 : vector<16xi32>
              %get3A_1045 = arith.constant 3 : i32
              %get3A_1046 = arith.index_cast %get3A_1045 : i32 to index
              %get3A_1047 = arith.index_cast %mul3A_1015 : i32 to index
              %get3A_1048 = tpu.vector_load %arg8[%get3A_1046, %get3A_1047] {strides = array<i32>} : memref<8x1024xf32, #tpu.memory_space<vmem>>, vector<1x16xf32>,
              %get3A_1049 = vector.shape_cast %get3A_1048 : vector<1x16xf32> to vector<16xf32>
              %convert_element_type3A_1050 = arith.fptosi %get3A_1049 : vector<16xf32> to vector<16xi32>
              %xor3A_1051 = arith.xori %convert_element_type3A_1020, %convert_element_type3A_1050 : vector<16xi32>
              %or3A_1052 = arith.ori %scan3A_1005, %xor3A_1051 : vector<16xi32>
              %get3A_1053 = arith.constant 4 : i32
              %get3A_1054 = arith.index_cast %get3A_1053 : i32 to index
              %get3A_1055 = arith.index_cast %mul3A_1015 : i32 to index
              %get3A_1056 = tpu.vector_load %arg8[%get3A_1054, %get3A_1055] {strides = array<i32>} : memref<8x1024xf32, #tpu.memory_space<vmem>>, vector<1x16xf32>,
              %get3A_1057 = vector.shape_cast %get3A_1056 : vector<1x16xf32> to vector<16xf32>
              %convert_element_type3A_1058 = arith.fptosi %get3A_1057 : vector<16xf32> to vector<16xi32>
              %xor3A_1059 = arith.xori %convert_element_type3A_1020, %convert_element_type3A_1058 : vector<16xi32>
              %or3A_1060 = arith.ori %scan3A_1006, %xor3A_1059 : vector<16xi32>
              %get3A_1061 = arith.constant 5 : i32
              %get3A_1062 = arith.index_cast %get3A_1061 : i32 to index
              %get3A_1063 = arith.index_cast %mul3A_1015 : i32 to index
              %get3A_1064 = tpu.vector_load %arg8[%get3A_1062, %get3A_1063] {strides = array<i32>} : memref<8x1024xf32, #tpu.memory_space<vmem>>, vector<1x16xf32>,
              %get3A_1065 = vector.shape_cast %get3A_1064 : vector<1x16xf32> to vector<16xf32>
              %convert_element_type3A_1066 = arith.fptosi %get3A_1065 : vector<16xf32> to vector<16xi32>
              %xor3A_1067 = arith.xori %convert_element_type3A_1020, %convert_element_type3A_1066 : vector<16xi32>
              %or3A_1068 = arith.ori %scan3A_1007, %xor3A_1067 : vector<16xi32>
              %get3A_1069 = arith.constant 6 : i32
              %get3A_1070 = arith.index_cast %get3A_1069 : i32 to index
              %get3A_1071 = arith.index_cast %mul3A_1015 : i32 to index
              %get3A_1072 = tpu.vector_load %arg8[%get3A_1070, %get3A_1071] {strides = array<i32>} : memref<8x1024xf32, #tpu.memory_space<vmem>>, vector<1x16xf32>,
              %get3A_1073 = vector.shape_cast %get3A_1072 : vector<1x16xf32> to vector<16xf32>
              %convert_element_type3A_1074 = arith.fptosi %get3A_1073 : vector<16xf32> to vector<16xi32>
              %xor3A_1075 = arith.xori %convert_element_type3A_1020, %convert_element_type3A_1074 : vector<16xi32>
              %or3A_1076 = arith.ori %scan3A_1008, %xor3A_1075 : vector<16xi32>
              %get3A_1077 = arith.constant 7 : i32
              %get3A_1078 = arith.index_cast %get3A_1077 : i32 to index
              %get3A_1079 = arith.index_cast %mul3A_1015 : i32 to index
              %get3A_1080 = tpu.vector_load %arg8[%get3A_1078, %get3A_1079] {strides = array<i32>} : memref<8x1024xf32, #tpu.memory_space<vmem>>, vector<1x16xf32>,
              %get3A_1081 = vector.shape_cast %get3A_1080 : vector<1x16xf32> to vector<16xf32>
              %convert_element_type3A_1082 = arith.fptosi %get3A_1081 : vector<16xf32> to vector<16xi32>
              %xor3A_1083 = arith.xori %convert_element_type3A_1020, %convert_element_type3A_1082 : vector<16xi32>
              %or3A_1084 = arith.ori %scan3A_1009, %xor3A_1083 : vector<16xi32>
              %mul3A_1085 = arith.constant 4 : i32
              %mul3A_1086 = arith.muli %scan3A_1001, %mul3A_1085 : i32
              %add3A_1087 = arith.constant 1 : i32
              %add3A_1088 = arith.addi %mul3A_1086, %add3A_1087 : i32
              %mul3A_1089 = arith.constant 16 : i32
              %mul3A_1090 = arith.muli %add3A_1088, %mul3A_1089 : i32
              %get3A_1091 = arith.index_cast %scan3A_338 : i32 to index
              %get3A_1092 = arith.index_cast %mul3A_1090 : i32 to index
              %get3A_1093 = tpu.vector_load %arg9[%get3A_1091, %get3A_1092] {strides = array<i32>} : memref<1x1024xf32, #tpu.memory_space<vmem>>, vector<1x16xf32>,
              %get3A_1094 = vector.shape_cast %get3A_1093 : vector<1x16xf32> to vector<16xf32>
              %convert_element_type3A_1095 = arith.fptosi %get3A_1094 : vector<16xf32> to vector<16xi32>
              %get3A_1096 = arith.constant 0 : i32
              %get3A_1097 = arith.index_cast %get3A_1096 : i32 to index
              %get3A_1098 = arith.index_cast %mul3A_1090 : i32 to index
              %get3A_1099 = tpu.vector_load %arg8[%get3A_1097, %get3A_1098] {strides = array<i32>} : memref<8x1024xf32, #tpu.memory_space<vmem>>, vector<1x16xf32>,
              %get3A_1100 = vector.shape_cast %get3A_1099 : vector<1x16xf32> to vector<16xf32>
              %convert_element_type3A_1101 = arith.fptosi %get3A_1100 : vector<16xf32> to vector<16xi32>
              %xor3A_1102 = arith.xori %convert_element_type3A_1095, %convert_element_type3A_1101 : vector<16xi32>
              %or3A_1103 = arith.ori %or3A_1028, %xor3A_1102 : vector<16xi32>
              %get3A_1104 = arith.constant 1 : i32
              %get3A_1105 = arith.index_cast %get3A_1104 : i32 to index
              %get3A_1106 = arith.index_cast %mul3A_1090 : i32 to index
              %get3A_1107 = tpu.vector_load %arg8[%get3A_1105, %get3A_1106] {strides = array<i32>} : memref<8x1024xf32, #tpu.memory_space<vmem>>, vector<1x16xf32>,
              %get3A_1108 = vector.shape_cast %get3A_1107 : vector<1x16xf32> to vector<16xf32>
              %convert_element_type3A_1109 = arith.fptosi %get3A_1108 : vector<16xf32> to vector<16xi32>
              %xor3A_1110 = arith.xori %convert_element_type3A_1095, %convert_element_type3A_1109 : vector<16xi32>
              %or3A_1111 = arith.ori %or3A_1036, %xor3A_1110 : vector<16xi32>
              %get3A_1112 = arith.constant 2 : i32
              %get3A_1113 = arith.index_cast %get3A_1112 : i32 to index
              %get3A_1114 = arith.index_cast %mul3A_1090 : i32 to index
              %get3A_1115 = tpu.vector_load %arg8[%get3A_1113, %get3A_1114] {strides = array<i32>} : memref<8x1024xf32, #tpu.memory_space<vmem>>, vector<1x16xf32>,
              %get3A_1116 = vector.shape_cast %get3A_1115 : vector<1x16xf32> to vector<16xf32>
              %convert_element_type3A_1117 = arith.fptosi %get3A_1116 : vector<16xf32> to vector<16xi32>
              %xor3A_1118 = arith.xori %convert_element_type3A_1095, %convert_element_type3A_1117 : vector<16xi32>
              %or3A_1119 = arith.ori %or3A_1044, %xor3A_1118 : vector<16xi32>
              %get3A_1120 = arith.constant 3 : i32
              %get3A_1121 = arith.index_cast %get3A_1120 : i32 to index
              %get3A_1122 = arith.index_cast %mul3A_1090 : i32 to index
              %get3A_1123 = tpu.vector_load %arg8[%get3A_1121, %get3A_1122] {strides = array<i32>} : memref<8x1024xf32, #tpu.memory_space<vmem>>, vector<1x16xf32>,
              %get3A_1124 = vector.shape_cast %get3A_1123 : vector<1x16xf32> to vector<16xf32>
              %convert_element_type3A_1125 = arith.fptosi %get3A_1124 : vector<16xf32> to vector<16xi32>
              %xor3A_1126 = arith.xori %convert_element_type3A_1095, %convert_element_type3A_1125 : vector<16xi32>
              %or3A_1127 = arith.ori %or3A_1052, %xor3A_1126 : vector<16xi32>
              %get3A_1128 = arith.constant 4 : i32
              %get3A_1129 = arith.index_cast %get3A_1128 : i32 to index
              %get3A_1130 = arith.index_cast %mul3A_1090 : i32 to index
              %get3A_1131 = tpu.vector_load %arg8[%get3A_1129, %get3A_1130] {strides = array<i32>} : memref<8x1024xf32, #tpu.memory_space<vmem>>, vector<1x16xf32>,
              %get3A_1132 = vector.shape_cast %get3A_1131 : vector<1x16xf32> to vector<16xf32>
              %convert_element_type3A_1133 = arith.fptosi %get3A_1132 : vector<16xf32> to vector<16xi32>
              %xor3A_1134 = arith.xori %convert_element_type3A_1095, %convert_element_type3A_1133 : vector<16xi32>
              %or3A_1135 = arith.ori %or3A_1060, %xor3A_1134 : vector<16xi32>
              %get3A_1136 = arith.constant 5 : i32
              %get3A_1137 = arith.index_cast %get3A_1136 : i32 to index
              %get3A_1138 = arith.index_cast %mul3A_1090 : i32 to index
              %get3A_1139 = tpu.vector_load %arg8[%get3A_1137, %get3A_1138] {strides = array<i32>} : memref<8x1024xf32, #tpu.memory_space<vmem>>, vector<1x16xf32>,
              %get3A_1140 = vector.shape_cast %get3A_1139 : vector<1x16xf32> to vector<16xf32>
              %convert_element_type3A_1141 = arith.fptosi %get3A_1140 : vector<16xf32> to vector<16xi32>
              %xor3A_1142 = arith.xori %convert_element_type3A_1095, %convert_element_type3A_1141 : vector<16xi32>
              %or3A_1143 = arith.ori %or3A_1068, %xor3A_1142 : vector<16xi32>
              %get3A_1144 = arith.constant 6 : i32
              %get3A_1145 = arith.index_cast %get3A_1144 : i32 to index
              %get3A_1146 = arith.index_cast %mul3A_1090 : i32 to index
              %get3A_1147 = tpu.vector_load %arg8[%get3A_1145, %get3A_1146] {strides = array<i32>} : memref<8x1024xf32, #tpu.memory_space<vmem>>, vector<1x16xf32>,
              %get3A_1148 = vector.shape_cast %get3A_1147 : vector<1x16xf32> to vector<16xf32>
              %convert_element_type3A_1149 = arith.fptosi %get3A_1148 : vector<16xf32> to vector<16xi32>
              %xor3A_1150 = arith.xori %convert_element_type3A_1095, %convert_element_type3A_1149 : vector<16xi32>
              %or3A_1151 = arith.ori %or3A_1076, %xor3A_1150 : vector<16xi32>
              %get3A_1152 = arith.constant 7 : i32
              %get3A_1153 = arith.index_cast %get3A_1152 : i32 to index
              %get3A_1154 = arith.index_cast %mul3A_1090 : i32 to index
              %get3A_1155 = tpu.vector_load %arg8[%get3A_1153, %get3A_1154] {strides = array<i32>} : memref<8x1024xf32, #tpu.memory_space<vmem>>, vector<1x16xf32>,
              %get3A_1156 = vector.shape_cast %get3A_1155 : vector<1x16xf32> to vector<16xf32>
              %convert_element_type3A_1157 = arith.fptosi %get3A_1156 : vector<16xf32> to vector<16xi32>
              %xor3A_1158 = arith.xori %convert_element_type3A_1095, %convert_element_type3A_1157 : vector<16xi32>
              %or3A_1159 = arith.ori %or3A_1084, %xor3A_1158 : vector<16xi32>
              %mul3A_1160 = arith.constant 4 : i32
              %mul3A_1161 = arith.muli %scan3A_1001, %mul3A_1160 : i32
              %add3A_1162 = arith.constant 2 : i32
              %add3A_1163 = arith.addi %mul3A_1161, %add3A_1162 : i32
              %mul3A_1164 = arith.constant 16 : i32
              %mul3A_1165 = arith.muli %add3A_1163, %mul3A_1164 : i32
              %get3A_1166 = arith.index_cast %scan3A_338 : i32 to index
              %get3A_1167 = arith.index_cast %mul3A_1165 : i32 to index
              %get3A_1168 = tpu.vector_load %arg9[%get3A_1166, %get3A_1167] {strides = array<i32>} : memref<1x1024xf32, #tpu.memory_space<vmem>>, vector<1x16xf32>,
              %get3A_1169 = vector.shape_cast %get3A_1168 : vector<1x16xf32> to vector<16xf32>
              %convert_element_type3A_1170 = arith.fptosi %get3A_1169 : vector<16xf32> to vector<16xi32>
              %get3A_1171 = arith.constant 0 : i32
              %get3A_1172 = arith.index_cast %get3A_1171 : i32 to index
              %get3A_1173 = arith.index_cast %mul3A_1165 : i32 to index
              %get3A_1174 = tpu.vector_load %arg8[%get3A_1172, %get3A_1173] {strides = array<i32>} : memref<8x1024xf32, #tpu.memory_space<vmem>>, vector<1x16xf32>,
              %get3A_1175 = vector.shape_cast %get3A_1174 : vector<1x16xf32> to vector<16xf32>
              %convert_element_type3A_1176 = arith.fptosi %get3A_1175 : vector<16xf32> to vector<16xi32>
              %xor3A_1177 = arith.xori %convert_element_type3A_1170, %convert_element_type3A_1176 : vector<16xi32>
              %or3A_1178 = arith.ori %or3A_1103, %xor3A_1177 : vector<16xi32>
              %get3A_1179 = arith.constant 1 : i32
              %get3A_1180 = arith.index_cast %get3A_1179 : i32 to index
              %get3A_1181 = arith.index_cast %mul3A_1165 : i32 to index
              %get3A_1182 = tpu.vector_load %arg8[%get3A_1180, %get3A_1181] {strides = array<i32>} : memref<8x1024xf32, #tpu.memory_space<vmem>>, vector<1x16xf32>,
              %get3A_1183 = vector.shape_cast %get3A_1182 : vector<1x16xf32> to vector<16xf32>
              %convert_element_type3A_1184 = arith.fptosi %get3A_1183 : vector<16xf32> to vector<16xi32>
              %xor3A_1185 = arith.xori %convert_element_type3A_1170, %convert_element_type3A_1184 : vector<16xi32>
              %or3A_1186 = arith.ori %or3A_1111, %xor3A_1185 : vector<16xi32>
              %get3A_1187 = arith.constant 2 : i32
              %get3A_1188 = arith.index_cast %get3A_1187 : i32 to index
              %get3A_1189 = arith.index_cast %mul3A_1165 : i32 to index
              %get3A_1190 = tpu.vector_load %arg8[%get3A_1188, %get3A_1189] {strides = array<i32>} : memref<8x1024xf32, #tpu.memory_space<vmem>>, vector<1x16xf32>,
              %get3A_1191 = vector.shape_cast %get3A_1190 : vector<1x16xf32> to vector<16xf32>
              %convert_element_type3A_1192 = arith.fptosi %get3A_1191 : vector<16xf32> to vector<16xi32>
              %xor3A_1193 = arith.xori %convert_element_type3A_1170, %convert_element_type3A_1192 : vector<16xi32>
              %or3A_1194 = arith.ori %or3A_1119, %xor3A_1193 : vector<16xi32>
              %get3A_1195 = arith.constant 3 : i32
              %get3A_1196 = arith.index_cast %get3A_1195 : i32 to index
              %get3A_1197 = arith.index_cast %mul3A_1165 : i32 to index
              %get3A_1198 = tpu.vector_load %arg8[%get3A_1196, %get3A_1197] {strides = array<i32>} : memref<8x1024xf32, #tpu.memory_space<vmem>>, vector<1x16xf32>,
              %get3A_1199 = vector.shape_cast %get3A_1198 : vector<1x16xf32> to vector<16xf32>
              %convert_element_type3A_1200 = arith.fptosi %get3A_1199 : vector<16xf32> to vector<16xi32>
              %xor3A_1201 = arith.xori %convert_element_type3A_1170, %convert_element_type3A_1200 : vector<16xi32>
              %or3A_1202 = arith.ori %or3A_1127, %xor3A_1201 : vector<16xi32>
              %get3A_1203 = arith.constant 4 : i32
              %get3A_1204 = arith.index_cast %get3A_1203 : i32 to index
              %get3A_1205 = arith.index_cast %mul3A_1165 : i32 to index
              %get3A_1206 = tpu.vector_load %arg8[%get3A_1204, %get3A_1205] {strides = array<i32>} : memref<8x1024xf32, #tpu.memory_space<vmem>>, vector<1x16xf32>,
              %get3A_1207 = vector.shape_cast %get3A_1206 : vector<1x16xf32> to vector<16xf32>
              %convert_element_type3A_1208 = arith.fptosi %get3A_1207 : vector<16xf32> to vector<16xi32>
              %xor3A_1209 = arith.xori %convert_element_type3A_1170, %convert_element_type3A_1208 : vector<16xi32>
              %or3A_1210 = arith.ori %or3A_1135, %xor3A_1209 : vector<16xi32>
              %get3A_1211 = arith.constant 5 : i32
              %get3A_1212 = arith.index_cast %get3A_1211 : i32 to index
              %get3A_1213 = arith.index_cast %mul3A_1165 : i32 to index
              %get3A_1214 = tpu.vector_load %arg8[%get3A_1212, %get3A_1213] {strides = array<i32>} : memref<8x1024xf32, #tpu.memory_space<vmem>>, vector<1x16xf32>,
              %get3A_1215 = vector.shape_cast %get3A_1214 : vector<1x16xf32> to vector<16xf32>
              %convert_element_type3A_1216 = arith.fptosi %get3A_1215 : vector<16xf32> to vector<16xi32>
              %xor3A_1217 = arith.xori %convert_element_type3A_1170, %convert_element_type3A_1216 : vector<16xi32>
              %or3A_1218 = arith.ori %or3A_1143, %xor3A_1217 : vector<16xi32>
              %get3A_1219 = arith.constant 6 : i32
              %get3A_1220 = arith.index_cast %get3A_1219 : i32 to index
              %get3A_1221 = arith.index_cast %mul3A_1165 : i32 to index
              %get3A_1222 = tpu.vector_load %arg8[%get3A_1220, %get3A_1221] {strides = array<i32>} : memref<8x1024xf32, #tpu.memory_space<vmem>>, vector<1x16xf32>,
              %get3A_1223 = vector.shape_cast %get3A_1222 : vector<1x16xf32> to vector<16xf32>
              %convert_element_type3A_1224 = arith.fptosi %get3A_1223 : vector<16xf32> to vector<16xi32>
              %xor3A_1225 = arith.xori %convert_element_type3A_1170, %convert_element_type3A_1224 : vector<16xi32>
              %or3A_1226 = arith.ori %or3A_1151, %xor3A_1225 : vector<16xi32>
              %get3A_1227 = arith.constant 7 : i32
              %get3A_1228 = arith.index_cast %get3A_1227 : i32 to index
              %get3A_1229 = arith.index_cast %mul3A_1165 : i32 to index
              %get3A_1230 = tpu.vector_load %arg8[%get3A_1228, %get3A_1229] {strides = array<i32>} : memref<8x1024xf32, #tpu.memory_space<vmem>>, vector<1x16xf32>,
              %get3A_1231 = vector.shape_cast %get3A_1230 : vector<1x16xf32> to vector<16xf32>
              %convert_element_type3A_1232 = arith.fptosi %get3A_1231 : vector<16xf32> to vector<16xi32>
              %xor3A_1233 = arith.xori %convert_element_type3A_1170, %convert_element_type3A_1232 : vector<16xi32>
              %or3A_1234 = arith.ori %or3A_1159, %xor3A_1233 : vector<16xi32>
              %mul3A_1235 = arith.constant 4 : i32
              %mul3A_1236 = arith.muli %scan3A_1001, %mul3A_1235 : i32
              %add3A_1237 = arith.constant 3 : i32
              %add3A_1238 = arith.addi %mul3A_1236, %add3A_1237 : i32
              %mul3A_1239 = arith.constant 16 : i32
              %mul3A_1240 = arith.muli %add3A_1238, %mul3A_1239 : i32
              %get3A_1241 = arith.index_cast %scan3A_338 : i32 to index
              %get3A_1242 = arith.index_cast %mul3A_1240 : i32 to index
              %get3A_1243 = tpu.vector_load %arg9[%get3A_1241, %get3A_1242] {strides = array<i32>} : memref<1x1024xf32, #tpu.memory_space<vmem>>, vector<1x16xf32>,
              %get3A_1244 = vector.shape_cast %get3A_1243 : vector<1x16xf32> to vector<16xf32>
              %convert_element_type3A_1245 = arith.fptosi %get3A_1244 : vector<16xf32> to vector<16xi32>
              %get3A_1246 = arith.constant 0 : i32
              %get3A_1247 = arith.index_cast %get3A_1246 : i32 to index
              %get3A_1248 = arith.index_cast %mul3A_1240 : i32 to index
              %get3A_1249 = tpu.vector_load %arg8[%get3A_1247, %get3A_1248] {strides = array<i32>} : memref<8x1024xf32, #tpu.memory_space<vmem>>, vector<1x16xf32>,
              %get3A_1250 = vector.shape_cast %get3A_1249 : vector<1x16xf32> to vector<16xf32>
              %convert_element_type3A_1251 = arith.fptosi %get3A_1250 : vector<16xf32> to vector<16xi32>
              %xor3A_1252 = arith.xori %convert_element_type3A_1245, %convert_element_type3A_1251 : vector<16xi32>
              %or3A_1253 = arith.ori %or3A_1178, %xor3A_1252 : vector<16xi32>
              %get3A_1254 = arith.constant 1 : i32
              %get3A_1255 = arith.index_cast %get3A_1254 : i32 to index
              %get3A_1256 = arith.index_cast %mul3A_1240 : i32 to index
              %get3A_1257 = tpu.vector_load %arg8[%get3A_1255, %get3A_1256] {strides = array<i32>} : memref<8x1024xf32, #tpu.memory_space<vmem>>, vector<1x16xf32>,
              %get3A_1258 = vector.shape_cast %get3A_1257 : vector<1x16xf32> to vector<16xf32>
              %convert_element_type3A_1259 = arith.fptosi %get3A_1258 : vector<16xf32> to vector<16xi32>
              %xor3A_1260 = arith.xori %convert_element_type3A_1245, %convert_element_type3A_1259 : vector<16xi32>
              %or3A_1261 = arith.ori %or3A_1186, %xor3A_1260 : vector<16xi32>
              %get3A_1262 = arith.constant 2 : i32
              %get3A_1263 = arith.index_cast %get3A_1262 : i32 to index
              %get3A_1264 = arith.index_cast %mul3A_1240 : i32 to index
              %get3A_1265 = tpu.vector_load %arg8[%get3A_1263, %get3A_1264] {strides = array<i32>} : memref<8x1024xf32, #tpu.memory_space<vmem>>, vector<1x16xf32>,
              %get3A_1266 = vector.shape_cast %get3A_1265 : vector<1x16xf32> to vector<16xf32>
              %convert_element_type3A_1267 = arith.fptosi %get3A_1266 : vector<16xf32> to vector<16xi32>
              %xor3A_1268 = arith.xori %convert_element_type3A_1245, %convert_element_type3A_1267 : vector<16xi32>
              %or3A_1269 = arith.ori %or3A_1194, %xor3A_1268 : vector<16xi32>
              %get3A_1270 = arith.constant 3 : i32
              %get3A_1271 = arith.index_cast %get3A_1270 : i32 to index
              %get3A_1272 = arith.index_cast %mul3A_1240 : i32 to index
              %get3A_1273 = tpu.vector_load %arg8[%get3A_1271, %get3A_1272] {strides = array<i32>} : memref<8x1024xf32, #tpu.memory_space<vmem>>, vector<1x16xf32>,
              %get3A_1274 = vector.shape_cast %get3A_1273 : vector<1x16xf32> to vector<16xf32>
              %convert_element_type3A_1275 = arith.fptosi %get3A_1274 : vector<16xf32> to vector<16xi32>
              %xor3A_1276 = arith.xori %convert_element_type3A_1245, %convert_element_type3A_1275 : vector<16xi32>
              %or3A_1277 = arith.ori %or3A_1202, %xor3A_1276 : vector<16xi32>
              %get3A_1278 = arith.constant 4 : i32
              %get3A_1279 = arith.index_cast %get3A_1278 : i32 to index
              %get3A_1280 = arith.index_cast %mul3A_1240 : i32 to index
              %get3A_1281 = tpu.vector_load %arg8[%get3A_1279, %get3A_1280] {strides = array<i32>} : memref<8x1024xf32, #tpu.memory_space<vmem>>, vector<1x16xf32>,
              %get3A_1282 = vector.shape_cast %get3A_1281 : vector<1x16xf32> to vector<16xf32>
              %convert_element_type3A_1283 = arith.fptosi %get3A_1282 : vector<16xf32> to vector<16xi32>
              %xor3A_1284 = arith.xori %convert_element_type3A_1245, %convert_element_type3A_1283 : vector<16xi32>
              %or3A_1285 = arith.ori %or3A_1210, %xor3A_1284 : vector<16xi32>
              %get3A_1286 = arith.constant 5 : i32
              %get3A_1287 = arith.index_cast %get3A_1286 : i32 to index
              %get3A_1288 = arith.index_cast %mul3A_1240 : i32 to index
              %get3A_1289 = tpu.vector_load %arg8[%get3A_1287, %get3A_1288] {strides = array<i32>} : memref<8x1024xf32, #tpu.memory_space<vmem>>, vector<1x16xf32>,
              %get3A_1290 = vector.shape_cast %get3A_1289 : vector<1x16xf32> to vector<16xf32>
              %convert_element_type3A_1291 = arith.fptosi %get3A_1290 : vector<16xf32> to vector<16xi32>
              %xor3A_1292 = arith.xori %convert_element_type3A_1245, %convert_element_type3A_1291 : vector<16xi32>
              %or3A_1293 = arith.ori %or3A_1218, %xor3A_1292 : vector<16xi32>
              %get3A_1294 = arith.constant 6 : i32
              %get3A_1295 = arith.index_cast %get3A_1294 : i32 to index
              %get3A_1296 = arith.index_cast %mul3A_1240 : i32 to index
              %get3A_1297 = tpu.vector_load %arg8[%get3A_1295, %get3A_1296] {strides = array<i32>} : memref<8x1024xf32, #tpu.memory_space<vmem>>, vector<1x16xf32>,
              %get3A_1298 = vector.shape_cast %get3A_1297 : vector<1x16xf32> to vector<16xf32>
              %convert_element_type3A_1299 = arith.fptosi %get3A_1298 : vector<16xf32> to vector<16xi32>
              %xor3A_1300 = arith.xori %convert_element_type3A_1245, %convert_element_type3A_1299 : vector<16xi32>
              %or3A_1301 = arith.ori %or3A_1226, %xor3A_1300 : vector<16xi32>
              %get3A_1302 = arith.constant 7 : i32
              %get3A_1303 = arith.index_cast %get3A_1302 : i32 to index
              %get3A_1304 = arith.index_cast %mul3A_1240 : i32 to index
              %get3A_1305 = tpu.vector_load %arg8[%get3A_1303, %get3A_1304] {strides = array<i32>} : memref<8x1024xf32, #tpu.memory_space<vmem>>, vector<1x16xf32>,
              %get3A_1306 = vector.shape_cast %get3A_1305 : vector<1x16xf32> to vector<16xf32>
              %convert_element_type3A_1307 = arith.fptosi %get3A_1306 : vector<16xf32> to vector<16xi32>
              %xor3A_1308 = arith.xori %convert_element_type3A_1245, %convert_element_type3A_1307 : vector<16xi32>
              %or3A_1309 = arith.ori %or3A_1234, %xor3A_1308 : vector<16xi32>
              scf.yield %or3A_1253, %or3A_1261, %or3A_1269, %or3A_1277, %or3A_1285, %or3A_1293, %or3A_1301, %or3A_1309 : vector<16xi32>, vector<16xi32>, vector<16xi32>, vector<16xi32>, vector<16xi32>, vector<16xi32>, vector<16xi32>, vector<16xi32>
            }
            %scan3A_441 = arith.constant 16 : i32
            %mul3A_442 = arith.constant 1 : i32
            %mul3A_443 = arith.muli %scan3A_246, %mul3A_442 : i32
            %add3A_444 = arith.addi %mul3A_443, %scan3A_338 : i32
            %xor3A_445 = arith.constant 8 : i32
            %xor3A_446 = vector.broadcast %xor3A_445 : i32 to vector<16xi32>
            %xor3A_447 = arith.xori %iota3A, %xor3A_446 : vector<16xi32>
            %lt3A_448 = arith.constant 0 : i32
            %lt3A_449 = vector.broadcast %lt3A_448 : i32 to vector<16xi32>
            %lt3A_450 = arith.cmpi slt, %xor3A_447, %lt3A_449 : vector<16xi32>
            %add3A_451 = arith.constant 16 : i32
            %add3A_452 = vector.broadcast %add3A_451 : i32 to vector<16xi32>
            %add3A_453 = arith.addi %xor3A_447, %add3A_452 : vector<16xi32>
            %select_n3A_454 = arith.select %lt3A_450, %add3A_453, %xor3A_447 : vector<16xi1>, vector<16xi32>
            %broadcast_in_dim3A_455 = vector.shape_cast %select_n3A_454 : vector<16xi32> to vector<16x1xi32>
            %gather3A_456 = vector.shape_cast %broadcast_in_dim3A_455 : vector<16x1xi32> to vector<16xi32>
            %gather3A_457 = tpu.dynamic_gather %scan3A_440#0[%gather3A_456] in [0] : vector<16xi32>, vector<16xi32> -> vector<16xi32>
            %or3A_458 = arith.ori %scan3A_440#0, %gather3A_457 : vector<16xi32>
            %xor3A_459 = arith.constant 4 : i32
            %xor3A_460 = vector.broadcast %xor3A_459 : i32 to vector<16xi32>
            %xor3A_461 = arith.xori %iota3A, %xor3A_460 : vector<16xi32>
            %lt3A_462 = arith.constant 0 : i32
            %lt3A_463 = vector.broadcast %lt3A_462 : i32 to vector<16xi32>
            %lt3A_464 = arith.cmpi slt, %xor3A_461, %lt3A_463 : vector<16xi32>
            %add3A_465 = arith.constant 16 : i32
            %add3A_466 = vector.broadcast %add3A_465 : i32 to vector<16xi32>
            %add3A_467 = arith.addi %xor3A_461, %add3A_466 : vector<16xi32>
            %select_n3A_468 = arith.select %lt3A_464, %add3A_467, %xor3A_461 : vector<16xi1>, vector<16xi32>
            %broadcast_in_dim3A_469 = vector.shape_cast %select_n3A_468 : vector<16xi32> to vector<16x1xi32>
            %gather3A_470 = vector.shape_cast %broadcast_in_dim3A_469 : vector<16x1xi32> to vector<16xi32>
            %gather3A_471 = tpu.dynamic_gather %or3A_458[%gather3A_470] in [0] : vector<16xi32>, vector<16xi32> -> vector<16xi32>
            %or3A_472 = arith.ori %or3A_458, %gather3A_471 : vector<16xi32>
            %xor3A_473 = arith.constant 2 : i32
            %xor3A_474 = vector.broadcast %xor3A_473 : i32 to vector<16xi32>
            %xor3A_475 = arith.xori %iota3A, %xor3A_474 : vector<16xi32>
            %lt3A_476 = arith.constant 0 : i32
            %lt3A_477 = vector.broadcast %lt3A_476 : i32 to vector<16xi32>
            %lt3A_478 = arith.cmpi slt, %xor3A_475, %lt3A_477 : vector<16xi32>
            %add3A_479 = arith.constant 16 : i32
            %add3A_480 = vector.broadcast %add3A_479 : i32 to vector<16xi32>
            %add3A_481 = arith.addi %xor3A_475, %add3A_480 : vector<16xi32>
            %select_n3A_482 = arith.select %lt3A_478, %add3A_481, %xor3A_475 : vector<16xi1>, vector<16xi32>
            %broadcast_in_dim3A_483 = vector.shape_cast %select_n3A_482 : vector<16xi32> to vector<16x1xi32>
            %gather3A_484 = vector.shape_cast %broadcast_in_dim3A_483 : vector<16x1xi32> to vector<16xi32>
            %gather3A_485 = tpu.dynamic_gather %or3A_472[%gather3A_484] in [0] : vector<16xi32>, vector<16xi32> -> vector<16xi32>
            %or3A_486 = arith.ori %or3A_472, %gather3A_485 : vector<16xi32>
            %xor3A_487 = arith.constant 1 : i32
            %xor3A_488 = vector.broadcast %xor3A_487 : i32 to vector<16xi32>
            %xor3A_489 = arith.xori %iota3A, %xor3A_488 : vector<16xi32>
            %lt3A_490 = arith.constant 0 : i32
            %lt3A_491 = vector.broadcast %lt3A_490 : i32 to vector<16xi32>
            %lt3A_492 = arith.cmpi slt, %xor3A_489, %lt3A_491 : vector<16xi32>
            %add3A_493 = arith.constant 16 : i32
            %add3A_494 = vector.broadcast %add3A_493 : i32 to vector<16xi32>
            %add3A_495 = arith.addi %xor3A_489, %add3A_494 : vector<16xi32>
            %select_n3A_496 = arith.select %lt3A_492, %add3A_495, %xor3A_489 : vector<16xi1>, vector<16xi32>
            %broadcast_in_dim3A_497 = vector.shape_cast %select_n3A_496 : vector<16xi32> to vector<16x1xi32>
            %gather3A_498 = vector.shape_cast %broadcast_in_dim3A_497 : vector<16x1xi32> to vector<16xi32>
            %gather3A_499 = tpu.dynamic_gather %or3A_486[%gather3A_498] in [0] : vector<16xi32>, vector<16xi32> -> vector<16xi32>
            %or3A_500 = arith.ori %or3A_486, %gather3A_499 : vector<16xi32>
            %eq3A_501 = arith.constant 0 : i32
            %eq3A_502 = vector.broadcast %eq3A_501 : i32 to vector<16xi32>
            %eq3A_503 = arith.cmpi eq, %or3A_500, %eq3A_502 : vector<16xi32>
            %eq3A_504 = arith.constant 0 : i32
            %eq3A_505 = vector.broadcast %eq3A_504 : i32 to vector<16xi32>
            %eq3A_506 = arith.cmpi eq, %iota3A, %eq3A_505 : vector<16xi32>
            %lt3A_507 = arith.constant 0 : i32
            %lt3A_508 = vector.broadcast %lt3A_507 : i32 to vector<16xi32>
            %lt3A_509 = arith.cmpi slt, %get3A_341, %lt3A_508 : vector<16xi32>
            %and3A_510 = arith.andi %eq3A_506, %lt3A_509 : vector<16xi1>
            %and3A_511 = arith.andi %and3A_510, %eq3A_503 : vector<16xi1>
            %broadcast_in_dim3A_512 = vector.broadcast %add3A_444 : i32 to vector<16xi32>
            %select_n3A_513 = arith.select %and3A_511, %broadcast_in_dim3A_512, %get3A_341 : vector<16xi1>, vector<16xi32>
            %xor3A_514 = arith.constant 8 : i32
            %xor3A_515 = vector.broadcast %xor3A_514 : i32 to vector<16xi32>
            %xor3A_516 = arith.xori %iota3A, %xor3A_515 : vector<16xi32>
            %lt3A_517 = arith.constant 0 : i32
            %lt3A_518 = vector.broadcast %lt3A_517 : i32 to vector<16xi32>
            %lt3A_519 = arith.cmpi slt, %xor3A_516, %lt3A_518 : vector<16xi32>
            %add3A_520 = arith.constant 16 : i32
            %add3A_521 = vector.broadcast %add3A_520 : i32 to vector<16xi32>
            %add3A_522 = arith.addi %xor3A_516, %add3A_521 : vector<16xi32>
            %select_n3A_523 = arith.select %lt3A_519, %add3A_522, %xor3A_516 : vector<16xi1>, vector<16xi32>
            %broadcast_in_dim3A_524 = vector.shape_cast %select_n3A_523 : vector<16xi32> to vector<16x1xi32>
            %gather3A_525 = vector.shape_cast %broadcast_in_dim3A_524 : vector<16x1xi32> to vector<16xi32>
            %gather3A_526 = tpu.dynamic_gather %scan3A_440#1[%gather3A_525] in [0] : vector<16xi32>, vector<16xi32> -> vector<16xi32>
            %or3A_527 = arith.ori %scan3A_440#1, %gather3A_526 : vector<16xi32>
            %xor3A_528 = arith.constant 4 : i32
            %xor3A_529 = vector.broadcast %xor3A_528 : i32 to vector<16xi32>
            %xor3A_530 = arith.xori %iota3A, %xor3A_529 : vector<16xi32>
            %lt3A_531 = arith.constant 0 : i32
            %lt3A_532 = vector.broadcast %lt3A_531 : i32 to vector<16xi32>
            %lt3A_533 = arith.cmpi slt, %xor3A_530, %lt3A_532 : vector<16xi32>
            %add3A_534 = arith.constant 16 : i32
            %add3A_535 = vector.broadcast %add3A_534 : i32 to vector<16xi32>
            %add3A_536 = arith.addi %xor3A_530, %add3A_535 : vector<16xi32>
            %select_n3A_537 = arith.select %lt3A_533, %add3A_536, %xor3A_530 : vector<16xi1>, vector<16xi32>
            %broadcast_in_dim3A_538 = vector.shape_cast %select_n3A_537 : vector<16xi32> to vector<16x1xi32>
            %gather3A_539 = vector.shape_cast %broadcast_in_dim3A_538 : vector<16x1xi32> to vector<16xi32>
            %gather3A_540 = tpu.dynamic_gather %or3A_527[%gather3A_539] in [0] : vector<16xi32>, vector<16xi32> -> vector<16xi32>
            %or3A_541 = arith.ori %or3A_527, %gather3A_540 : vector<16xi32>
            %xor3A_542 = arith.constant 2 : i32
            %xor3A_543 = vector.broadcast %xor3A_542 : i32 to vector<16xi32>
            %xor3A_544 = arith.xori %iota3A, %xor3A_543 : vector<16xi32>
            %lt3A_545 = arith.constant 0 : i32
            %lt3A_546 = vector.broadcast %lt3A_545 : i32 to vector<16xi32>
            %lt3A_547 = arith.cmpi slt, %xor3A_544, %lt3A_546 : vector<16xi32>
            %add3A_548 = arith.constant 16 : i32
            %add3A_549 = vector.broadcast %add3A_548 : i32 to vector<16xi32>
            %add3A_550 = arith.addi %xor3A_544, %add3A_549 : vector<16xi32>
            %select_n3A_551 = arith.select %lt3A_547, %add3A_550, %xor3A_544 : vector<16xi1>, vector<16xi32>
            %broadcast_in_dim3A_552 = vector.shape_cast %select_n3A_551 : vector<16xi32> to vector<16x1xi32>
            %gather3A_553 = vector.shape_cast %broadcast_in_dim3A_552 : vector<16x1xi32> to vector<16xi32>
            %gather3A_554 = tpu.dynamic_gather %or3A_541[%gather3A_553] in [0] : vector<16xi32>, vector<16xi32> -> vector<16xi32>
            %or3A_555 = arith.ori %or3A_541, %gather3A_554 : vector<16xi32>
            %xor3A_556 = arith.constant 1 : i32
            %xor3A_557 = vector.broadcast %xor3A_556 : i32 to vector<16xi32>
            %xor3A_558 = arith.xori %iota3A, %xor3A_557 : vector<16xi32>
            %lt3A_559 = arith.constant 0 : i32
            %lt3A_560 = vector.broadcast %lt3A_559 : i32 to vector<16xi32>
            %lt3A_561 = arith.cmpi slt, %xor3A_558, %lt3A_560 : vector<16xi32>
            %add3A_562 = arith.constant 16 : i32
            %add3A_563 = vector.broadcast %add3A_562 : i32 to vector<16xi32>
            %add3A_564 = arith.addi %xor3A_558, %add3A_563 : vector<16xi32>
            %select_n3A_565 = arith.select %lt3A_561, %add3A_564, %xor3A_558 : vector<16xi1>, vector<16xi32>
            %broadcast_in_dim3A_566 = vector.shape_cast %select_n3A_565 : vector<16xi32> to vector<16x1xi32>
            %gather3A_567 = vector.shape_cast %broadcast_in_dim3A_566 : vector<16x1xi32> to vector<16xi32>
            %gather3A_568 = tpu.dynamic_gather %or3A_555[%gather3A_567] in [0] : vector<16xi32>, vector<16xi32> -> vector<16xi32>
            %or3A_569 = arith.ori %or3A_555, %gather3A_568 : vector<16xi32>
            %eq3A_570 = arith.constant 0 : i32
            %eq3A_571 = vector.broadcast %eq3A_570 : i32 to vector<16xi32>
            %eq3A_572 = arith.cmpi eq, %or3A_569, %eq3A_571 : vector<16xi32>
            %eq3A_573 = arith.constant 1 : i32
            %eq3A_574 = vector.broadcast %eq3A_573 : i32 to vector<16xi32>
            %eq3A_575 = arith.cmpi eq, %iota3A, %eq3A_574 : vector<16xi32>
            %lt3A_576 = arith.constant 0 : i32
            %lt3A_577 = vector.broadcast %lt3A_576 : i32 to vector<16xi32>
            %lt3A_578 = arith.cmpi slt, %select_n3A_513, %lt3A_577 : vector<16xi32>
            %and3A_579 = arith.andi %eq3A_575, %lt3A_578 : vector<16xi1>
            %and3A_580 = arith.andi %and3A_579, %eq3A_572 : vector<16xi1>
            %broadcast_in_dim3A_581 = vector.broadcast %add3A_444 : i32 to vector<16xi32>
            %select_n3A_582 = arith.select %and3A_580, %broadcast_in_dim3A_581, %select_n3A_513 : vector<16xi1>, vector<16xi32>
            %xor3A_583 = arith.constant 8 : i32
            %xor3A_584 = vector.broadcast %xor3A_583 : i32 to vector<16xi32>
            %xor3A_585 = arith.xori %iota3A, %xor3A_584 : vector<16xi32>
            %lt3A_586 = arith.constant 0 : i32
            %lt3A_587 = vector.broadcast %lt3A_586 : i32 to vector<16xi32>
            %lt3A_588 = arith.cmpi slt, %xor3A_585, %lt3A_587 : vector<16xi32>
            %add3A_589 = arith.constant 16 : i32
            %add3A_590 = vector.broadcast %add3A_589 : i32 to vector<16xi32>
            %add3A_591 = arith.addi %xor3A_585, %add3A_590 : vector<16xi32>
            %select_n3A_592 = arith.select %lt3A_588, %add3A_591, %xor3A_585 : vector<16xi1>, vector<16xi32>
            %broadcast_in_dim3A_593 = vector.shape_cast %select_n3A_592 : vector<16xi32> to vector<16x1xi32>
            %gather3A_594 = vector.shape_cast %broadcast_in_dim3A_593 : vector<16x1xi32> to vector<16xi32>
            %gather3A_595 = tpu.dynamic_gather %scan3A_440#2[%gather3A_594] in [0] : vector<16xi32>, vector<16xi32> -> vector<16xi32>
            %or3A_596 = arith.ori %scan3A_440#2, %gather3A_595 : vector<16xi32>
            %xor3A_597 = arith.constant 4 : i32
            %xor3A_598 = vector.broadcast %xor3A_597 : i32 to vector<16xi32>
            %xor3A_599 = arith.xori %iota3A, %xor3A_598 : vector<16xi32>
            %lt3A_600 = arith.constant 0 : i32
            %lt3A_601 = vector.broadcast %lt3A_600 : i32 to vector<16xi32>
            %lt3A_602 = arith.cmpi slt, %xor3A_599, %lt3A_601 : vector<16xi32>
            %add3A_603 = arith.constant 16 : i32
            %add3A_604 = vector.broadcast %add3A_603 : i32 to vector<16xi32>
            %add3A_605 = arith.addi %xor3A_599, %add3A_604 : vector<16xi32>
            %select_n3A_606 = arith.select %lt3A_602, %add3A_605, %xor3A_599 : vector<16xi1>, vector<16xi32>
            %broadcast_in_dim3A_607 = vector.shape_cast %select_n3A_606 : vector<16xi32> to vector<16x1xi32>
            %gather3A_608 = vector.shape_cast %broadcast_in_dim3A_607 : vector<16x1xi32> to vector<16xi32>
            %gather3A_609 = tpu.dynamic_gather %or3A_596[%gather3A_608] in [0] : vector<16xi32>, vector<16xi32> -> vector<16xi32>
            %or3A_610 = arith.ori %or3A_596, %gather3A_609 : vector<16xi32>
            %xor3A_611 = arith.constant 2 : i32
            %xor3A_612 = vector.broadcast %xor3A_611 : i32 to vector<16xi32>
            %xor3A_613 = arith.xori %iota3A, %xor3A_612 : vector<16xi32>
            %lt3A_614 = arith.constant 0 : i32
            %lt3A_615 = vector.broadcast %lt3A_614 : i32 to vector<16xi32>
            %lt3A_616 = arith.cmpi slt, %xor3A_613, %lt3A_615 : vector<16xi32>
            %add3A_617 = arith.constant 16 : i32
            %add3A_618 = vector.broadcast %add3A_617 : i32 to vector<16xi32>
            %add3A_619 = arith.addi %xor3A_613, %add3A_618 : vector<16xi32>
            %select_n3A_620 = arith.select %lt3A_616, %add3A_619, %xor3A_613 : vector<16xi1>, vector<16xi32>
            %broadcast_in_dim3A_621 = vector.shape_cast %select_n3A_620 : vector<16xi32> to vector<16x1xi32>
            %gather3A_622 = vector.shape_cast %broadcast_in_dim3A_621 : vector<16x1xi32> to vector<16xi32>
            %gather3A_623 = tpu.dynamic_gather %or3A_610[%gather3A_622] in [0] : vector<16xi32>, vector<16xi32> -> vector<16xi32>
            %or3A_624 = arith.ori %or3A_610, %gather3A_623 : vector<16xi32>
            %xor3A_625 = arith.constant 1 : i32
            %xor3A_626 = vector.broadcast %xor3A_625 : i32 to vector<16xi32>
            %xor3A_627 = arith.xori %iota3A, %xor3A_626 : vector<16xi32>
            %lt3A_628 = arith.constant 0 : i32
            %lt3A_629 = vector.broadcast %lt3A_628 : i32 to vector<16xi32>
            %lt3A_630 = arith.cmpi slt, %xor3A_627, %lt3A_629 : vector<16xi32>
            %add3A_631 = arith.constant 16 : i32
            %add3A_632 = vector.broadcast %add3A_631 : i32 to vector<16xi32>
            %add3A_633 = arith.addi %xor3A_627, %add3A_632 : vector<16xi32>
            %select_n3A_634 = arith.select %lt3A_630, %add3A_633, %xor3A_627 : vector<16xi1>, vector<16xi32>
            %broadcast_in_dim3A_635 = vector.shape_cast %select_n3A_634 : vector<16xi32> to vector<16x1xi32>
            %gather3A_636 = vector.shape_cast %broadcast_in_dim3A_635 : vector<16x1xi32> to vector<16xi32>
            %gather3A_637 = tpu.dynamic_gather %or3A_624[%gather3A_636] in [0] : vector<16xi32>, vector<16xi32> -> vector<16xi32>
            %or3A_638 = arith.ori %or3A_624, %gather3A_637 : vector<16xi32>
            %eq3A_639 = arith.constant 0 : i32
            %eq3A_640 = vector.broadcast %eq3A_639 : i32 to vector<16xi32>
            %eq3A_641 = arith.cmpi eq, %or3A_638, %eq3A_640 : vector<16xi32>
            %eq3A_642 = arith.constant 2 : i32
            %eq3A_643 = vector.broadcast %eq3A_642 : i32 to vector<16xi32>
            %eq3A_644 = arith.cmpi eq, %iota3A, %eq3A_643 : vector<16xi32>
            %lt3A_645 = arith.constant 0 : i32
            %lt3A_646 = vector.broadcast %lt3A_645 : i32 to vector<16xi32>
            %lt3A_647 = arith.cmpi slt, %select_n3A_582, %lt3A_646 : vector<16xi32>
            %and3A_648 = arith.andi %eq3A_644, %lt3A_647 : vector<16xi1>
            %and3A_649 = arith.andi %and3A_648, %eq3A_641 : vector<16xi1>
            %broadcast_in_dim3A_650 = vector.broadcast %add3A_444 : i32 to vector<16xi32>
            %select_n3A_651 = arith.select %and3A_649, %broadcast_in_dim3A_650, %select_n3A_582 : vector<16xi1>, vector<16xi32>
            %xor3A_652 = arith.constant 8 : i32
            %xor3A_653 = vector.broadcast %xor3A_652 : i32 to vector<16xi32>
            %xor3A_654 = arith.xori %iota3A, %xor3A_653 : vector<16xi32>
            %lt3A_655 = arith.constant 0 : i32
            %lt3A_656 = vector.broadcast %lt3A_655 : i32 to vector<16xi32>
            %lt3A_657 = arith.cmpi slt, %xor3A_654, %lt3A_656 : vector<16xi32>
            %add3A_658 = arith.constant 16 : i32
            %add3A_659 = vector.broadcast %add3A_658 : i32 to vector<16xi32>
            %add3A_660 = arith.addi %xor3A_654, %add3A_659 : vector<16xi32>
            %select_n3A_661 = arith.select %lt3A_657, %add3A_660, %xor3A_654 : vector<16xi1>, vector<16xi32>
            %broadcast_in_dim3A_662 = vector.shape_cast %select_n3A_661 : vector<16xi32> to vector<16x1xi32>
            %gather3A_663 = vector.shape_cast %broadcast_in_dim3A_662 : vector<16x1xi32> to vector<16xi32>
            %gather3A_664 = tpu.dynamic_gather %scan3A_440#3[%gather3A_663] in [0] : vector<16xi32>, vector<16xi32> -> vector<16xi32>
            %or3A_665 = arith.ori %scan3A_440#3, %gather3A_664 : vector<16xi32>
            %xor3A_666 = arith.constant 4 : i32
            %xor3A_667 = vector.broadcast %xor3A_666 : i32 to vector<16xi32>
            %xor3A_668 = arith.xori %iota3A, %xor3A_667 : vector<16xi32>
            %lt3A_669 = arith.constant 0 : i32
            %lt3A_670 = vector.broadcast %lt3A_669 : i32 to vector<16xi32>
            %lt3A_671 = arith.cmpi slt, %xor3A_668, %lt3A_670 : vector<16xi32>
            %add3A_672 = arith.constant 16 : i32
            %add3A_673 = vector.broadcast %add3A_672 : i32 to vector<16xi32>
            %add3A_674 = arith.addi %xor3A_668, %add3A_673 : vector<16xi32>
            %select_n3A_675 = arith.select %lt3A_671, %add3A_674, %xor3A_668 : vector<16xi1>, vector<16xi32>
            %broadcast_in_dim3A_676 = vector.shape_cast %select_n3A_675 : vector<16xi32> to vector<16x1xi32>
            %gather3A_677 = vector.shape_cast %broadcast_in_dim3A_676 : vector<16x1xi32> to vector<16xi32>
            %gather3A_678 = tpu.dynamic_gather %or3A_665[%gather3A_677] in [0] : vector<16xi32>, vector<16xi32> -> vector<16xi32>
            %or3A_679 = arith.ori %or3A_665, %gather3A_678 : vector<16xi32>
            %xor3A_680 = arith.constant 2 : i32
            %xor3A_681 = vector.broadcast %xor3A_680 : i32 to vector<16xi32>
            %xor3A_682 = arith.xori %iota3A, %xor3A_681 : vector<16xi32>
            %lt3A_683 = arith.constant 0 : i32
            %lt3A_684 = vector.broadcast %lt3A_683 : i32 to vector<16xi32>
            %lt3A_685 = arith.cmpi slt, %xor3A_682, %lt3A_684 : vector<16xi32>
            %add3A_686 = arith.constant 16 : i32
            %add3A_687 = vector.broadcast %add3A_686 : i32 to vector<16xi32>
            %add3A_688 = arith.addi %xor3A_682, %add3A_687 : vector<16xi32>
            %select_n3A_689 = arith.select %lt3A_685, %add3A_688, %xor3A_682 : vector<16xi1>, vector<16xi32>
            %broadcast_in_dim3A_690 = vector.shape_cast %select_n3A_689 : vector<16xi32> to vector<16x1xi32>
            %gather3A_691 = vector.shape_cast %broadcast_in_dim3A_690 : vector<16x1xi32> to vector<16xi32>
            %gather3A_692 = tpu.dynamic_gather %or3A_679[%gather3A_691] in [0] : vector<16xi32>, vector<16xi32> -> vector<16xi32>
            %or3A_693 = arith.ori %or3A_679, %gather3A_692 : vector<16xi32>
            %xor3A_694 = arith.constant 1 : i32
            %xor3A_695 = vector.broadcast %xor3A_694 : i32 to vector<16xi32>
            %xor3A_696 = arith.xori %iota3A, %xor3A_695 : vector<16xi32>
            %lt3A_697 = arith.constant 0 : i32
            %lt3A_698 = vector.broadcast %lt3A_697 : i32 to vector<16xi32>
            %lt3A_699 = arith.cmpi slt, %xor3A_696, %lt3A_698 : vector<16xi32>
            %add3A_700 = arith.constant 16 : i32
            %add3A_701 = vector.broadcast %add3A_700 : i32 to vector<16xi32>
            %add3A_702 = arith.addi %xor3A_696, %add3A_701 : vector<16xi32>
            %select_n3A_703 = arith.select %lt3A_699, %add3A_702, %xor3A_696 : vector<16xi1>, vector<16xi32>
            %broadcast_in_dim3A_704 = vector.shape_cast %select_n3A_703 : vector<16xi32> to vector<16x1xi32>
            %gather3A_705 = vector.shape_cast %broadcast_in_dim3A_704 : vector<16x1xi32> to vector<16xi32>
            %gather3A_706 = tpu.dynamic_gather %or3A_693[%gather3A_705] in [0] : vector<16xi32>, vector<16xi32> -> vector<16xi32>
            %or3A_707 = arith.ori %or3A_693, %gather3A_706 : vector<16xi32>
            %eq3A_708 = arith.constant 0 : i32
            %eq3A_709 = vector.broadcast %eq3A_708 : i32 to vector<16xi32>
            %eq3A_710 = arith.cmpi eq, %or3A_707, %eq3A_709 : vector<16xi32>
            %eq3A_711 = arith.constant 3 : i32
            %eq3A_712 = vector.broadcast %eq3A_711 : i32 to vector<16xi32>
            %eq3A_713 = arith.cmpi eq, %iota3A, %eq3A_712 : vector<16xi32>
            %lt3A_714 = arith.constant 0 : i32
            %lt3A_715 = vector.broadcast %lt3A_714 : i32 to vector<16xi32>
            %lt3A_716 = arith.cmpi slt, %select_n3A_651, %lt3A_715 : vector<16xi32>
            %and3A_717 = arith.andi %eq3A_713, %lt3A_716 : vector<16xi1>
            %and3A_718 = arith.andi %and3A_717, %eq3A_710 : vector<16xi1>
            %broadcast_in_dim3A_719 = vector.broadcast %add3A_444 : i32 to vector<16xi32>
            %select_n3A_720 = arith.select %and3A_718, %broadcast_in_dim3A_719, %select_n3A_651 : vector<16xi1>, vector<16xi32>
            %xor3A_721 = arith.constant 8 : i32
            %xor3A_722 = vector.broadcast %xor3A_721 : i32 to vector<16xi32>
            %xor3A_723 = arith.xori %iota3A, %xor3A_722 : vector<16xi32>
            %lt3A_724 = arith.constant 0 : i32
            %lt3A_725 = vector.broadcast %lt3A_724 : i32 to vector<16xi32>
            %lt3A_726 = arith.cmpi slt, %xor3A_723, %lt3A_725 : vector<16xi32>
            %add3A_727 = arith.constant 16 : i32
            %add3A_728 = vector.broadcast %add3A_727 : i32 to vector<16xi32>
            %add3A_729 = arith.addi %xor3A_723, %add3A_728 : vector<16xi32>
            %select_n3A_730 = arith.select %lt3A_726, %add3A_729, %xor3A_723 : vector<16xi1>, vector<16xi32>
            %broadcast_in_dim3A_731 = vector.shape_cast %select_n3A_730 : vector<16xi32> to vector<16x1xi32>
            %gather3A_732 = vector.shape_cast %broadcast_in_dim3A_731 : vector<16x1xi32> to vector<16xi32>
            %gather3A_733 = tpu.dynamic_gather %scan3A_440#4[%gather3A_732] in [0] : vector<16xi32>, vector<16xi32> -> vector<16xi32>
            %or3A_734 = arith.ori %scan3A_440#4, %gather3A_733 : vector<16xi32>
            %xor3A_735 = arith.constant 4 : i32
            %xor3A_736 = vector.broadcast %xor3A_735 : i32 to vector<16xi32>
            %xor3A_737 = arith.xori %iota3A, %xor3A_736 : vector<16xi32>
            %lt3A_738 = arith.constant 0 : i32
            %lt3A_739 = vector.broadcast %lt3A_738 : i32 to vector<16xi32>
            %lt3A_740 = arith.cmpi slt, %xor3A_737, %lt3A_739 : vector<16xi32>
            %add3A_741 = arith.constant 16 : i32
            %add3A_742 = vector.broadcast %add3A_741 : i32 to vector<16xi32>
            %add3A_743 = arith.addi %xor3A_737, %add3A_742 : vector<16xi32>
            %select_n3A_744 = arith.select %lt3A_740, %add3A_743, %xor3A_737 : vector<16xi1>, vector<16xi32>
            %broadcast_in_dim3A_745 = vector.shape_cast %select_n3A_744 : vector<16xi32> to vector<16x1xi32>
            %gather3A_746 = vector.shape_cast %broadcast_in_dim3A_745 : vector<16x1xi32> to vector<16xi32>
            %gather3A_747 = tpu.dynamic_gather %or3A_734[%gather3A_746] in [0] : vector<16xi32>, vector<16xi32> -> vector<16xi32>
            %or3A_748 = arith.ori %or3A_734, %gather3A_747 : vector<16xi32>
            %xor3A_749 = arith.constant 2 : i32
            %xor3A_750 = vector.broadcast %xor3A_749 : i32 to vector<16xi32>
            %xor3A_751 = arith.xori %iota3A, %xor3A_750 : vector<16xi32>
            %lt3A_752 = arith.constant 0 : i32
            %lt3A_753 = vector.broadcast %lt3A_752 : i32 to vector<16xi32>
            %lt3A_754 = arith.cmpi slt, %xor3A_751, %lt3A_753 : vector<16xi32>
            %add3A_755 = arith.constant 16 : i32
            %add3A_756 = vector.broadcast %add3A_755 : i32 to vector<16xi32>
            %add3A_757 = arith.addi %xor3A_751, %add3A_756 : vector<16xi32>
            %select_n3A_758 = arith.select %lt3A_754, %add3A_757, %xor3A_751 : vector<16xi1>, vector<16xi32>
            %broadcast_in_dim3A_759 = vector.shape_cast %select_n3A_758 : vector<16xi32> to vector<16x1xi32>
            %gather3A_760 = vector.shape_cast %broadcast_in_dim3A_759 : vector<16x1xi32> to vector<16xi32>
            %gather3A_761 = tpu.dynamic_gather %or3A_748[%gather3A_760] in [0] : vector<16xi32>, vector<16xi32> -> vector<16xi32>
            %or3A_762 = arith.ori %or3A_748, %gather3A_761 : vector<16xi32>
            %xor3A_763 = arith.constant 1 : i32
            %xor3A_764 = vector.broadcast %xor3A_763 : i32 to vector<16xi32>
            %xor3A_765 = arith.xori %iota3A, %xor3A_764 : vector<16xi32>
            %lt3A_766 = arith.constant 0 : i32
            %lt3A_767 = vector.broadcast %lt3A_766 : i32 to vector<16xi32>
            %lt3A_768 = arith.cmpi slt, %xor3A_765, %lt3A_767 : vector<16xi32>
            %add3A_769 = arith.constant 16 : i32
            %add3A_770 = vector.broadcast %add3A_769 : i32 to vector<16xi32>
            %add3A_771 = arith.addi %xor3A_765, %add3A_770 : vector<16xi32>
            %select_n3A_772 = arith.select %lt3A_768, %add3A_771, %xor3A_765 : vector<16xi1>, vector<16xi32>
            %broadcast_in_dim3A_773 = vector.shape_cast %select_n3A_772 : vector<16xi32> to vector<16x1xi32>
            %gather3A_774 = vector.shape_cast %broadcast_in_dim3A_773 : vector<16x1xi32> to vector<16xi32>
            %gather3A_775 = tpu.dynamic_gather %or3A_762[%gather3A_774] in [0] : vector<16xi32>, vector<16xi32> -> vector<16xi32>
            %or3A_776 = arith.ori %or3A_762, %gather3A_775 : vector<16xi32>
            %eq3A_777 = arith.constant 0 : i32
            %eq3A_778 = vector.broadcast %eq3A_777 : i32 to vector<16xi32>
            %eq3A_779 = arith.cmpi eq, %or3A_776, %eq3A_778 : vector<16xi32>
            %eq3A_780 = arith.constant 4 : i32
            %eq3A_781 = vector.broadcast %eq3A_780 : i32 to vector<16xi32>
            %eq3A_782 = arith.cmpi eq, %iota3A, %eq3A_781 : vector<16xi32>
            %lt3A_783 = arith.constant 0 : i32
            %lt3A_784 = vector.broadcast %lt3A_783 : i32 to vector<16xi32>
            %lt3A_785 = arith.cmpi slt, %select_n3A_720, %lt3A_784 : vector<16xi32>
            %and3A_786 = arith.andi %eq3A_782, %lt3A_785 : vector<16xi1>
            %and3A_787 = arith.andi %and3A_786, %eq3A_779 : vector<16xi1>
            %broadcast_in_dim3A_788 = vector.broadcast %add3A_444 : i32 to vector<16xi32>
            %select_n3A_789 = arith.select %and3A_787, %broadcast_in_dim3A_788, %select_n3A_720 : vector<16xi1>, vector<16xi32>
            %xor3A_790 = arith.constant 8 : i32
            %xor3A_791 = vector.broadcast %xor3A_790 : i32 to vector<16xi32>
            %xor3A_792 = arith.xori %iota3A, %xor3A_791 : vector<16xi32>
            %lt3A_793 = arith.constant 0 : i32
            %lt3A_794 = vector.broadcast %lt3A_793 : i32 to vector<16xi32>
            %lt3A_795 = arith.cmpi slt, %xor3A_792, %lt3A_794 : vector<16xi32>
            %add3A_796 = arith.constant 16 : i32
            %add3A_797 = vector.broadcast %add3A_796 : i32 to vector<16xi32>
            %add3A_798 = arith.addi %xor3A_792, %add3A_797 : vector<16xi32>
            %select_n3A_799 = arith.select %lt3A_795, %add3A_798, %xor3A_792 : vector<16xi1>, vector<16xi32>
            %broadcast_in_dim3A_800 = vector.shape_cast %select_n3A_799 : vector<16xi32> to vector<16x1xi32>
            %gather3A_801 = vector.shape_cast %broadcast_in_dim3A_800 : vector<16x1xi32> to vector<16xi32>
            %gather3A_802 = tpu.dynamic_gather %scan3A_440#5[%gather3A_801] in [0] : vector<16xi32>, vector<16xi32> -> vector<16xi32>
            %or3A_803 = arith.ori %scan3A_440#5, %gather3A_802 : vector<16xi32>
            %xor3A_804 = arith.constant 4 : i32
            %xor3A_805 = vector.broadcast %xor3A_804 : i32 to vector<16xi32>
            %xor3A_806 = arith.xori %iota3A, %xor3A_805 : vector<16xi32>
            %lt3A_807 = arith.constant 0 : i32
            %lt3A_808 = vector.broadcast %lt3A_807 : i32 to vector<16xi32>
            %lt3A_809 = arith.cmpi slt, %xor3A_806, %lt3A_808 : vector<16xi32>
            %add3A_810 = arith.constant 16 : i32
            %add3A_811 = vector.broadcast %add3A_810 : i32 to vector<16xi32>
            %add3A_812 = arith.addi %xor3A_806, %add3A_811 : vector<16xi32>
            %select_n3A_813 = arith.select %lt3A_809, %add3A_812, %xor3A_806 : vector<16xi1>, vector<16xi32>
            %broadcast_in_dim3A_814 = vector.shape_cast %select_n3A_813 : vector<16xi32> to vector<16x1xi32>
            %gather3A_815 = vector.shape_cast %broadcast_in_dim3A_814 : vector<16x1xi32> to vector<16xi32>
            %gather3A_816 = tpu.dynamic_gather %or3A_803[%gather3A_815] in [0] : vector<16xi32>, vector<16xi32> -> vector<16xi32>
            %or3A_817 = arith.ori %or3A_803, %gather3A_816 : vector<16xi32>
            %xor3A_818 = arith.constant 2 : i32
            %xor3A_819 = vector.broadcast %xor3A_818 : i32 to vector<16xi32>
            %xor3A_820 = arith.xori %iota3A, %xor3A_819 : vector<16xi32>
            %lt3A_821 = arith.constant 0 : i32
            %lt3A_822 = vector.broadcast %lt3A_821 : i32 to vector<16xi32>
            %lt3A_823 = arith.cmpi slt, %xor3A_820, %lt3A_822 : vector<16xi32>
            %add3A_824 = arith.constant 16 : i32
            %add3A_825 = vector.broadcast %add3A_824 : i32 to vector<16xi32>
            %add3A_826 = arith.addi %xor3A_820, %add3A_825 : vector<16xi32>
            %select_n3A_827 = arith.select %lt3A_823, %add3A_826, %xor3A_820 : vector<16xi1>, vector<16xi32>
            %broadcast_in_dim3A_828 = vector.shape_cast %select_n3A_827 : vector<16xi32> to vector<16x1xi32>
            %gather3A_829 = vector.shape_cast %broadcast_in_dim3A_828 : vector<16x1xi32> to vector<16xi32>
            %gather3A_830 = tpu.dynamic_gather %or3A_817[%gather3A_829] in [0] : vector<16xi32>, vector<16xi32> -> vector<16xi32>
            %or3A_831 = arith.ori %or3A_817, %gather3A_830 : vector<16xi32>
            %xor3A_832 = arith.constant 1 : i32
            %xor3A_833 = vector.broadcast %xor3A_832 : i32 to vector<16xi32>
            %xor3A_834 = arith.xori %iota3A, %xor3A_833 : vector<16xi32>
            %lt3A_835 = arith.constant 0 : i32
            %lt3A_836 = vector.broadcast %lt3A_835 : i32 to vector<16xi32>
            %lt3A_837 = arith.cmpi slt, %xor3A_834, %lt3A_836 : vector<16xi32>
            %add3A_838 = arith.constant 16 : i32
            %add3A_839 = vector.broadcast %add3A_838 : i32 to vector<16xi32>
            %add3A_840 = arith.addi %xor3A_834, %add3A_839 : vector<16xi32>
            %select_n3A_841 = arith.select %lt3A_837, %add3A_840, %xor3A_834 : vector<16xi1>, vector<16xi32>
            %broadcast_in_dim3A_842 = vector.shape_cast %select_n3A_841 : vector<16xi32> to vector<16x1xi32>
            %gather3A_843 = vector.shape_cast %broadcast_in_dim3A_842 : vector<16x1xi32> to vector<16xi32>
            %gather3A_844 = tpu.dynamic_gather %or3A_831[%gather3A_843] in [0] : vector<16xi32>, vector<16xi32> -> vector<16xi32>
            %or3A_845 = arith.ori %or3A_831, %gather3A_844 : vector<16xi32>
            %eq3A_846 = arith.constant 0 : i32
            %eq3A_847 = vector.broadcast %eq3A_846 : i32 to vector<16xi32>
            %eq3A_848 = arith.cmpi eq, %or3A_845, %eq3A_847 : vector<16xi32>
            %eq3A_849 = arith.constant 5 : i32
            %eq3A_850 = vector.broadcast %eq3A_849 : i32 to vector<16xi32>
            %eq3A_851 = arith.cmpi eq, %iota3A, %eq3A_850 : vector<16xi32>
            %lt3A_852 = arith.constant 0 : i32
            %lt3A_853 = vector.broadcast %lt3A_852 : i32 to vector<16xi32>
            %lt3A_854 = arith.cmpi slt, %select_n3A_789, %lt3A_853 : vector<16xi32>
            %and3A_855 = arith.andi %eq3A_851, %lt3A_854 : vector<16xi1>
            %and3A_856 = arith.andi %and3A_855, %eq3A_848 : vector<16xi1>
            %broadcast_in_dim3A_857 = vector.broadcast %add3A_444 : i32 to vector<16xi32>
            %select_n3A_858 = arith.select %and3A_856, %broadcast_in_dim3A_857, %select_n3A_789 : vector<16xi1>, vector<16xi32>
            %xor3A_859 = arith.constant 8 : i32
            %xor3A_860 = vector.broadcast %xor3A_859 : i32 to vector<16xi32>
            %xor3A_861 = arith.xori %iota3A, %xor3A_860 : vector<16xi32>
            %lt3A_862 = arith.constant 0 : i32
            %lt3A_863 = vector.broadcast %lt3A_862 : i32 to vector<16xi32>
            %lt3A_864 = arith.cmpi slt, %xor3A_861, %lt3A_863 : vector<16xi32>
            %add3A_865 = arith.constant 16 : i32
            %add3A_866 = vector.broadcast %add3A_865 : i32 to vector<16xi32>
            %add3A_867 = arith.addi %xor3A_861, %add3A_866 : vector<16xi32>
            %select_n3A_868 = arith.select %lt3A_864, %add3A_867, %xor3A_861 : vector<16xi1>, vector<16xi32>
            %broadcast_in_dim3A_869 = vector.shape_cast %select_n3A_868 : vector<16xi32> to vector<16x1xi32>
            %gather3A_870 = vector.shape_cast %broadcast_in_dim3A_869 : vector<16x1xi32> to vector<16xi32>
            %gather3A_871 = tpu.dynamic_gather %scan3A_440#6[%gather3A_870] in [0] : vector<16xi32>, vector<16xi32> -> vector<16xi32>
            %or3A_872 = arith.ori %scan3A_440#6, %gather3A_871 : vector<16xi32>
            %xor3A_873 = arith.constant 4 : i32
            %xor3A_874 = vector.broadcast %xor3A_873 : i32 to vector<16xi32>
            %xor3A_875 = arith.xori %iota3A, %xor3A_874 : vector<16xi32>
            %lt3A_876 = arith.constant 0 : i32
            %lt3A_877 = vector.broadcast %lt3A_876 : i32 to vector<16xi32>
            %lt3A_878 = arith.cmpi slt, %xor3A_875, %lt3A_877 : vector<16xi32>
            %add3A_879 = arith.constant 16 : i32
            %add3A_880 = vector.broadcast %add3A_879 : i32 to vector<16xi32>
            %add3A_881 = arith.addi %xor3A_875, %add3A_880 : vector<16xi32>
            %select_n3A_882 = arith.select %lt3A_878, %add3A_881, %xor3A_875 : vector<16xi1>, vector<16xi32>
            %broadcast_in_dim3A_883 = vector.shape_cast %select_n3A_882 : vector<16xi32> to vector<16x1xi32>
            %gather3A_884 = vector.shape_cast %broadcast_in_dim3A_883 : vector<16x1xi32> to vector<16xi32>
            %gather3A_885 = tpu.dynamic_gather %or3A_872[%gather3A_884] in [0] : vector<16xi32>, vector<16xi32> -> vector<16xi32>
            %or3A_886 = arith.ori %or3A_872, %gather3A_885 : vector<16xi32>
            %xor3A_887 = arith.constant 2 : i32
            %xor3A_888 = vector.broadcast %xor3A_887 : i32 to vector<16xi32>
            %xor3A_889 = arith.xori %iota3A, %xor3A_888 : vector<16xi32>
            %lt3A_890 = arith.constant 0 : i32
            %lt3A_891 = vector.broadcast %lt3A_890 : i32 to vector<16xi32>
            %lt3A_892 = arith.cmpi slt, %xor3A_889, %lt3A_891 : vector<16xi32>
            %add3A_893 = arith.constant 16 : i32
            %add3A_894 = vector.broadcast %add3A_893 : i32 to vector<16xi32>
            %add3A_895 = arith.addi %xor3A_889, %add3A_894 : vector<16xi32>
            %select_n3A_896 = arith.select %lt3A_892, %add3A_895, %xor3A_889 : vector<16xi1>, vector<16xi32>
            %broadcast_in_dim3A_897 = vector.shape_cast %select_n3A_896 : vector<16xi32> to vector<16x1xi32>
            %gather3A_898 = vector.shape_cast %broadcast_in_dim3A_897 : vector<16x1xi32> to vector<16xi32>
            %gather3A_899 = tpu.dynamic_gather %or3A_886[%gather3A_898] in [0] : vector<16xi32>, vector<16xi32> -> vector<16xi32>
            %or3A_900 = arith.ori %or3A_886, %gather3A_899 : vector<16xi32>
            %xor3A_901 = arith.constant 1 : i32
            %xor3A_902 = vector.broadcast %xor3A_901 : i32 to vector<16xi32>
            %xor3A_903 = arith.xori %iota3A, %xor3A_902 : vector<16xi32>
            %lt3A_904 = arith.constant 0 : i32
            %lt3A_905 = vector.broadcast %lt3A_904 : i32 to vector<16xi32>
            %lt3A_906 = arith.cmpi slt, %xor3A_903, %lt3A_905 : vector<16xi32>
            %add3A_907 = arith.constant 16 : i32
            %add3A_908 = vector.broadcast %add3A_907 : i32 to vector<16xi32>
            %add3A_909 = arith.addi %xor3A_903, %add3A_908 : vector<16xi32>
            %select_n3A_910 = arith.select %lt3A_906, %add3A_909, %xor3A_903 : vector<16xi1>, vector<16xi32>
            %broadcast_in_dim3A_911 = vector.shape_cast %select_n3A_910 : vector<16xi32> to vector<16x1xi32>
            %gather3A_912 = vector.shape_cast %broadcast_in_dim3A_911 : vector<16x1xi32> to vector<16xi32>
            %gather3A_913 = tpu.dynamic_gather %or3A_900[%gather3A_912] in [0] : vector<16xi32>, vector<16xi32> -> vector<16xi32>
            %or3A_914 = arith.ori %or3A_900, %gather3A_913 : vector<16xi32>
            %eq3A_915 = arith.constant 0 : i32
            %eq3A_916 = vector.broadcast %eq3A_915 : i32 to vector<16xi32>
            %eq3A_917 = arith.cmpi eq, %or3A_914, %eq3A_916 : vector<16xi32>
            %eq3A_918 = arith.constant 6 : i32
            %eq3A_919 = vector.broadcast %eq3A_918 : i32 to vector<16xi32>
            %eq3A_920 = arith.cmpi eq, %iota3A, %eq3A_919 : vector<16xi32>
            %lt3A_921 = arith.constant 0 : i32
            %lt3A_922 = vector.broadcast %lt3A_921 : i32 to vector<16xi32>
            %lt3A_923 = arith.cmpi slt, %select_n3A_858, %lt3A_922 : vector<16xi32>
            %and3A_924 = arith.andi %eq3A_920, %lt3A_923 : vector<16xi1>
            %and3A_925 = arith.andi %and3A_924, %eq3A_917 : vector<16xi1>
            %broadcast_in_dim3A_926 = vector.broadcast %add3A_444 : i32 to vector<16xi32>
            %select_n3A_927 = arith.select %and3A_925, %broadcast_in_dim3A_926, %select_n3A_858 : vector<16xi1>, vector<16xi32>
            %xor3A_928 = arith.constant 8 : i32
            %xor3A_929 = vector.broadcast %xor3A_928 : i32 to vector<16xi32>
            %xor3A_930 = arith.xori %iota3A, %xor3A_929 : vector<16xi32>
            %lt3A_931 = arith.constant 0 : i32
            %lt3A_932 = vector.broadcast %lt3A_931 : i32 to vector<16xi32>
            %lt3A_933 = arith.cmpi slt, %xor3A_930, %lt3A_932 : vector<16xi32>
            %add3A_934 = arith.constant 16 : i32
            %add3A_935 = vector.broadcast %add3A_934 : i32 to vector<16xi32>
            %add3A_936 = arith.addi %xor3A_930, %add3A_935 : vector<16xi32>
            %select_n3A_937 = arith.select %lt3A_933, %add3A_936, %xor3A_930 : vector<16xi1>, vector<16xi32>
            %broadcast_in_dim3A_938 = vector.shape_cast %select_n3A_937 : vector<16xi32> to vector<16x1xi32>
            %gather3A_939 = vector.shape_cast %broadcast_in_dim3A_938 : vector<16x1xi32> to vector<16xi32>
            %gather3A_940 = tpu.dynamic_gather %scan3A_440#7[%gather3A_939] in [0] : vector<16xi32>, vector<16xi32> -> vector<16xi32>
            %or3A_941 = arith.ori %scan3A_440#7, %gather3A_940 : vector<16xi32>
            %xor3A_942 = arith.constant 4 : i32
            %xor3A_943 = vector.broadcast %xor3A_942 : i32 to vector<16xi32>
            %xor3A_944 = arith.xori %iota3A, %xor3A_943 : vector<16xi32>
            %lt3A_945 = arith.constant 0 : i32
            %lt3A_946 = vector.broadcast %lt3A_945 : i32 to vector<16xi32>
            %lt3A_947 = arith.cmpi slt, %xor3A_944, %lt3A_946 : vector<16xi32>
            %add3A_948 = arith.constant 16 : i32
            %add3A_949 = vector.broadcast %add3A_948 : i32 to vector<16xi32>
            %add3A_950 = arith.addi %xor3A_944, %add3A_949 : vector<16xi32>
            %select_n3A_951 = arith.select %lt3A_947, %add3A_950, %xor3A_944 : vector<16xi1>, vector<16xi32>
            %broadcast_in_dim3A_952 = vector.shape_cast %select_n3A_951 : vector<16xi32> to vector<16x1xi32>
            %gather3A_953 = vector.shape_cast %broadcast_in_dim3A_952 : vector<16x1xi32> to vector<16xi32>
            %gather3A_954 = tpu.dynamic_gather %or3A_941[%gather3A_953] in [0] : vector<16xi32>, vector<16xi32> -> vector<16xi32>
            %or3A_955 = arith.ori %or3A_941, %gather3A_954 : vector<16xi32>
            %xor3A_956 = arith.constant 2 : i32
            %xor3A_957 = vector.broadcast %xor3A_956 : i32 to vector<16xi32>
            %xor3A_958 = arith.xori %iota3A, %xor3A_957 : vector<16xi32>
            %lt3A_959 = arith.constant 0 : i32
            %lt3A_960 = vector.broadcast %lt3A_959 : i32 to vector<16xi32>
            %lt3A_961 = arith.cmpi slt, %xor3A_958, %lt3A_960 : vector<16xi32>
            %add3A_962 = arith.constant 16 : i32
            %add3A_963 = vector.broadcast %add3A_962 : i32 to vector<16xi32>
            %add3A_964 = arith.addi %xor3A_958, %add3A_963 : vector<16xi32>
            %select_n3A_965 = arith.select %lt3A_961, %add3A_964, %xor3A_958 : vector<16xi1>, vector<16xi32>
            %broadcast_in_dim3A_966 = vector.shape_cast %select_n3A_965 : vector<16xi32> to vector<16x1xi32>
            %gather3A_967 = vector.shape_cast %broadcast_in_dim3A_966 : vector<16x1xi32> to vector<16xi32>
            %gather3A_968 = tpu.dynamic_gather %or3A_955[%gather3A_967] in [0] : vector<16xi32>, vector<16xi32> -> vector<16xi32>
            %or3A_969 = arith.ori %or3A_955, %gather3A_968 : vector<16xi32>
            %xor3A_970 = arith.constant 1 : i32
            %xor3A_971 = vector.broadcast %xor3A_970 : i32 to vector<16xi32>
            %xor3A_972 = arith.xori %iota3A, %xor3A_971 : vector<16xi32>
            %lt3A_973 = arith.constant 0 : i32
            %lt3A_974 = vector.broadcast %lt3A_973 : i32 to vector<16xi32>
            %lt3A_975 = arith.cmpi slt, %xor3A_972, %lt3A_974 : vector<16xi32>
            %add3A_976 = arith.constant 16 : i32
            %add3A_977 = vector.broadcast %add3A_976 : i32 to vector<16xi32>
            %add3A_978 = arith.addi %xor3A_972, %add3A_977 : vector<16xi32>
            %select_n3A_979 = arith.select %lt3A_975, %add3A_978, %xor3A_972 : vector<16xi1>, vector<16xi32>
            %broadcast_in_dim3A_980 = vector.shape_cast %select_n3A_979 : vector<16xi32> to vector<16x1xi32>
            %gather3A_981 = vector.shape_cast %broadcast_in_dim3A_980 : vector<16x1xi32> to vector<16xi32>
            %gather3A_982 = tpu.dynamic_gather %or3A_969[%gather3A_981] in [0] : vector<16xi32>, vector<16xi32> -> vector<16xi32>
            %or3A_983 = arith.ori %or3A_969, %gather3A_982 : vector<16xi32>
            %eq3A_984 = arith.constant 0 : i32
            %eq3A_985 = vector.broadcast %eq3A_984 : i32 to vector<16xi32>
            %eq3A_986 = arith.cmpi eq, %or3A_983, %eq3A_985 : vector<16xi32>
            %eq3A_987 = arith.constant 7 : i32
            %eq3A_988 = vector.broadcast %eq3A_987 : i32 to vector<16xi32>
            %eq3A_989 = arith.cmpi eq, %iota3A, %eq3A_988 : vector<16xi32>
            %lt3A_990 = arith.constant 0 : i32
            %lt3A_991 = vector.broadcast %lt3A_990 : i32 to vector<16xi32>
            %lt3A_992 = arith.cmpi slt, %select_n3A_927, %lt3A_991 : vector<16xi32>
            %and3A_993 = arith.andi %eq3A_989, %lt3A_992 : vector<16xi1>
            %and3A_994 = arith.andi %and3A_993, %eq3A_986 : vector<16xi1>
            %broadcast_in_dim3A_995 = vector.broadcast %add3A_444 : i32 to vector<16xi32>
            %select_n3A_996 = arith.select %and3A_994, %broadcast_in_dim3A_995, %select_n3A_927 : vector<16xi1>, vector<16xi32>
            %swap3A_997 = arith.constant 0 : index
            %swap3A_998 = tpu.vector_load %arg11[%swap3A_997] {strides = array<i32>} : memref<16xi32, #tpu.memory_space<vmem>>, vector<16xi32>,
            %swap3A_999 = vector.shape_cast %swap3A_998 : vector<16xi32> to vector<16xi32>
            %swap3A_1000 = vector.shape_cast %select_n3A_996 : vector<16xi32> to vector<16xi32>
            tpu.vector_store %arg11[%swap3A_997], %swap3A_1000 {strides = array<i32>} : memref<16xi32, #tpu.memory_space<vmem>>, vector<16xi32>,
          } else {
          }
          %scan3A_419 = arith.constant 1 : i32
        } else {
        }
      }
      %scan3A_245 = arith.constant 511 : i32
    } else {
    }
    %get3A_175 = arith.constant 0 : index
    %get3A_176 = tpu.vector_load %arg11[%get3A_175] {strides = array<i32>} : memref<16xi32, #tpu.memory_space<vmem>>, vector<16xi32>,
    %get3A_177 = vector.shape_cast %get3A_176 : vector<16xi32> to vector<16xi32>
    tpu.wait_dma2 semaphore(%arg17 : memref<!tpu.dma_semaphore, #tpu.memory_space<semaphore_mem>>) src(%arg4 : memref<512xf32, #tpu.memory_space<hbm>>) dst(%arg10 : memref<512xf32, #tpu.memory_space<vmem>>)
    %broadcast_in_dim3A_178 = arith.constant 0xFF800000 : f32
    %broadcast_in_dim3A_179 = vector.broadcast %broadcast_in_dim3A_178 : f32 to vector<16xf32>
    %scan3A_180 = arith.constant 0 : i32
    %scan3A_181 = arith.constant 32 : i32
    %scan3A_182 = arith.addi %scan3A_180, %scan3A_181 : i32
    %scan3A_183 = arith.constant 1 : i32
    %scan3A_184 = scf.for %scan3A_240 = %scan3A_180 to %scan3A_182 step %scan3A_183 iter_args(%scan3A_241 = %broadcast_in_dim3A_179) -> (vector<16xf32>)  : i32 {
      %mul3A_242 = arith.constant 16 : i32
      %mul3A_243 = arith.muli %scan3A_240, %mul3A_242 : i32
      %get3A_244 = arith.index_cast %mul3A_243 : i32 to index
      %get3A_245 = tpu.vector_load %arg10[%get3A_244] {strides = array<i32>} : memref<512xf32, #tpu.memory_space<vmem>>, vector<16xf32>,
      %get3A_246 = vector.shape_cast %get3A_245 : vector<16xf32> to vector<16xf32>
      %and3A_247 = arith.constant 15 : i32
      %and3A_248 = vector.broadcast %and3A_247 : i32 to vector<16xi32>
      %and3A_249 = arith.andi %get3A_177, %and3A_248 : vector<16xi32>
      %lt3A_250 = arith.constant 0 : i32
      %lt3A_251 = vector.broadcast %lt3A_250 : i32 to vector<16xi32>
      %lt3A_252 = arith.cmpi slt, %and3A_249, %lt3A_251 : vector<16xi32>
      %add3A_253 = arith.constant 16 : i32
      %add3A_254 = vector.broadcast %add3A_253 : i32 to vector<16xi32>
      %add3A_255 = arith.addi %and3A_249, %add3A_254 : vector<16xi32>
      %select_n3A_256 = arith.select %lt3A_252, %add3A_255, %and3A_249 : vector<16xi1>, vector<16xi32>
      %broadcast_in_dim3A_257 = vector.shape_cast %select_n3A_256 : vector<16xi32> to vector<16x1xi32>
      %gather3A_258 = vector.shape_cast %broadcast_in_dim3A_257 : vector<16x1xi32> to vector<16xi32>
      %gather3A_259 = tpu.dynamic_gather %get3A_246[%gather3A_258] in [0] : vector<16xf32>, vector<16xi32> -> vector<16xf32>
      %shift_right_arithmetic3A = arith.constant 4 : i32
      %shift_right_arithmetic3A_260 = vector.broadcast %shift_right_arithmetic3A : i32 to vector<16xi32>
      %shift_right_arithmetic3A_261 = arith.shrsi %get3A_177, %shift_right_arithmetic3A_260 : vector<16xi32>
      %eq3A_262 = vector.broadcast %scan3A_240 : i32 to vector<16xi32>
      %eq3A_263 = arith.cmpi eq, %shift_right_arithmetic3A_261, %eq3A_262 : vector<16xi32>
      %select_n3A_264 = arith.select %eq3A_263, %gather3A_259, %scan3A_241 : vector<16xi1>, vector<16xf32>
      scf.yield %select_n3A_264 : vector<16xf32>
    }
    %scan3A_185 = arith.constant 32 : i32
    %ge3A = arith.constant 0 : i32
    %ge3A_186 = vector.broadcast %ge3A : i32 to vector<16xi32>
    %ge3A_187 = arith.cmpi sge, %get3A_177, %ge3A_186 : vector<16xi32>
    %ne3A = arith.constant 0xFF800000 : f32
    %ne3A_188 = vector.broadcast %ne3A : f32 to vector<16xf32>
    %ne3A_189 = arith.cmpf one, %scan3A_184, %ne3A_188 : vector<16xf32>
    %and3A_190 = arith.andi %ge3A_187, %ne3A_189 : vector<16xi1>
    %jit3A_191 = arith.constant -1 : i32
    %broadcast_in_dim3A_192 = vector.broadcast %jit3A_191 : i32 to vector<16xi32>
    %select_n3A_193 = arith.select %and3A_190, %get3A_177, %broadcast_in_dim3A_192 : vector<16xi1>, vector<16xi32>
    %swap3A_194 = arith.constant 0 : index
    %swap3A_195 = tpu.vector_load %arg11[%swap3A_194] {strides = array<i32>} : memref<16xi32, #tpu.memory_space<vmem>>, vector<16xi32>,
    %swap3A_196 = vector.shape_cast %swap3A_195 : vector<16xi32> to vector<16xi32>
    %swap3A_197 = vector.shape_cast %select_n3A_193 : vector<16xi32> to vector<16xi32>
    tpu.vector_store %arg11[%swap3A_194], %swap3A_197 {strides = array<i32>} : memref<16xi32, #tpu.memory_space<vmem>>, vector<16xi32>,
    %dma_start3A_198 = arith.constant 0 : i32
    %dma_start3A_199 = tpu.memref_slice %arg11[%dma_start3A_198] : memref<16xi32, #tpu.memory_space<vmem>> -> memref<8xi32, #tpu.memory_space<vmem>>
    %dma_start3A_200 = tpu.memref_slice %arg6[%mul3A_0] : memref<128xi32, #tpu.memory_space<hbm>> -> memref<8xi32, #tpu.memory_space<hbm>>
    %dma_start3A_201 = tpu.memref_slice %arg6[%mul3A_0] : memref<128xi32, #tpu.memory_space<hbm>> -> memref<8xi32, #tpu.memory_space<hbm>>
    %dma_start3A_202 = arith.constant 0 : i32
    %dma_start3A_203 = tpu.memref_slice %arg11[%dma_start3A_202] : memref<16xi32, #tpu.memory_space<vmem>> -> memref<8xi32, #tpu.memory_space<vmem>>
    tpu.enqueue_dma source(%dma_start3A_203 : memref<8xi32, #tpu.memory_space<vmem>>) target(%dma_start3A_201 : memref<8xi32, #tpu.memory_space<hbm>>) target_semaphore(%arg18 : memref<!tpu.dma_semaphore, #tpu.memory_space<semaphore_mem>>)
    "tpu.region"() ({
      %run_scoped3A = tpu.sem_alloc : memref<!tpu.dma_semaphore, #tpu.memory_space<semaphore_mem>>
      %dma_start3A_240 = arith.constant 0 : i32
      %dma_start3A_241 = tpu.memref_slice %arg11[%dma_start3A_240] : memref<16xi32, #tpu.memory_space<vmem>> -> memref<8xi32, #tpu.memory_space<vmem>>
      %dma_start3A_242 = tpu.memref_slice %arg15[%mul3A_0] : memref<128xi32, #tpu.memory_space<vmem_shared>> -> memref<8xi32, #tpu.memory_space<vmem_shared>>
      %dma_start3A_243 = tpu.memref_slice %arg15[%mul3A_0] : memref<128xi32, #tpu.memory_space<vmem_shared>> -> memref<8xi32, #tpu.memory_space<vmem_shared>>
      %dma_start3A_244 = arith.constant 0 : i32
      %dma_start3A_245 = tpu.memref_slice %arg11[%dma_start3A_244] : memref<16xi32, #tpu.memory_space<vmem>> -> memref<8xi32, #tpu.memory_space<vmem>>
      tpu.enqueue_dma source(%dma_start3A_245 : memref<8xi32, #tpu.memory_space<vmem>>) target(%dma_start3A_243 : memref<8xi32, #tpu.memory_space<vmem_shared>>) target_semaphore(%run_scoped3A : memref<!tpu.dma_semaphore, #tpu.memory_space<semaphore_mem>>)
      %dma_wait3A_246 = arith.constant 0 : i32
      %dma_wait3A_247 = tpu.memref_slice %arg11[%dma_wait3A_246] : memref<16xi32, #tpu.memory_space<vmem>> -> memref<8xi32, #tpu.memory_space<vmem>>
      %dma_wait3A_248 = tpu.memref_slice %arg15[%mul3A_0] : memref<128xi32, #tpu.memory_space<vmem_shared>> -> memref<8xi32, #tpu.memory_space<vmem_shared>>
      %dma_wait3A_249 = tpu.memref_slice %arg15[%mul3A_0] : memref<128xi32, #tpu.memory_space<vmem_shared>> -> memref<8xi32, #tpu.memory_space<vmem_shared>>
      %dma_wait3A_250 = arith.constant 0 : i32
      %dma_wait3A_251 = tpu.memref_slice %arg11[%dma_wait3A_250] : memref<16xi32, #tpu.memory_space<vmem>> -> memref<8xi32, #tpu.memory_space<vmem>>
      tpu.wait_dma2 semaphore(%run_scoped3A : memref<!tpu.dma_semaphore, #tpu.memory_space<semaphore_mem>>) src(%dma_wait3A_251 : memref<8xi32, #tpu.memory_space<vmem>>) dst(%dma_wait3A_249 : memref<8xi32, #tpu.memory_space<vmem_shared>>)
      tpu.yield
    }) : () -> ()
    %barrier3A = arith.constant 0 : index
    tpu.barrier barrier_id(%barrier3A)
    "tpu.region"() ({
      %run_scoped3A = tpu.sem_alloc : memref<!tpu.dma_semaphore, #tpu.memory_space<semaphore_mem>>
      tpu.enqueue_dma source(%arg15 : memref<128xi32, #tpu.memory_space<vmem_shared>>) target(%arg12 : memref<128xi32, #tpu.memory_space<vmem>>) target_semaphore(%run_scoped3A : memref<!tpu.dma_semaphore, #tpu.memory_space<semaphore_mem>>)
      tpu.wait_dma2 semaphore(%run_scoped3A : memref<!tpu.dma_semaphore, #tpu.memory_space<semaphore_mem>>) src(%arg15 : memref<128xi32, #tpu.memory_space<vmem_shared>>) dst(%arg12 : memref<128xi32, #tpu.memory_space<vmem>>)
      tpu.yield
    }) : () -> ()
    tpu.wait_dma2 semaphore(%arg17 : memref<!tpu.dma_semaphore, #tpu.memory_space<semaphore_mem>>) src(%arg5 : memref<128xf32, #tpu.memory_space<hbm>>) dst(%arg13 : memref<128xf32, #tpu.memory_space<vmem>>)
    %dma_wait3A_204 = tpu.memref_slice %arg4[%mul3A_2] : memref<512xf32, #tpu.memory_space<hbm>> -> memref<32xf32, #tpu.memory_space<hbm>>
    %dma_wait3A_205 = tpu.memref_slice %arg4[%mul3A_2] : memref<512xf32, #tpu.memory_space<hbm>> -> memref<32xf32, #tpu.memory_space<hbm>>
    tpu.wait_dma2 semaphore(%arg17 : memref<!tpu.dma_semaphore, #tpu.memory_space<semaphore_mem>>) src(%dma_wait3A_205 : memref<32xf32, #tpu.memory_space<hbm>>) dst(%arg14 : memref<32xf32, #tpu.memory_space<vmem>>)
    %add3A_206 = arith.constant 0 : i32
    %add3A_207 = arith.addi %mul3A_2, %add3A_206 : i32
    %add3A_208 = vector.broadcast %add3A_207 : i32 to vector<16xi32>
    %add3A_209 = arith.addi %add3A_208, %iota3A : vector<16xi32>
    %add3A_210 = arith.constant 16 : i32
    %add3A_211 = arith.addi %mul3A_2, %add3A_210 : i32
    %add3A_212 = vector.broadcast %add3A_211 : i32 to vector<16xi32>
    %add3A_213 = arith.addi %add3A_212, %iota3A : vector<16xi32>
    %get3A_214 = arith.constant 0 : index
    %get3A_215 = tpu.vector_load %arg14[%get3A_214] {strides = array<i32>} : memref<32xf32, #tpu.memory_space<vmem>>, vector<16xf32>,
    %get3A_216 = vector.shape_cast %get3A_215 : vector<16xf32> to vector<16xf32>
    %get3A_217 = arith.constant 16 : index
    %get3A_218 = tpu.vector_load %arg14[%get3A_217] {strides = array<i32>} : memref<32xf32, #tpu.memory_space<vmem>>, vector<16xf32>,
    %get3A_219 = vector.shape_cast %get3A_218 : vector<16xf32> to vector<16xf32>
    %scan3A_220 = arith.constant 0 : i32
    %scan3A_221 = arith.constant 8 : i32
    %scan3A_222 = arith.addi %scan3A_220, %scan3A_221 : i32
    %scan3A_223 = arith.constant 1 : i32
    %scan3A_224:2 = scf.for %scan3A_240 = %scan3A_220 to %scan3A_222 step %scan3A_223 iter_args(%scan3A_241 = %get3A_216, %scan3A_242 = %get3A_219) -> (vector<16xf32>, vector<16xf32>)  : i32 {
      %mul3A_243 = arith.constant 16 : i32
      %mul3A_244 = arith.muli %scan3A_240, %mul3A_243 : i32
      %get3A_245 = arith.index_cast %mul3A_244 : i32 to index
      %get3A_246 = tpu.vector_load %arg13[%get3A_245] {strides = array<i32>} : memref<128xf32, #tpu.memory_space<vmem>>, vector<16xf32>,
      %get3A_247 = vector.shape_cast %get3A_246 : vector<16xf32> to vector<16xf32>
      %mul3A_248 = arith.constant 16 : i32
      %mul3A_249 = arith.muli %scan3A_240, %mul3A_248 : i32
      %get3A_250 = arith.index_cast %mul3A_249 : i32 to index
      %get3A_251 = tpu.vector_load %arg12[%get3A_250] {strides = array<i32>} : memref<128xi32, #tpu.memory_space<vmem>>, vector<16xi32>,
      %get3A_252 = vector.shape_cast %get3A_251 : vector<16xi32> to vector<16xi32>
      %slice3A_253 = vector.extract_strided_slice %get3A_252 {offsets = [0], sizes = [1], strides = [1]} : vector<16xi32> to vector<1xi32>
      %squeeze3A_254 = vector.extract %slice3A_253[0] : i32 from vector<1xi32>
      %slice3A_255 = vector.extract_strided_slice %get3A_247 {offsets = [0], sizes = [1], strides = [1]} : vector<16xf32> to vector<1xf32>
      %squeeze3A_256 = vector.extract %slice3A_255[0] : f32 from vector<1xf32>
      %eq3A_257 = vector.broadcast %squeeze3A_254 : i32 to vector<16xi32>
      %eq3A_258 = arith.cmpi eq, %add3A_209, %eq3A_257 : vector<16xi32>
      %max3A = vector.broadcast %squeeze3A_256 : f32 to vector<16xf32>
      %max3A_259 = arith.maximumf %scan3A_241, %max3A : vector<16xf32>
      %select_n3A_260 = arith.select %eq3A_258, %max3A_259, %scan3A_241 : vector<16xi1>, vector<16xf32>
      %eq3A_261 = vector.broadcast %squeeze3A_254 : i32 to vector<16xi32>
      %eq3A_262 = arith.cmpi eq, %add3A_213, %eq3A_261 : vector<16xi32>
      %max3A_263 = vector.broadcast %squeeze3A_256 : f32 to vector<16xf32>
      %max3A_264 = arith.maximumf %scan3A_242, %max3A_263 : vector<16xf32>
      %select_n3A_265 = arith.select %eq3A_262, %max3A_264, %scan3A_242 : vector<16xi1>, vector<16xf32>
      %slice3A_266 = vector.extract_strided_slice %get3A_252 {offsets = [1], sizes = [1], strides = [1]} : vector<16xi32> to vector<1xi32>
      %squeeze3A_267 = vector.extract %slice3A_266[0] : i32 from vector<1xi32>
      %slice3A_268 = vector.extract_strided_slice %get3A_247 {offsets = [1], sizes = [1], strides = [1]} : vector<16xf32> to vector<1xf32>
      %squeeze3A_269 = vector.extract %slice3A_268[0] : f32 from vector<1xf32>
      %eq3A_270 = vector.broadcast %squeeze3A_267 : i32 to vector<16xi32>
      %eq3A_271 = arith.cmpi eq, %add3A_209, %eq3A_270 : vector<16xi32>
      %max3A_272 = vector.broadcast %squeeze3A_269 : f32 to vector<16xf32>
      %max3A_273 = arith.maximumf %select_n3A_260, %max3A_272 : vector<16xf32>
      %select_n3A_274 = arith.select %eq3A_271, %max3A_273, %select_n3A_260 : vector<16xi1>, vector<16xf32>
      %eq3A_275 = vector.broadcast %squeeze3A_267 : i32 to vector<16xi32>
      %eq3A_276 = arith.cmpi eq, %add3A_213, %eq3A_275 : vector<16xi32>
      %max3A_277 = vector.broadcast %squeeze3A_269 : f32 to vector<16xf32>
      %max3A_278 = arith.maximumf %select_n3A_265, %max3A_277 : vector<16xf32>
      %select_n3A_279 = arith.select %eq3A_276, %max3A_278, %select_n3A_265 : vector<16xi1>, vector<16xf32>
      %slice3A_280 = vector.extract_strided_slice %get3A_252 {offsets = [2], sizes = [1], strides = [1]} : vector<16xi32> to vector<1xi32>
      %squeeze3A_281 = vector.extract %slice3A_280[0] : i32 from vector<1xi32>
      %slice3A_282 = vector.extract_strided_slice %get3A_247 {offsets = [2], sizes = [1], strides = [1]} : vector<16xf32> to vector<1xf32>
      %squeeze3A_283 = vector.extract %slice3A_282[0] : f32 from vector<1xf32>
      %eq3A_284 = vector.broadcast %squeeze3A_281 : i32 to vector<16xi32>
      %eq3A_285 = arith.cmpi eq, %add3A_209, %eq3A_284 : vector<16xi32>
      %max3A_286 = vector.broadcast %squeeze3A_283 : f32 to vector<16xf32>
      %max3A_287 = arith.maximumf %select_n3A_274, %max3A_286 : vector<16xf32>
      %select_n3A_288 = arith.select %eq3A_285, %max3A_287, %select_n3A_274 : vector<16xi1>, vector<16xf32>
      %eq3A_289 = vector.broadcast %squeeze3A_281 : i32 to vector<16xi32>
      %eq3A_290 = arith.cmpi eq, %add3A_213, %eq3A_289 : vector<16xi32>
      %max3A_291 = vector.broadcast %squeeze3A_283 : f32 to vector<16xf32>
      %max3A_292 = arith.maximumf %select_n3A_279, %max3A_291 : vector<16xf32>
      %select_n3A_293 = arith.select %eq3A_290, %max3A_292, %select_n3A_279 : vector<16xi1>, vector<16xf32>
      %slice3A_294 = vector.extract_strided_slice %get3A_252 {offsets = [3], sizes = [1], strides = [1]} : vector<16xi32> to vector<1xi32>
      %squeeze3A_295 = vector.extract %slice3A_294[0] : i32 from vector<1xi32>
      %slice3A_296 = vector.extract_strided_slice %get3A_247 {offsets = [3], sizes = [1], strides = [1]} : vector<16xf32> to vector<1xf32>
      %squeeze3A_297 = vector.extract %slice3A_296[0] : f32 from vector<1xf32>
      %eq3A_298 = vector.broadcast %squeeze3A_295 : i32 to vector<16xi32>
      %eq3A_299 = arith.cmpi eq, %add3A_209, %eq3A_298 : vector<16xi32>
      %max3A_300 = vector.broadcast %squeeze3A_297 : f32 to vector<16xf32>
      %max3A_301 = arith.maximumf %select_n3A_288, %max3A_300 : vector<16xf32>
      %select_n3A_302 = arith.select %eq3A_299, %max3A_301, %select_n3A_288 : vector<16xi1>, vector<16xf32>
      %eq3A_303 = vector.broadcast %squeeze3A_295 : i32 to vector<16xi32>
      %eq3A_304 = arith.cmpi eq, %add3A_213, %eq3A_303 : vector<16xi32>
      %max3A_305 = vector.broadcast %squeeze3A_297 : f32 to vector<16xf32>
      %max3A_306 = arith.maximumf %select_n3A_293, %max3A_305 : vector<16xf32>
      %select_n3A_307 = arith.select %eq3A_304, %max3A_306, %select_n3A_293 : vector<16xi1>, vector<16xf32>
      %slice3A_308 = vector.extract_strided_slice %get3A_252 {offsets = [4], sizes = [1], strides = [1]} : vector<16xi32> to vector<1xi32>
      %squeeze3A_309 = vector.extract %slice3A_308[0] : i32 from vector<1xi32>
      %slice3A_310 = vector.extract_strided_slice %get3A_247 {offsets = [4], sizes = [1], strides = [1]} : vector<16xf32> to vector<1xf32>
      %squeeze3A_311 = vector.extract %slice3A_310[0] : f32 from vector<1xf32>
      %eq3A_312 = vector.broadcast %squeeze3A_309 : i32 to vector<16xi32>
      %eq3A_313 = arith.cmpi eq, %add3A_209, %eq3A_312 : vector<16xi32>
      %max3A_314 = vector.broadcast %squeeze3A_311 : f32 to vector<16xf32>
      %max3A_315 = arith.maximumf %select_n3A_302, %max3A_314 : vector<16xf32>
      %select_n3A_316 = arith.select %eq3A_313, %max3A_315, %select_n3A_302 : vector<16xi1>, vector<16xf32>
      %eq3A_317 = vector.broadcast %squeeze3A_309 : i32 to vector<16xi32>
      %eq3A_318 = arith.cmpi eq, %add3A_213, %eq3A_317 : vector<16xi32>
      %max3A_319 = vector.broadcast %squeeze3A_311 : f32 to vector<16xf32>
      %max3A_320 = arith.maximumf %select_n3A_307, %max3A_319 : vector<16xf32>
      %select_n3A_321 = arith.select %eq3A_318, %max3A_320, %select_n3A_307 : vector<16xi1>, vector<16xf32>
      %slice3A_322 = vector.extract_strided_slice %get3A_252 {offsets = [5], sizes = [1], strides = [1]} : vector<16xi32> to vector<1xi32>
      %squeeze3A_323 = vector.extract %slice3A_322[0] : i32 from vector<1xi32>
      %slice3A_324 = vector.extract_strided_slice %get3A_247 {offsets = [5], sizes = [1], strides = [1]} : vector<16xf32> to vector<1xf32>
      %squeeze3A_325 = vector.extract %slice3A_324[0] : f32 from vector<1xf32>
      %eq3A_326 = vector.broadcast %squeeze3A_323 : i32 to vector<16xi32>
      %eq3A_327 = arith.cmpi eq, %add3A_209, %eq3A_326 : vector<16xi32>
      %max3A_328 = vector.broadcast %squeeze3A_325 : f32 to vector<16xf32>
      %max3A_329 = arith.maximumf %select_n3A_316, %max3A_328 : vector<16xf32>
      %select_n3A_330 = arith.select %eq3A_327, %max3A_329, %select_n3A_316 : vector<16xi1>, vector<16xf32>
      %eq3A_331 = vector.broadcast %squeeze3A_323 : i32 to vector<16xi32>
      %eq3A_332 = arith.cmpi eq, %add3A_213, %eq3A_331 : vector<16xi32>
      %max3A_333 = vector.broadcast %squeeze3A_325 : f32 to vector<16xf32>
      %max3A_334 = arith.maximumf %select_n3A_321, %max3A_333 : vector<16xf32>
      %select_n3A_335 = arith.select %eq3A_332, %max3A_334, %select_n3A_321 : vector<16xi1>, vector<16xf32>
      %slice3A_336 = vector.extract_strided_slice %get3A_252 {offsets = [6], sizes = [1], strides = [1]} : vector<16xi32> to vector<1xi32>
      %squeeze3A_337 = vector.extract %slice3A_336[0] : i32 from vector<1xi32>
      %slice3A_338 = vector.extract_strided_slice %get3A_247 {offsets = [6], sizes = [1], strides = [1]} : vector<16xf32> to vector<1xf32>
      %squeeze3A_339 = vector.extract %slice3A_338[0] : f32 from vector<1xf32>
      %eq3A_340 = vector.broadcast %squeeze3A_337 : i32 to vector<16xi32>
      %eq3A_341 = arith.cmpi eq, %add3A_209, %eq3A_340 : vector<16xi32>
      %max3A_342 = vector.broadcast %squeeze3A_339 : f32 to vector<16xf32>
      %max3A_343 = arith.maximumf %select_n3A_330, %max3A_342 : vector<16xf32>
      %select_n3A_344 = arith.select %eq3A_341, %max3A_343, %select_n3A_330 : vector<16xi1>, vector<16xf32>
      %eq3A_345 = vector.broadcast %squeeze3A_337 : i32 to vector<16xi32>
      %eq3A_346 = arith.cmpi eq, %add3A_213, %eq3A_345 : vector<16xi32>
      %max3A_347 = vector.broadcast %squeeze3A_339 : f32 to vector<16xf32>
      %max3A_348 = arith.maximumf %select_n3A_335, %max3A_347 : vector<16xf32>
      %select_n3A_349 = arith.select %eq3A_346, %max3A_348, %select_n3A_335 : vector<16xi1>, vector<16xf32>
      %slice3A_350 = vector.extract_strided_slice %get3A_252 {offsets = [7], sizes = [1], strides = [1]} : vector<16xi32> to vector<1xi32>
      %squeeze3A_351 = vector.extract %slice3A_350[0] : i32 from vector<1xi32>
      %slice3A_352 = vector.extract_strided_slice %get3A_247 {offsets = [7], sizes = [1], strides = [1]} : vector<16xf32> to vector<1xf32>
      %squeeze3A_353 = vector.extract %slice3A_352[0] : f32 from vector<1xf32>
      %eq3A_354 = vector.broadcast %squeeze3A_351 : i32 to vector<16xi32>
      %eq3A_355 = arith.cmpi eq, %add3A_209, %eq3A_354 : vector<16xi32>
      %max3A_356 = vector.broadcast %squeeze3A_353 : f32 to vector<16xf32>
      %max3A_357 = arith.maximumf %select_n3A_344, %max3A_356 : vector<16xf32>
      %select_n3A_358 = arith.select %eq3A_355, %max3A_357, %select_n3A_344 : vector<16xi1>, vector<16xf32>
      %eq3A_359 = vector.broadcast %squeeze3A_351 : i32 to vector<16xi32>
      %eq3A_360 = arith.cmpi eq, %add3A_213, %eq3A_359 : vector<16xi32>
      %max3A_361 = vector.broadcast %squeeze3A_353 : f32 to vector<16xf32>
      %max3A_362 = arith.maximumf %select_n3A_349, %max3A_361 : vector<16xf32>
      %select_n3A_363 = arith.select %eq3A_360, %max3A_362, %select_n3A_349 : vector<16xi1>, vector<16xf32>
      %slice3A_364 = vector.extract_strided_slice %get3A_252 {offsets = [8], sizes = [1], strides = [1]} : vector<16xi32> to vector<1xi32>
      %squeeze3A_365 = vector.extract %slice3A_364[0] : i32 from vector<1xi32>
      %slice3A_366 = vector.extract_strided_slice %get3A_247 {offsets = [8], sizes = [1], strides = [1]} : vector<16xf32> to vector<1xf32>
      %squeeze3A_367 = vector.extract %slice3A_366[0] : f32 from vector<1xf32>
      %eq3A_368 = vector.broadcast %squeeze3A_365 : i32 to vector<16xi32>
      %eq3A_369 = arith.cmpi eq, %add3A_209, %eq3A_368 : vector<16xi32>
      %max3A_370 = vector.broadcast %squeeze3A_367 : f32 to vector<16xf32>
      %max3A_371 = arith.maximumf %select_n3A_358, %max3A_370 : vector<16xf32>
      %select_n3A_372 = arith.select %eq3A_369, %max3A_371, %select_n3A_358 : vector<16xi1>, vector<16xf32>
      %eq3A_373 = vector.broadcast %squeeze3A_365 : i32 to vector<16xi32>
      %eq3A_374 = arith.cmpi eq, %add3A_213, %eq3A_373 : vector<16xi32>
      %max3A_375 = vector.broadcast %squeeze3A_367 : f32 to vector<16xf32>
      %max3A_376 = arith.maximumf %select_n3A_363, %max3A_375 : vector<16xf32>
      %select_n3A_377 = arith.select %eq3A_374, %max3A_376, %select_n3A_363 : vector<16xi1>, vector<16xf32>
      %slice3A_378 = vector.extract_strided_slice %get3A_252 {offsets = [9], sizes = [1], strides = [1]} : vector<16xi32> to vector<1xi32>
      %squeeze3A_379 = vector.extract %slice3A_378[0] : i32 from vector<1xi32>
      %slice3A_380 = vector.extract_strided_slice %get3A_247 {offsets = [9], sizes = [1], strides = [1]} : vector<16xf32> to vector<1xf32>
      %squeeze3A_381 = vector.extract %slice3A_380[0] : f32 from vector<1xf32>
      %eq3A_382 = vector.broadcast %squeeze3A_379 : i32 to vector<16xi32>
      %eq3A_383 = arith.cmpi eq, %add3A_209, %eq3A_382 : vector<16xi32>
      %max3A_384 = vector.broadcast %squeeze3A_381 : f32 to vector<16xf32>
      %max3A_385 = arith.maximumf %select_n3A_372, %max3A_384 : vector<16xf32>
      %select_n3A_386 = arith.select %eq3A_383, %max3A_385, %select_n3A_372 : vector<16xi1>, vector<16xf32>
      %eq3A_387 = vector.broadcast %squeeze3A_379 : i32 to vector<16xi32>
      %eq3A_388 = arith.cmpi eq, %add3A_213, %eq3A_387 : vector<16xi32>
      %max3A_389 = vector.broadcast %squeeze3A_381 : f32 to vector<16xf32>
      %max3A_390 = arith.maximumf %select_n3A_377, %max3A_389 : vector<16xf32>
      %select_n3A_391 = arith.select %eq3A_388, %max3A_390, %select_n3A_377 : vector<16xi1>, vector<16xf32>
      %slice3A_392 = vector.extract_strided_slice %get3A_252 {offsets = [10], sizes = [1], strides = [1]} : vector<16xi32> to vector<1xi32>
      %squeeze3A_393 = vector.extract %slice3A_392[0] : i32 from vector<1xi32>
      %slice3A_394 = vector.extract_strided_slice %get3A_247 {offsets = [10], sizes = [1], strides = [1]} : vector<16xf32> to vector<1xf32>
      %squeeze3A_395 = vector.extract %slice3A_394[0] : f32 from vector<1xf32>
      %eq3A_396 = vector.broadcast %squeeze3A_393 : i32 to vector<16xi32>
      %eq3A_397 = arith.cmpi eq, %add3A_209, %eq3A_396 : vector<16xi32>
      %max3A_398 = vector.broadcast %squeeze3A_395 : f32 to vector<16xf32>
      %max3A_399 = arith.maximumf %select_n3A_386, %max3A_398 : vector<16xf32>
      %select_n3A_400 = arith.select %eq3A_397, %max3A_399, %select_n3A_386 : vector<16xi1>, vector<16xf32>
      %eq3A_401 = vector.broadcast %squeeze3A_393 : i32 to vector<16xi32>
      %eq3A_402 = arith.cmpi eq, %add3A_213, %eq3A_401 : vector<16xi32>
      %max3A_403 = vector.broadcast %squeeze3A_395 : f32 to vector<16xf32>
      %max3A_404 = arith.maximumf %select_n3A_391, %max3A_403 : vector<16xf32>
      %select_n3A_405 = arith.select %eq3A_402, %max3A_404, %select_n3A_391 : vector<16xi1>, vector<16xf32>
      %slice3A_406 = vector.extract_strided_slice %get3A_252 {offsets = [11], sizes = [1], strides = [1]} : vector<16xi32> to vector<1xi32>
      %squeeze3A_407 = vector.extract %slice3A_406[0] : i32 from vector<1xi32>
      %slice3A_408 = vector.extract_strided_slice %get3A_247 {offsets = [11], sizes = [1], strides = [1]} : vector<16xf32> to vector<1xf32>
      %squeeze3A_409 = vector.extract %slice3A_408[0] : f32 from vector<1xf32>
      %eq3A_410 = vector.broadcast %squeeze3A_407 : i32 to vector<16xi32>
      %eq3A_411 = arith.cmpi eq, %add3A_209, %eq3A_410 : vector<16xi32>
      %max3A_412 = vector.broadcast %squeeze3A_409 : f32 to vector<16xf32>
      %max3A_413 = arith.maximumf %select_n3A_400, %max3A_412 : vector<16xf32>
      %select_n3A_414 = arith.select %eq3A_411, %max3A_413, %select_n3A_400 : vector<16xi1>, vector<16xf32>
      %eq3A_415 = vector.broadcast %squeeze3A_407 : i32 to vector<16xi32>
      %eq3A_416 = arith.cmpi eq, %add3A_213, %eq3A_415 : vector<16xi32>
      %max3A_417 = vector.broadcast %squeeze3A_409 : f32 to vector<16xf32>
      %max3A_418 = arith.maximumf %select_n3A_405, %max3A_417 : vector<16xf32>
      %select_n3A_419 = arith.select %eq3A_416, %max3A_418, %select_n3A_405 : vector<16xi1>, vector<16xf32>
      %slice3A_420 = vector.extract_strided_slice %get3A_252 {offsets = [12], sizes = [1], strides = [1]} : vector<16xi32> to vector<1xi32>
      %squeeze3A_421 = vector.extract %slice3A_420[0] : i32 from vector<1xi32>
      %slice3A_422 = vector.extract_strided_slice %get3A_247 {offsets = [12], sizes = [1], strides = [1]} : vector<16xf32> to vector<1xf32>
      %squeeze3A_423 = vector.extract %slice3A_422[0] : f32 from vector<1xf32>
      %eq3A_424 = vector.broadcast %squeeze3A_421 : i32 to vector<16xi32>
      %eq3A_425 = arith.cmpi eq, %add3A_209, %eq3A_424 : vector<16xi32>
      %max3A_426 = vector.broadcast %squeeze3A_423 : f32 to vector<16xf32>
      %max3A_427 = arith.maximumf %select_n3A_414, %max3A_426 : vector<16xf32>
      %select_n3A_428 = arith.select %eq3A_425, %max3A_427, %select_n3A_414 : vector<16xi1>, vector<16xf32>
      %eq3A_429 = vector.broadcast %squeeze3A_421 : i32 to vector<16xi32>
      %eq3A_430 = arith.cmpi eq, %add3A_213, %eq3A_429 : vector<16xi32>
      %max3A_431 = vector.broadcast %squeeze3A_423 : f32 to vector<16xf32>
      %max3A_432 = arith.maximumf %select_n3A_419, %max3A_431 : vector<16xf32>
      %select_n3A_433 = arith.select %eq3A_430, %max3A_432, %select_n3A_419 : vector<16xi1>, vector<16xf32>
      %slice3A_434 = vector.extract_strided_slice %get3A_252 {offsets = [13], sizes = [1], strides = [1]} : vector<16xi32> to vector<1xi32>
      %squeeze3A_435 = vector.extract %slice3A_434[0] : i32 from vector<1xi32>
      %slice3A_436 = vector.extract_strided_slice %get3A_247 {offsets = [13], sizes = [1], strides = [1]} : vector<16xf32> to vector<1xf32>
      %squeeze3A_437 = vector.extract %slice3A_436[0] : f32 from vector<1xf32>
      %eq3A_438 = vector.broadcast %squeeze3A_435 : i32 to vector<16xi32>
      %eq3A_439 = arith.cmpi eq, %add3A_209, %eq3A_438 : vector<16xi32>
      %max3A_440 = vector.broadcast %squeeze3A_437 : f32 to vector<16xf32>
      %max3A_441 = arith.maximumf %select_n3A_428, %max3A_440 : vector<16xf32>
      %select_n3A_442 = arith.select %eq3A_439, %max3A_441, %select_n3A_428 : vector<16xi1>, vector<16xf32>
      %eq3A_443 = vector.broadcast %squeeze3A_435 : i32 to vector<16xi32>
      %eq3A_444 = arith.cmpi eq, %add3A_213, %eq3A_443 : vector<16xi32>
      %max3A_445 = vector.broadcast %squeeze3A_437 : f32 to vector<16xf32>
      %max3A_446 = arith.maximumf %select_n3A_433, %max3A_445 : vector<16xf32>
      %select_n3A_447 = arith.select %eq3A_444, %max3A_446, %select_n3A_433 : vector<16xi1>, vector<16xf32>
      %slice3A_448 = vector.extract_strided_slice %get3A_252 {offsets = [14], sizes = [1], strides = [1]} : vector<16xi32> to vector<1xi32>
      %squeeze3A_449 = vector.extract %slice3A_448[0] : i32 from vector<1xi32>
      %slice3A_450 = vector.extract_strided_slice %get3A_247 {offsets = [14], sizes = [1], strides = [1]} : vector<16xf32> to vector<1xf32>
      %squeeze3A_451 = vector.extract %slice3A_450[0] : f32 from vector<1xf32>
      %eq3A_452 = vector.broadcast %squeeze3A_449 : i32 to vector<16xi32>
      %eq3A_453 = arith.cmpi eq, %add3A_209, %eq3A_452 : vector<16xi32>
      %max3A_454 = vector.broadcast %squeeze3A_451 : f32 to vector<16xf32>
      %max3A_455 = arith.maximumf %select_n3A_442, %max3A_454 : vector<16xf32>
      %select_n3A_456 = arith.select %eq3A_453, %max3A_455, %select_n3A_442 : vector<16xi1>, vector<16xf32>
      %eq3A_457 = vector.broadcast %squeeze3A_449 : i32 to vector<16xi32>
      %eq3A_458 = arith.cmpi eq, %add3A_213, %eq3A_457 : vector<16xi32>
      %max3A_459 = vector.broadcast %squeeze3A_451 : f32 to vector<16xf32>
      %max3A_460 = arith.maximumf %select_n3A_447, %max3A_459 : vector<16xf32>
      %select_n3A_461 = arith.select %eq3A_458, %max3A_460, %select_n3A_447 : vector<16xi1>, vector<16xf32>
      %slice3A_462 = vector.extract_strided_slice %get3A_252 {offsets = [15], sizes = [1], strides = [1]} : vector<16xi32> to vector<1xi32>
      %squeeze3A_463 = vector.extract %slice3A_462[0] : i32 from vector<1xi32>
      %slice3A_464 = vector.extract_strided_slice %get3A_247 {offsets = [15], sizes = [1], strides = [1]} : vector<16xf32> to vector<1xf32>
      %squeeze3A_465 = vector.extract %slice3A_464[0] : f32 from vector<1xf32>
      %eq3A_466 = vector.broadcast %squeeze3A_463 : i32 to vector<16xi32>
      %eq3A_467 = arith.cmpi eq, %add3A_209, %eq3A_466 : vector<16xi32>
      %max3A_468 = vector.broadcast %squeeze3A_465 : f32 to vector<16xf32>
      %max3A_469 = arith.maximumf %select_n3A_456, %max3A_468 : vector<16xf32>
      %select_n3A_470 = arith.select %eq3A_467, %max3A_469, %select_n3A_456 : vector<16xi1>, vector<16xf32>
      %eq3A_471 = vector.broadcast %squeeze3A_463 : i32 to vector<16xi32>
      %eq3A_472 = arith.cmpi eq, %add3A_213, %eq3A_471 : vector<16xi32>
      %max3A_473 = vector.broadcast %squeeze3A_465 : f32 to vector<16xf32>
      %max3A_474 = arith.maximumf %select_n3A_461, %max3A_473 : vector<16xf32>
      %select_n3A_475 = arith.select %eq3A_472, %max3A_474, %select_n3A_461 : vector<16xi1>, vector<16xf32>
      scf.yield %select_n3A_470, %select_n3A_475 : vector<16xf32>, vector<16xf32>
    }
    %scan3A_225 = arith.constant 8 : i32
    %swap3A_226 = arith.constant 0 : index
    %swap3A_227 = tpu.vector_load %arg14[%swap3A_226] {strides = array<i32>} : memref<32xf32, #tpu.memory_space<vmem>>, vector<16xf32>,
    %swap3A_228 = vector.shape_cast %swap3A_227 : vector<16xf32> to vector<16xf32>
    %swap3A_229 = vector.shape_cast %scan3A_224#0 : vector<16xf32> to vector<16xf32>
    tpu.vector_store %arg14[%swap3A_226], %swap3A_229 {strides = array<i32>} : memref<32xf32, #tpu.memory_space<vmem>>, vector<16xf32>,
    %swap3A_230 = arith.constant 16 : index
    %swap3A_231 = tpu.vector_load %arg14[%swap3A_230] {strides = array<i32>} : memref<32xf32, #tpu.memory_space<vmem>>, vector<16xf32>,
    %swap3A_232 = vector.shape_cast %swap3A_231 : vector<16xf32> to vector<16xf32>
    %swap3A_233 = vector.shape_cast %scan3A_224#1 : vector<16xf32> to vector<16xf32>
    tpu.vector_store %arg14[%swap3A_230], %swap3A_233 {strides = array<i32>} : memref<32xf32, #tpu.memory_space<vmem>>, vector<16xf32>,
    "tpu.region"() ({
      %run_scoped3A = tpu.sem_alloc : memref<!tpu.dma_semaphore, #tpu.memory_space<semaphore_mem>>
      %dma_start3A_240 = tpu.memref_slice %arg7[%mul3A_2] : memref<512xf32, #tpu.memory_space<hbm>> -> memref<32xf32, #tpu.memory_space<hbm>>
      %dma_start3A_241 = tpu.memref_slice %arg7[%mul3A_2] : memref<512xf32, #tpu.memory_space<hbm>> -> memref<32xf32, #tpu.memory_space<hbm>>
      tpu.enqueue_dma source(%arg14 : memref<32xf32, #tpu.memory_space<vmem>>) target(%dma_start3A_241 : memref<32xf32, #tpu.memory_space<hbm>>) target_semaphore(%run_scoped3A : memref<!tpu.dma_semaphore, #tpu.memory_space<semaphore_mem>>)
      %dma_wait3A_242 = tpu.memref_slice %arg7[%mul3A_2] : memref<512xf32, #tpu.memory_space<hbm>> -> memref<32xf32, #tpu.memory_space<hbm>>
      %dma_wait3A_243 = tpu.memref_slice %arg7[%mul3A_2] : memref<512xf32, #tpu.memory_space<hbm>> -> memref<32xf32, #tpu.memory_space<hbm>>
      tpu.wait_dma2 semaphore(%run_scoped3A : memref<!tpu.dma_semaphore, #tpu.memory_space<semaphore_mem>>) src(%arg14 : memref<32xf32, #tpu.memory_space<vmem>>) dst(%dma_wait3A_243 : memref<32xf32, #tpu.memory_space<hbm>>)
      tpu.yield
    }) : () -> ()
    %dma_wait3A_234 = arith.constant 0 : i32
    %dma_wait3A_235 = tpu.memref_slice %arg11[%dma_wait3A_234] : memref<16xi32, #tpu.memory_space<vmem>> -> memref<8xi32, #tpu.memory_space<vmem>>
    %dma_wait3A_236 = tpu.memref_slice %arg6[%mul3A_0] : memref<128xi32, #tpu.memory_space<hbm>> -> memref<8xi32, #tpu.memory_space<hbm>>
    %dma_wait3A_237 = tpu.memref_slice %arg6[%mul3A_0] : memref<128xi32, #tpu.memory_space<hbm>> -> memref<8xi32, #tpu.memory_space<hbm>>
    %dma_wait3A_238 = arith.constant 0 : i32
    %dma_wait3A_239 = tpu.memref_slice %arg11[%dma_wait3A_238] : memref<16xi32, #tpu.memory_space<vmem>> -> memref<8xi32, #tpu.memory_space<vmem>>
    tpu.wait_dma2 semaphore(%arg18 : memref<!tpu.dma_semaphore, #tpu.memory_space<semaphore_mem>>) src(%dma_wait3A_239 : memref<8xi32, #tpu.memory_space<vmem>>) dst(%dma_wait3A_237 : memref<8xi32, #tpu.memory_space<hbm>>)
    return
  }
}

</mosaic_0001>

<sc_bundles>
// kernel: kernel.3.cloned.1.call-start
scs
__scs_entry_jumppad:
0x0: {  	(pc) =	sbr.rel $0x88, $3  }
0x1: {  	(tag) =	ssettag $0x0;
	lr =	simm.s32 $0x1  }
0x2: {  	[smem:$0x3F9D] =	sst lr;
	_ =	strace $0xD0000000  }
0x3: {  	_ = 	snop  }
0x4: {  	_ = 	snop  }
0x5: {  	_ = 	snop  }
0x6: {  	_ = 	snop  }
0x7: {  	_ = 	snop  }
__scs_overlays_trampoline_lowered:
0x8: {  	[smem:$0x3FAC] =	sst s0  }
0x9: {  	[smem:$0x3FAD] =	sst s1  }
0xa: {  	[smem:$0x3FAE] =	sst s2  }
0xb: {  	[smem:$0x3FAF] =	sst s3  }
0xc: {  	[smem:$0x3FB0] =	sst s4  }
0xd: {  	[smem:$0x3FB1] =	sst s5  }
0xe: {  	[smem:$0x3FB2] =	sst s6  }
0xf: {  	[smem:$0x3FB3] =	sst s7  }
0x10: {  	[smem:$0x3FB4] =	sst s8  }
0x11: {  	[smem:$0x3FB5] =	sst s9;
	s0 =	simm.s32 @!p0 $0x0  }
0x12: {  	s1 =	sld [smem:$0x3F9B];
	s0 =	simm.s32 @p0 $0x1  }
0x13: {  	[smem:$0x3FB6] =	sst s0;
	s0 =	simm.s32 @!p1 $0x0  }
0x14: {  	s2 =	sld [smem:$0x3F9A];
	s0 =	simm.s32 @p1 $0x1  }
0x15: {  	[smem:$0x3FB7] =	sst s0;
	s0 =	simm.s32 @!p2 $0x0  }
0x16: {  	s3 =	sld [smem:$0x3FDB];
	s0 =	simm.s32 @p2 $0x1  }
0x17: {  	s4 =	simm.s32 $0x1BF5;
	[smem:$0x3FB9] =	sst s0  }
0x18: {  	s0 =	sld [smem:$0x3F9C];
	_ =	swait.ge [sflag:s4], $0x0  }
0x19: {  	s7 =	sld [smem:$0x3F9D]  }
0x1a: {  	s8 =	sadd.s32 $0xFFFFE003, lr  }
0x1b: {  	s9 =	sadd.s32 $0xFFFFFEF7, lr;
	s5 =	simm.s32 $0xFFFFFFFF;
	p2 =	slt.u32 s8, $0xFFFFF086  }
0x1c: {  	p1 =	slt.u32 s9, $0xF7A;
	s5 =	simm.s32 @!p2 $0x0  }
0x1d: {  	s5 =	simm.s32 @p1 $0x1;
	p0 =	seq.s32 s7, s2  }
0x1e: {  	s7 =	smul.u32 @!p0 $0xF7A, s2;
	p2 =	seq.s32 @!p0 s5, $0x0  }
0x1f: {  	s9 =	smul.u32 $0xF7A, s1;
	s8 =	simm.s32 @!p0 $0x1BF5;
	p2 =	por !p2, p0  }
0x20: {  	[sflag:s8] =	ssyncset.s32 @!p0 $0xFFFFF086;
	s6 =	sadd.s32 @!p0 s3, s7;
	s7 =	simm.s32 @!p0 $0x108  }
0x21: {  	s3 =	sadd.s32 s3, s9;
	s6 =	sadd.s32 @!p0 $0x88, s6;
	s7 =	simm.s32 @p2 $0x1082  }
0x22: {  	[simem:s7], [sflag:s8] =	dma.local @!p0 [hbm:s6], $0xF7A  }
0x23: {  	s9 =	sor.u32 $0xD0000000, s2;
	s6 =	simm.s32 $0x108;
	_ =	swait.ge @!p0 [sflag:s8], $0x0  }
0x24: {  	s3 =	sadd.s32 $0x88, s3;
	s6 =	simm.s32 @!p1 $0x1082;
	[sflag:s4] =	ssyncset.s32 $0xFFFFF086  }
0x25: {  	[simem:s6], [sflag:s4] =	dma.local [hbm:s3], $0xF7A  }
0x26: {  	[smem:$0x3F9D] =	sst s1;
	(tag) =	ssettag s2;
	_ =	strace s9  }
0x27: {  	s1 =	sld [smem:$0x3FAD]  }
0x28: {  	s2 =	sld [smem:$0x3FAE]  }
0x29: {  	s4 =	sld [smem:$0x3FB0]  }
0x2a: {  	p0 =	seq.s32 s5, $0x0;
	s5 =	sld [smem:$0x3FB1]  }
0x2b: {  	s6 =	sld [smem:$0x3FB2]  }
0x2c: {  	s7 =	sld [smem:$0x3FB3]  }
0x2d: {  	s3 =	simm.s32 $0x108;
	s8 =	sld [smem:$0x3FB4]  }
0x2e: {  	s3 =	simm.s32 @!p0 $0x1082;
	s9 =	sld [smem:$0x3FB5]  }
0x2f: {  	lr =	sadd.s32 s0, s3;
	s0 =	sld [smem:$0x3FAC]  }
0x30: {  	s3 =	sld [smem:$0x3FAF]  }
0x31: {  	[smem:$0x3FB8] =	sst s10  }
0x32: {  	s10 =	sld [smem:$0x3FB6];
	_ =	sdelay $0x3  }
0x33: {  	p0 =	seq.s32 s10, $0x1;
	s10 =	sld [smem:$0x3FB8];
	_ =	sdelay $0x3  }
0x34: {  	[smem:$0x3FB8] =	sst s10  }
0x35: {  	s10 =	sld [smem:$0x3FB7];
	_ =	sdelay $0x3  }
0x36: {  	p1 =	seq.s32 s10, $0x1;
	s10 =	sld [smem:$0x3FB8];
	_ =	sdelay $0x3  }
0x37: {  	[smem:$0x3FB8] =	sst s10  }
0x38: {  	s10 =	sld [smem:$0x3FB9]  }
0x39: {  	_ = 	snop;
	(pc) =	sbr.ind lr, $3  }
0x3a: {  	_ = 	snop  }
0x3b: {  	_ = 	snop  }
0x3c: {  	p2 =	seq.s32 s10, $0x1;
	s10 =	sld [smem:$0x3FB8]  }
0x3d: {  	_ =	shalt  }
0x3e: {  	_ =	shalt  }
0x3f: {  	_ =	shalt  }
0x40: {  	_ =	shalt  }
0x41: {  	_ =	shalt  }
0x42: {  	_ =	shalt  }
0x43: {  	_ =	shalt  }
0x44: {  	_ =	shalt  }
0x45: {  	_ =	shalt  }
0x46: {  	_ =	shalt  }
0x47: {  	_ =	shalt  }
0x48: {  	_ =	shalt  }
0x49: {  	_ =	shalt  }
0x4a: {  	_ =	shalt  }
0x4b: {  	_ =	shalt  }
0x4c: {  	_ =	shalt  }
0x4d: {  	_ =	shalt  }
0x4e: {  	_ =	shalt  }
0x4f: {  	_ =	shalt  }
0x50: {  	_ =	shalt  }
0x51: {  	_ =	shalt  }
0x52: {  	_ =	shalt  }
0x53: {  	_ =	shalt  }
0x54: {  	_ =	shalt  }
0x55: {  	_ =	shalt  }
0x56: {  	_ =	shalt  }
0x57: {  	_ =	shalt  }
0x58: {  	_ =	shalt  }
0x59: {  	_ =	shalt  }
0x5a: {  	_ =	shalt  }
0x5b: {  	_ =	shalt  }
0x5c: {  	_ =	shalt  }
0x5d: {  	_ =	shalt  }
0x5e: {  	_ =	shalt  }
0x5f: {  	_ =	shalt  }
0x60: {  	_ =	shalt  }
0x61: {  	_ =	shalt  }
0x62: {  	_ =	shalt  }
0x63: {  	_ =	shalt  }
0x64: {  	_ =	shalt  }
0x65: {  	_ =	shalt  }
0x66: {  	_ =	shalt  }
0x67: {  	_ =	shalt  }
0x68: {  	_ =	shalt  }
0x69: {  	_ =	shalt  }
0x6a: {  	_ =	shalt  }
0x6b: {  	_ =	shalt  }
0x6c: {  	_ =	shalt  }
0x6d: {  	_ =	shalt  }
0x6e: {  	_ =	shalt  }
0x6f: {  	_ =	shalt  }
0x70: {  	_ =	shalt  }
0x71: {  	_ =	shalt  }
0x72: {  	_ =	shalt  }
0x73: {  	_ =	shalt  }
0x74: {  	_ =	shalt  }
0x75: {  	_ =	shalt  }
0x76: {  	_ =	shalt  }
0x77: {  	_ =	shalt  }
0x78: {  	_ =	shalt  }
0x79: {  	_ =	shalt  }
0x7a: {  	_ =	shalt  }
0x7b: {  	_ =	shalt  }
0x7c: {  	_ =	shalt  }
0x7d: {  	_ =	shalt  }
0x7e: {  	_ =	shalt  }
0x7f: {  	_ =	shalt  }
0x80: {  	_ =	shalt  }
0x81: {  	_ =	shalt  }
0x82: {  	_ =	shalt  }
0x83: {  	_ =	shalt  }
0x84: {  	_ =	shalt  }
0x85: {  	_ =	shalt  }
0x86: {  	_ =	shalt  }
0x87: {  	_ =	shalt  }
.Lfunc_end0:
.L_simem_size_0:
called_computation_lowered:
.L_overlay_start_0:
0x88: {  	s0 =	sld [smem:$0x3FD9]  }
0x89: {  	s1 =	sld [smem:$0x3FFE];
	_ =	sdelay $0x3  }
0x8a: {  	s0 =	sadd.s32 s1, s0  }
0x8b: {  	[smem:$0x3FC4] =	sst s0  }
0x8c: {  	_ = 	snop  }
0x8d: {  	s0 =	sld [smem:$0x3FD0];
	_ =	sdelay $0x1  }
0x8e: {  	s13 =	sld [smem:$0x3FC8]  }
0x8f: {  	s3 =	simm.s32 $0xA;
	s4 =	simm.s32 $0x10;
	s2 =	sld [smem:$0x3FC6]  }
0x90: {  	[smem:s4], [sflag:s3] =	dma.local [hbm:s0], $0x1  }
0x91: {  	_ =	swait.eq [sflag:s3], $0x1  }
0x92: {  	[sflag:s3] =	ssyncset.done $0x0  }
0x93: {  	s14 =	sld [smem:$0x10];
	[sflag:s3] =	ssyncadd.s32 $0xFFFFFFFF  }
0x94: {  	s15 =	sld [smem:$0x11];
	(tm) =	ssettm $0x1  }
0x95: {  	s16 =	sld [smem:$0x3FFB];
	_ =	sdelay $0x3  }
0x96: {  	_ =	strace s16  }
0x97: {  	s4 =	sld [smem:$0x3FFC];
	_ =	sdelay $0x3  }
0x98: {  	_ =	strace s4  }
0x99: {  	s4 =	sld [smem:$0x3FFD];
	_ =	sdelay $0x3  }
0x9a: {  	_ =	strace s4  }
0x9b: {  	_ =	strace $0x8FFFFFFF  }
0x9c: {  	s17 =	sld [smem:$0x3FDB];
	_ =	sdelay $0x1  }
0x9d: {  	s5 =	simm.s32 $_scs_section_size  }
0x9e: {  	s6 =	simm.s32 $_size__tile_overlayer_lowered;
	s7 =	simm.s32 $_tile_overlayer_lowered  }
0x9f: {  	s20 =	simm.s32 $0x1BFF;
	s19 =	sshll.u32 s7, $0x1;
	s4 =	sadd.s32 s5, s17  }
0xa0: {  	s8 =	simm.s32 $0x0;
	s18 =	sshll.u32 s6, $0x1;
	s6 =	sadd.s32 s19, s4  }
0xa1: {  	[timem:s8], [sflag:s20] =	dma.local [hbm:s6], s18  }
0xa2: {  	_ =	swait.ge [sflag:s20], s18  }
0xa3: {  	s5 =	ssub.s32 $0x0, s18;
	[sflag:s20] =	ssyncset.done $0x0  }
0xa4: {  	[sflag:s20] =	ssyncadd.s32 s5;
	_ =	sdelay $0x1  }
0xa5: {  	s21 =	simm.s32 $0x1B8B  }
0xa6: {  	_ =	swait.ge [sflag:s21], $0x1  }
0xa7: {  	[sflag:s21] =	ssyncset.done $0x0  }
0xa8: {  	s23 =	simm.s32 $0x1B8E;
	s22 =	sld [smem:$0x3FFE];
	[sflag:s21] =	ssyncadd.s32 $0xFFFFFFFF  }
0xa9: {  	s24 =	simm.s32 $execute0_lowered;
	[smem:$0x3FD2] =	sst s23  }
0xaa: {  	s6 =	sshll.u32 s24, $0x1;
	_ =	strace $0x80000046;
	[dreg:$0x1] =	wrdreg $0xFFFFFFFF  }
0xab: {  	s25 =	simm.s32 $_size_execute0_lowered;
	s4 =	sadd.s32 s4, s6;
	[dreg:$0x0] =	wrdreg $0x0  }
0xac: {  	s6 =	sshll.u32 s25, $0x1;
	[dreg:$0x2] =	wrdreg s4  }
0xad: {  	[dreg:$0x3] =	wrdreg s6  }
0xae: {  	[dreg:$0x4] =	wrdreg $0xC0  }
0xaf: {  	_ =	task [dreg:s8], $0x5FFFF  }
0xb0: {  	[dreg:$0x1] =	wrdreg $0xFFFFFFFF  }
0xb1: {  	[dreg:$0x0] =	wrdreg $0x60  }
0xb2: {  	[dreg:$0x2] =	wrdreg s22  }
0xb3: {  	[dreg:$0x3] =	wrdreg s13  }
0xb4: {  	[dreg:$0x4] =	wrdreg s2  }
0xb5: {  	[dreg:$0x5] =	wrdreg s14  }
0xb6: {  	[dreg:$0x6] =	wrdreg s15  }
0xb7: {  	[dreg:$0x7] =	wrdreg $0x28000  }
0xb8: {  	[dreg:$0x8] =	wrdreg $0x9  }
0xb9: {  	_ =	task.clear_ibuf [dreg:s8], $0x9FFFF;
	_ =	strace $0x90000046  }
0xba: {  	s26 =	simm.s32 $0x9;
	_ =	strace $0x80000048  }
0xbb: {  	_ =	swait.ge [sflag:s26], $0x1  }
0xbc: {  	[sflag:s26] =	ssyncadd.s32 $0xFFFFFFFF  }
0xbd: {  	_ =	strace $0x90000048  }
0xbe: {  	_ =	sfence  }
0xbf: {  	s28 =	sld [smem:$0x0];
	_ =	sdelay $0x1  }
0xc0: {  	s29 =	srdreg.scid  }
0xc1: {  	s30 =	sshll.u32 s29, $0xD;
	s31 =	sshrl.u32 s29, $0x2  }
0xc2: {  	s1 =	sand.u32 $0x1, s29;
	s2 =	sand.u32 $0x4000, s30;
	s0 =	sadd.s32 s31, s28  }
0xc3: {  	s1 =	sor.u32 s2, s1;
	s0 =	sshll.u32 s0, $0x11  }
0xc4: {  	s0 =	sor.u32 s0, s1  }
0xc5: {  	s0 =	sadd.s32 $0x8F2B, s0  }
0xc6: {  	[sflag:s0] =	ssyncadd.remote.s32 $0x1  }
0xc7: {  	_ =	sfence.sel $0xFFFF  }
0xc8: {  	[dreg:$0x0] =	wrdreg $0xFFFFFFFF;
	(pc) =	sbr.abs _section_cstart, $3  }
0xc9: {  	[dreg:$0x1] =	wrdreg $0xFFFFFFFF  }
0xca: {  	_ =	task.clear_ibuf [dreg:s8], $0x2FFFF;
	_ =	strace $0x9FFFFFFF  }
0xcb: {  	(tm) =	ssettm $0x7FFFFFFF  }
tec
execute0_lowered:
.L_overlay_start_1:
0x0: {  	(tag) =	ssettag $0x1  }
0x1: {  	s5 =	rddreg [dreg:$0x0]  }
0x2: {  	s9 =	rddreg [dreg:$0x1]  }
0x3: {  	s10 =	rddreg [dreg:$0x2]  }
0x4: {  	s4 =	rddreg [dreg:$0x3]  }
0x5: {  	s3 =	rddreg [dreg:$0x4]  }
0x6: {  	s2 =	rddreg [dreg:$0x5]  }
0x7: {  	s0 =	rddreg [dreg:$0x6];
	s7 =	simm.s32 $0x0  }
0x8: {  	s1 =	stileid.u32;
	s15 =	simm.s32 $0x80;
	s12 =	simm.s32 $0x400  }
0x9: {  	s8 =	simm.s32 $0x2000;
	[smem:$0x7FF] =	sst s7;
	s6 =	sshll.u32 s1, $0xA  }
0xa: {  	_ =	strace $0x80000047;
	s11 =	sadd.s32 s6, s5;
	s6 =	sadd.s32 $0x4600, s5  }
0xb: {  	[tilespmem:s8], [sflag:$0x1] =	stream.strided.gather [hbm4b:s6+s15], $0x400, s12, s15, $0x38;
	[tilespmem:$0x2808] =	vst v63  }
0xc: {  	s16 =	sadd.s32 $0x600, s11  }
0xd: {  	[tilespmem:s7], [sflag:$0x3] =	stream.linear.gather [hbm4b:s16+s7], $0x2000, $0x38;
	[tilespmem:$0x2808] =	vst v63  }
0xe: {  	s17 =	simm.s32 $0x2700;
	s5 =	sshll.u32 s1, $0x2  }
0xf: {  	[tilespmem:s17], [sflag:$0x2] =	stream.linear.gather [hbm4b:s10+s7], $0x80, $0x38;
	[tilespmem:$0x2808] =	vst v63  }
0x10: {  	s19 =	simm.s32 $0x2780;
	s18 =	sadd.s32 s9, s5  }
0x11: {  	[tilespmem:s19], [sflag:$0x2] =	stream.linear.gather [hbm4b:s18+s7], $0x20, $0x38;
	[tilespmem:$0x2808] =	vst v63  }
0x12: {  	s20 =	simm.s32 $0x2400;
	s21 =	simm.s32 $0x3  }
0x13: {  	[tilespmem:s20], [sflag:$0x2] =	stream.linear.gather [hbm4b:s9+s7], $0x200, $0x38;
	[tilespmem:$0x2808] =	vst v63  }
0x14: {  	_ =	swait.ge [sflag:s21], $0x2000  }
0x15: {  	[sflag:s21] =	ssyncset.done $0x0  }
0x16: {  	v0 =	vimm.s32 $0xFFFFFFFF;
	[sflag:s21] =	ssyncadd.s32 $0xFFFFE000  }
0x17: {  	s9 =	simm.s32 $0x1;
	[tilespmem:$0x2600] =	vst v0  }
0x18: {  	_ =	swait.ge [sflag:s9], $0x400  }
0x19: {  	[sflag:s9] =	ssyncset.done $0x0  }
0x1a: {  	s22 =	sand.u32 $0x40, s7;
	s23 =	sand.u32 $0x1C00, s7;
	[sflag:s9] =	ssyncadd.s32 $0xFFFFFC00  }
0x1b: {  	s24 =	sor.u32 s22, s23;
	v0 =	vld [tilespmem:s8+$0x0]  }
0x1c: {  	v1 =	vld [tilespmem:s24+$0x0]  }
0x1d: {  	v2 =	vld [tilespmem:s24+$0x80]  }
0x1e: {  	s13 =	sor.u32 s7, s7;
	s14 =	sand.u32 $0x380, s7;
	v3 =	vld [tilespmem:s24+$0x100]  }
0x1f: {  	s25 =	sor.u32 $0x380, s13;
	s26 =	sor.u32 $0x2000, s14;
	s28 =	sor.u32 $0x30, s22;
	v4 =	vld [tilespmem:s24+$0x180]  }
0x20: {  	s29 =	sor.u32 s28, s26;
	v5 =	vld [tilespmem:s25+$0x0]  }
0x21: {  	s30 =	sor.u32 s28, s23;
	v6 =	vld [tilespmem:s29+$0x0]  }
0x22: {  	v7 =	vld [tilespmem:s30+$0x0]  }
0x23: {  	v8 =	vld [tilespmem:s30+$0x80]  }
0x24: {  	s31 =	sor.u32 $0x20, s22;
	v9 =	vld [tilespmem:s30+$0x100]  }
0x25: {  	s15 =	sor.u32 s31, s26;
	v10 =	vld [tilespmem:s30+$0x180]  }
0x26: {  	s14 =	sor.u32 s31, s23;
	v11 =	vld [tilespmem:s15+$0x0]  }
0x27: {  	v12 =	vld [tilespmem:s14+$0x0]  }
0x28: {  	v13 =	vld [tilespmem:s14+$0x80]  }
0x29: {  	s10 =	sor.u32 $0x10, s22;
	v14 =	vld [tilespmem:s14+$0x100];
	v0 =	vtrunc.f32 v0;
	v1 =	vtrunc.f32 v1  }
0x2a: {  	s13 =	sor.u32 s10, s26;
	v15 =	vld [tilespmem:s14+$0x180];
	v2 =	vtrunc.f32 v2;
	v3 =	vtrunc.f32 v3  }
0x2b: {  	s10 =	sor.u32 s10, s23;
	v16 =	vld [tilespmem:s13+$0x0];
	v4 =	vtrunc.f32 v4;
	v5 =	vtrunc.f32 v5  }
0x2c: {  	v17 =	vld [tilespmem:s10+$0x0];
	v6 =	vtrunc.f32 v6;
	v7 =	vtrunc.f32 v7  }
0x2d: {  	v20 =	vld [tilespmem:s10+$0x180];
	v8 =	vtrunc.f32 v8;
	v9 =	vtrunc.f32 v9  }
0x2e: {  	p0 =	por $0x0, $0x0;
	v18 =	vtrunc.f32 v11;
	v10 =	vtrunc.f32 v10  }
0x2f: {  	s9 =	simm.s32 @!p0 $0x0;
	v19 =	vtrunc.f32 v12;
	v13 =	vtrunc.f32 v13  }
0x30: {  	s9 =	sshll.u32 s9, $0x6;
	v14 =	vtrunc.f32 v14;
	v15 =	vtrunc.f32 v15  }
0x31: {  	s9 =	sadd.s32 $0x0, s9;
	v16 =	vtrunc.f32 v16;
	v17 =	vtrunc.f32 v17  }
0x32: {  	s16 =	sor.u32 $0x280, s9;
	v20 =	vtrunc.f32 v20;
	v0 =	vcvt.f32.s32 v0  }
0x33: {  	s17 =	sor.u32 $0x300, s9;
	s18 =	sadd.s32 $0x30, s9;
	v22 =	vld [tilespmem:s16+$0x0];
	v21 =	vcvt.f32.s32 v1;
	v2 =	vcvt.f32.s32 v2  }
0x34: {  	s15 =	sor.u32 $0x200, s9;
	v24 =	vld [tilespmem:s17+$0x0];
	s19 =	sor.u32 $0x200, s18;
	v3 =	vcvt.f32.s32 v3;
	v4 =	vcvt.f32.s32 v4  }
0x35: {  	s22 =	sadd.s32 $0x20, s9;
	s9 =	sadd.s32 $0x10, s9;
	s20 =	sor.u32 $0x280, s18;
	v26 =	vld [tilespmem:s19+$0x0];
	v5 =	vcvt.f32.s32 v5;
	v7 =	vcvt.f32.s32 v7  }
0x36: {  	s30 =	sor.u32 $0x280, s9;
	v27 =	vld [tilespmem:s20+$0x0];
	v8 =	vcvt.f32.s32 v8;
	v9 =	vcvt.f32.s32 v9  }
0x37: {  	v32 =	vld [tilespmem:s30+$0x0];
	v30 =	vcvt.f32.s32 v10;
	v31 =	vcvt.f32.s32 v19  }
0x38: {  	v11 =	vld [tilespmem:s10+$0x80];
	v33 =	vcvt.f32.s32 v13;
	v34 =	vcvt.f32.s32 v14  }
0x39: {  	v12 =	vld [tilespmem:s10+$0x100];
	v36 =	vcvt.f32.s32 v15;
	v37 =	vcvt.f32.s32 v17  }
0x3a: {  	s23 =	sor.u32 $0x380, s18;
	v1 =	vld [tilespmem:s15+$0x0];
	v44 =	vcvt.f32.s32 v20;
	v19 =	vtrunc.f32 v22  }
0x3b: {  	s24 =	sor.u32 $0x200, s22;
	v10 =	vld [tilespmem:s23+$0x0];
	v22 =	vtrunc.f32 v24;
	v35 =	vtrunc.f32 v26  }
0x3c: {  	s25 =	sor.u32 $0x280, s22;
	v13 =	vld [tilespmem:s24+$0x0];
	v38 =	vtrunc.f32 v27;
	v29 =	vcvt.f32.s32 v19  }
0x3d: {  	s26 =	sor.u32 $0x300, s22;
	v14 =	vld [tilespmem:s25+$0x0];
	v28 =	vcvt.f32.s32 v22;
	v23 =	vtrunc.f32 v11  }
0x3e: {  	s28 =	sor.u32 $0x380, s22;
	v15 =	vld [tilespmem:s26+$0x0];
	v25 =	vtrunc.f32 v12;
	v11 =	vcvt.f32.s32 v6  }
0x3f: {  	s29 =	sor.u32 $0x200, s9;
	v17 =	vld [tilespmem:s28+$0x0];
	v12 =	vcvt.f32.s32 v18;
	v6 =	vcvt.f32.s32 v16  }
0x40: {  	v20 =	vld [tilespmem:s29+$0x0];
	v35 =	vcvt.f32.s32 v35;
	v38 =	vcvt.f32.s32 v38  }
0x41: {  	v21 =	vxor.u32 v0, v21;
	v23 =	vcvt.f32.s32 v23;
	v43 =	vcvt.f32.s32 v25  }
0x42: {  	v24 =	vxor.u32 v0, v2;
	v16 =	vtrunc.f32 v1;
	v40 =	vtrunc.f32 v10  }
0x43: {  	v1 =	vimm.s32 $0x0;
	v41 =	vtrunc.f32 v13;
	v45 =	vtrunc.f32 v14  }
0x44: {  	s21 =	sor.u32 $0x300, s18;
	v46 =	vtrunc.f32 v15;
	v2 =	vtrunc.f32 v17;
	v15 =	vxor.u32 v0, v3  }
0x45: {  	v18 =	vld [tilespmem:s21+$0x0];
	v17 =	vxor.u32 v0, v4;
	v3 =	vtrunc.f32 v20;
	v4 =	vtrunc.f32 v32  }
0x46: {  	v10 =	vxor.u32 v0, v5;
	v25 =	vcvt.f32.s32 v16;
	v22 =	vxor.u32 v11, v7  }
0x47: {  	s31 =	sor.u32 $0x300, s9;
	v19 =	vxor.u32 v11, v8;
	v14 =	vxor.u32 v11, v9;
	v13 =	vxor.u32 v11, v30  }
0x48: {  	v26 =	vld [tilespmem:s31+$0x0];
	v27 =	vxor.u32 v12, v33;
	v16 =	vxor.u32 v12, v36;
	v42 =	vcvt.f32.s32 v41  }
0x49: {  	s9 =	sor.u32 $0x380, s9;
	v30 =	vxor.u32 v6, v37;
	v41 =	vcvt.f32.s32 v40;
	v40 =	vcvt.f32.s32 v46  }
0x4a: {  	v37 =	vcvt.f32.s32 v3;
	v3 =	vimm.s32 $0x0;
	v39 =	vtrunc.f32 v18;
	v18 =	vld [tilespmem:s9+$0x0]  }
0x4b: {  	v9 =	vimm.s32 $0x0;
	v8 =	vimm.s32 $0x0;
	v7 =	vimm.s32 $0x0  }
0x4c: {  	v20 =	vxor.u32 v6, v43;
	v43 =	vcvt.f32.s32 v2;
	v2 =	vimm.s32 $0x0  }
0x4d: {  	v5 =	vtrunc.f32 v26;
	v26 =	vxor.u32 v12, v31;
	v31 =	vxor.u32 v6, v23  }
0x4e: {  	v23 =	vxor.u32 v6, v44;
	v33 =	vcvt.f32.s32 v5;
	v36 =	vcvt.f32.s32 v39  }
0x4f: {  	v5 =	vimm.s32 $0x0;
	v39 =	vcvt.f32.s32 v45;
	v32 =	vtrunc.f32 v18  }
0x50: {  	s9 =	simm.s32 $0x200;
	v18 =	vxor.u32 v12, v34;
	v34 =	vcvt.f32.s32 v4;
	v4 =	vimm.s32 $0x0  }
.LBB2_1:
0x51: {  	p1 =	sne.s32 s9, $0x1E00;
	v25 =	vxor.u32 v0, v25;
	v29 =	vxor.u32 v0, v29;
	v32 =	vcvt.f32.s32 v32  }
0x52: {  	v0 =	vxor.u32 v0, v28;
	v28 =	vxor.u32 v11, v35;
	v35 =	vxor.u32 v11, v38  }
0x53: {  	v38 =	vxor.u32 v12, v42;
	v36 =	vxor.u32 v11, v36;
	v11 =	vxor.u32 v11, v41;
	s7 =	sadd.s32 $0x40, s7  }
0x54: {  	s10 =	sand.u32 $0x1C00, s9;
	v39 =	vxor.u32 v12, v39;
	v40 =	vxor.u32 v12, v40;
	v12 =	vxor.u32 v12, v43;
	s8 =	sadd.s32 $0x40, s8;
	s11 =	sand.u32 $0x40, s7  }
0x55: {  	v37 =	vxor.u32 v6, v37;
	v1 =	vor.u32 v1, v21;
	v2 =	vor.u32 v2, v24;
	s12 =	sor.u32 s11, s10;
	v41 =	vld [tilespmem:s8+$0x0]  }
0x56: {  	v24 =	vxor.u32 v6, v34;
	v1 =	vor.u32 v30, v1;
	v2 =	vor.u32 v31, v2;
	v21 =	vld [tilespmem:s12+$0x0]  }
0x57: {  	v31 =	vxor.u32 v6, v33;
	v1 =	vor.u32 v26, v1;
	v2 =	vor.u32 v27, v2;
	v30 =	vld [tilespmem:s12+$0x80]  }
0x58: {  	s13 =	sor.u32 s9, s7;
	s14 =	sand.u32 $0x380, s7;
	v6 =	vxor.u32 v6, v32;
	v1 =	vor.u32 v22, v1;
	v2 =	vor.u32 v19, v2;
	v26 =	vld [tilespmem:s12+$0x100]  }
0x59: {  	v3 =	vor.u32 v3, v15;
	v5 =	vor.u32 v5, v17;
	v4 =	vor.u32 v4, v25;
	v19 =	vld [tilespmem:s12+$0x180];
	s12 =	sor.u32 $0x380, s13;
	s13 =	sor.u32 $0x2000, s14;
	s14 =	sor.u32 $0x30, s11  }
0x5a: {  	v3 =	vor.u32 v20, v3;
	v5 =	vor.u32 v23, v5;
	v4 =	vor.u32 v37, v4;
	v15 =	vld [tilespmem:s12+$0x0];
	s12 =	sor.u32 s14, s13  }
0x5b: {  	v3 =	vor.u32 v18, v3;
	v5 =	vor.u32 v16, v5;
	v4 =	vor.u32 v38, v4;
	v17 =	vld [tilespmem:s12+$0x0];
	s12 =	sor.u32 s14, s10  }
0x5c: {  	v3 =	vor.u32 v14, v3;
	v5 =	vor.u32 v13, v5;
	v4 =	vor.u32 v28, v4;
	v16 =	vld [tilespmem:s12+$0x0]  }
0x5d: {  	v7 =	vor.u32 v7, v10;
	v9 =	vor.u32 v9, v29;
	v0 =	vor.u32 v8, v0;
	v13 =	vld [tilespmem:s12+$0x80]  }
0x5e: {  	v8 =	vor.u32 v24, v9;
	v0 =	vor.u32 v31, v0;
	v6 =	vor.u32 v6, v7;
	s14 =	sor.u32 $0x20, s11;
	v10 =	vld [tilespmem:s12+$0x100]  }
0x5f: {  	v7 =	vor.u32 v39, v8;
	v0 =	vor.u32 v40, v0;
	v6 =	vor.u32 v12, v6;
	s15 =	sor.u32 s14, s13;
	v14 =	vld [tilespmem:s12+$0x180]  }
0x60: {  	v9 =	vor.u32 v35, v7;
	v8 =	vor.u32 v36, v0;
	v7 =	vor.u32 v11, v6;
	s12 =	sor.u32 s14, s10;
	v12 =	vld [tilespmem:s15+$0x0]  }
0x61: {  	v0 =	vtrunc.f32 v41;
	v6 =	vld [tilespmem:s12+$0x0]  }
0x62: {  	v0 =	vcvt.f32.s32 v0;
	v11 =	vtrunc.f32 v21;
	v18 =	vld [tilespmem:s12+$0x80]  }
0x63: {  	s11 =	sor.u32 $0x10, s11;
	v20 =	vtrunc.f32 v30;
	v21 =	vtrunc.f32 v26;
	v22 =	vld [tilespmem:s12+$0x100]  }
0x64: {  	s13 =	sor.u32 s11, s13;
	v19 =	vtrunc.f32 v19;
	v15 =	vtrunc.f32 v15;
	v23 =	vld [tilespmem:s12+$0x180]  }
0x65: {  	s10 =	sor.u32 s11, s10;
	v17 =	vtrunc.f32 v17;
	v16 =	vtrunc.f32 v16;
	v24 =	vld [tilespmem:s13+$0x0]  }
0x66: {  	v13 =	vtrunc.f32 v13;
	v10 =	vtrunc.f32 v10;
	v25 =	vld [tilespmem:s10+$0x0]  }
0x67: {  	p0 =	por !p0, !p0;
	s11 =	simm.s32 $0x1;
	v14 =	vtrunc.f32 v14;
	v12 =	vtrunc.f32 v12;
	v26 =	vld [tilespmem:s10+$0x80]  }
0x68: {  	s11 =	simm.s32 @!p0 $0x0;
	v6 =	vtrunc.f32 v6;
	v18 =	vtrunc.f32 v18;
	v27 =	vld [tilespmem:s10+$0x100]  }
0x69: {  	s11 =	sshll.u32 s11, $0x6;
	v22 =	vtrunc.f32 v22;
	v28 =	vld [tilespmem:s10+$0x180];
	v23 =	vtrunc.f32 v23  }
0x6a: {  	v29 =	vcvt.f32.s32 v11;
	v20 =	vcvt.f32.s32 v20;
	s10 =	sadd.s32 s11, s9  }
0x6b: {  	v30 =	vcvt.f32.s32 v21;
	v19 =	vcvt.f32.s32 v19;
	s11 =	sor.u32 $0x200, s10  }
0x6c: {  	v31 =	vcvt.f32.s32 v15;
	v15 =	vtrunc.f32 v24;
	v21 =	vld [tilespmem:s11+$0x0];
	s11 =	sor.u32 $0x280, s10  }
0x6d: {  	s12 =	sadd.s32 $0x30, s10;
	v25 =	vtrunc.f32 v25;
	v26 =	vtrunc.f32 v26;
	v24 =	vld [tilespmem:s11+$0x0];
	s11 =	sor.u32 $0x300, s10  }
0x6e: {  	v27 =	vtrunc.f32 v27;
	v32 =	vld [tilespmem:s11+$0x0];
	v28 =	vtrunc.f32 v28;
	s11 =	sor.u32 $0x200, s12  }
0x6f: {  	v11 =	vcvt.f32.s32 v17;
	v16 =	vcvt.f32.s32 v16;
	v17 =	vld [tilespmem:s11+$0x0];
	s11 =	sor.u32 $0x280, s12  }
0x70: {  	v13 =	vcvt.f32.s32 v13;
	v33 =	vcvt.f32.s32 v10;
	v10 =	vld [tilespmem:s11+$0x0];
	s11 =	sor.u32 $0x300, s12  }
0x71: {  	v34 =	vcvt.f32.s32 v14;
	v12 =	vcvt.f32.s32 v12;
	s13 =	sadd.s32 $0x20, s10;
	v14 =	vld [tilespmem:s11+$0x0];
	s11 =	sor.u32 $0x380, s12  }
0x72: {  	v35 =	vcvt.f32.s32 v6;
	v18 =	vcvt.f32.s32 v18;
	s12 =	sor.u32 $0x200, s13;
	v36 =	vld [tilespmem:s11+$0x0]  }
0x73: {  	v37 =	vcvt.f32.s32 v22;
	v23 =	vcvt.f32.s32 v23;
	s11 =	sor.u32 $0x280, s13;
	v22 =	vld [tilespmem:s12+$0x0]  }
0x74: {  	v6 =	vcvt.f32.s32 v15;
	v39 =	vcvt.f32.s32 v25;
	v15 =	vld [tilespmem:s11+$0x0];
	s11 =	sor.u32 $0x300, s13  }
0x75: {  	v40 =	vcvt.f32.s32 v26;
	s10 =	sadd.s32 $0x10, s10;
	v43 =	vcvt.f32.s32 v27;
	v25 =	vld [tilespmem:s11+$0x0];
	s11 =	sor.u32 $0x380, s13  }
0x76: {  	v44 =	vcvt.f32.s32 v28;
	v26 =	vtrunc.f32 v21;
	s12 =	sor.u32 $0x200, s10;
	v27 =	vld [tilespmem:s11+$0x0]  }
0x77: {  	v28 =	vtrunc.f32 v24;
	v32 =	vtrunc.f32 v32;
	s11 =	sor.u32 $0x280, s10;
	v38 =	vld [tilespmem:s12+$0x0]  }
0x78: {  	v42 =	vtrunc.f32 v17;
	v45 =	vtrunc.f32 v10;
	v41 =	vld [tilespmem:s11+$0x0];
	s11 =	sor.u32 $0x300, s10  }
0x79: {  	v47 =	vtrunc.f32 v14;
	v48 =	vtrunc.f32 v36;
	s10 =	sor.u32 $0x380, s10;
	v46 =	vld [tilespmem:s11+$0x0]  }
0x7a: {  	v21 =	vxor.u32 v0, v29;
	v49 =	vtrunc.f32 v22;
	v50 =	vtrunc.f32 v15;
	v14 =	vld [tilespmem:s10+$0x0]  }
0x7b: {  	v24 =	vxor.u32 v0, v20;
	v20 =	vtrunc.f32 v25;
	v51 =	vtrunc.f32 v27  }
0x7c: {  	v29 =	vcvt.f32.s32 v28;
	v15 =	vxor.u32 v0, v30;
	v25 =	vcvt.f32.s32 v26  }
0x7d: {  	v17 =	vxor.u32 v0, v19;
	v28 =	vcvt.f32.s32 v32;
	v52 =	vtrunc.f32 v38  }
0x7e: {  	v10 =	vxor.u32 v0, v31;
	v53 =	vtrunc.f32 v41;
	v46 =	vtrunc.f32 v46  }
0x7f: {  	v19 =	vxor.u32 v11, v13;
	v22 =	vxor.u32 v11, v16;
	v32 =	vtrunc.f32 v14  }
0x80: {  	v13 =	vxor.u32 v11, v34;
	v26 =	vxor.u32 v12, v35;
	v14 =	vxor.u32 v11, v33  }
0x81: {  	v35 =	vcvt.f32.s32 v42;
	v27 =	vxor.u32 v12, v18;
	v18 =	vxor.u32 v12, v37  }
.Ltmp0:
0x82: {  	v36 =	vcvt.f32.s32 v47;
	v16 =	vxor.u32 v12, v23;
	v38 =	vcvt.f32.s32 v45;
	(pc) =	sbr.rel @p1 .LBB2_1-.Ltmp0, $4  }
0x83: {  	v30 =	vxor.u32 v6, v39;
	v42 =	vcvt.f32.s32 v49;
	v41 =	vcvt.f32.s32 v48  }
0x84: {  	v31 =	vxor.u32 v6, v40;
	v39 =	vcvt.f32.s32 v50;
	v40 =	vcvt.f32.s32 v20  }
0x85: {  	v20 =	vxor.u32 v6, v43;
	v43 =	vcvt.f32.s32 v51;
	v37 =	vcvt.f32.s32 v52  }
0x86: {  	s9 =	sadd.s32 $0x200, s9;
	v23 =	vxor.u32 v6, v44;
	v34 =	vcvt.f32.s32 v53;
	v33 =	vcvt.f32.s32 v46  }
0x87: {  	v44 =	vxor.u32 v0, v25;
	v29 =	vxor.u32 v0, v29;
	v32 =	vcvt.f32.s32 v32  }
0x88: {  	v28 =	vxor.u32 v0, v28;
	v35 =	vxor.u32 v11, v35;
	v38 =	vxor.u32 v11, v38  }
0x89: {  	v42 =	vxor.u32 v12, v42;
	v25 =	vxor.u32 v11, v36;
	v11 =	vxor.u32 v11, v41  }
0x8a: {  	v36 =	vxor.u32 v12, v39;
	v39 =	vxor.u32 v12, v40;
	v12 =	vxor.u32 v12, v43  }
0x8b: {  	v37 =	vxor.u32 v6, v37;
	v0 =	vor.u32 v1, v21;
	v1 =	vimm.s32 $0xFEDCBA98  }
0x8c: {  	v2 =	vor.u32 v2, v24;
	v53 =	vimm.s32 $0x76543210;
	v54 =	vimm.s32 $0xBA98FEDC  }
0x8d: {  	v55 =	vimm.s32 $0x32107654;
	v58 =	vimm.s32 $0xDCFE98BA;
	v59 =	vimm.s32 $0x54761032  }
0x8e: {  	v15 =	vor.u32 v3, v15;
	v5 =	vor.u32 v5, v17;
	v40 =	vimm.s32 $0xEFCDAB89  }
0x8f: {  	v41 =	vimm.s32 $0x67452301;
	vm1 =	vcmask $0x3F04;
	v7 =	vor.u32 v7, v10  }
0x90: {  	v1 =	vunpack.c.l.s4.s8 v1;
	v24 =	vxor.u32 v6, v34;
	v0 =	vor.u32 v30, v0  }
0x91: {  	v21 =	vunpack.c.l.s4.s8 v53;
	v2 =	vor.u32 v31, v2;
	v30 =	vxor.u32 v6, v33  }
0x92: {  	v31 =	vunpack.c.l.s4.s8 v54;
	v33 =	vunpack.c.l.s4.s8 v55;
	v60 =	vunpack.c.l.s4.s8 v58  }
0x93: {  	v61 =	vunpack.c.l.s4.s8 v59;
	v44 =	vor.u32 v4, v44;
	v15 =	vor.u32 v20, v15  }
0x94: {  	v23 =	vor.u32 v23, v5;
	v9 =	vor.u32 v9, v29;
	v8 =	vor.u32 v8, v28  }
0x95: {  	v26 =	vor.u32 v26, v0;
	v2 =	vor.u32 v27, v2;
	v62 =	vxor.u32 v6, v32  }
0x96: {  	v15 =	vor.u32 v18, v15;
	v53 =	vor.u32 v37, v44;
	v16 =	vor.u32 v16, v23  }
0x97: {  	v9 =	vor.u32 v24, v9;
	v1 =	vunpack.c.0.s8.s32 v1;
	v21 =	vunpack.c.0.s8.s32 v21  }
0x98: {  	v56 =	vor.u32 v22, v26;
	v57 =	vunpack.c.0.s8.s32 v33;
	v6 =	vor.u32 v19, v2  }
0x99: {  	v32 =	vunpack.c.0.s8.s32 v60;
	v33 =	vunpack.c.0.s8.s32 v61;
	v1 =	vand.u32 $0xF, v1  }
0x9a: {  	v22 =	vunpack.c.l.s4.s8 v41;
	v0 =	vcombine.low v1, v21;
	v1 =	vunpack.c.0.s8.s32 v31  }
0x9b: {  	v14 =	vor.u32 v14, v15;
	v20 =	vor.u32 v42, v53;
	v13 =	vor.u32 v13, v16  }
0x9c: {  	v9 =	vor.u32 v36, v9;
	v26 =	vperm.xlane v56, v0;
	v1 =	vcombine.low v57, v1  }
0x9d: {  	v3 =	vcombine.low v33, v32;
	v46 =	vunpack.c.0.s8.s32 v22;
	v43 =	vperm.xlane v6, v0  }
0x9e: {  	v21 =	vunpack.c.l.s4.s8 v40;
	v63 =	vor.u32 v56, v26;
	v2 =	vand.u32 $0xF, v1  }
0x9f: {  	v4 =	vand.u32 $0xF, v3;
	v6 =	vor.u32 v6, v43;
	v34 =	vperm.xlane v63, v2  }
0xa0: {  	v45 =	vunpack.c.0.s8.s32 v21;
	v52 =	vperm.xlane v14, v0;
	v48 =	vperm.xlane v6, v2  }
0xa1: {  	v16 =	vperm.xlane v13, v0;
	v57 =	vor.u32 v35, v20;
	v17 =	vor.u32 v34, v63  }
0xa2: {  	v5 =	vcombine.low v46, v45;
	v50 =	vor.u32 v48, v6;
	v47 =	vperm.xlane v17, v4  }
0xa3: {  	v14 =	vor.u32 v14, v52;
	v13 =	vor.u32 v13, v16;
	v51 =	vperm.xlane v50, v4  }
0xa4: {  	v19 =	vperm.xlane v14, v2;
	v6 =	vand.u32 $0xF, v5;
	v49 =	vor.u32 v47, v17  }
0xa5: {  	v16 =	vperm.xlane v13, v2;
	v17 =	vor.u32 v51, v50;
	v54 =	vperm.xlane v49, v6  }
0xa6: {  	v59 =	vperm.xlane v57, v0;
	v14 =	vor.u32 v19, v14;
	v18 =	vperm.xlane v17, v6  }
0xa7: {  	v13 =	vor.u32 v16, v13;
	v56 =	vperm.xlane v14, v4;
	v15 =	vor.u32 v54, v49  }
0xa8: {  	v58 =	vperm.xlane v13, v4;
	v55 =	vor.u32 v18, v17;
	vm0 =	vne.s32 v15, $0x0  }
0xa9: {  	v14 =	vor.u32 v56, v14;
	vm1 =	vmor vm0, vm1;
	vm0 =	veq.s32 v55, $0x0  }
0xaa: {  	v15 =	vperm.xlane v14, v6;
	vm2 =	vmand vm1, vm0;
	vm0 =	vcmask $0x704  }
0xab: {  	v9 =	vor.u32 v38, v9;
	v60 =	vor.u32 v57, v59;
	vm2 =	vmand vm2, vm0  }
0xac: {  	v10 =	vor.u32 v58, v13;
	v14 =	vor.u32 v15, v14;
	vm2 =	vmneg vm2  }
0xad: {  	v15 =	vperm.xlane v60, v2;
	vm2 =	vmand vm2, vm1;
	vm1 =	veq.s32 v14, $0x0  }
0xae: {  	v14 =	vperm.xlane v10, v6;
	vm3 =	vmand vm2, vm1;
	vm1 =	vcmask $0xB08  }
0xaf: {  	v8 =	vor.u32 v30, v8;
	v61 =	vperm.xlane v9, v0;
	vm3 =	vmand vm3, vm1  }
0xb0: {  	v13 =	vor.u32 v15, v60;
	v10 =	vor.u32 v14, v10;
	vm3 =	vmneg vm3  }
0xb1: {  	vm3 =	vmand vm3, vm2;
	vm2 =	veq.s32 v10, $0x0;
	v10 =	vperm.xlane v13, v4  }
0xb2: {  	v7 =	vor.u32 v62, v7;
	v8 =	vor.u32 v39, v8;
	v9 =	vor.u32 v9, v61  }
0xb3: {  	v8 =	vor.u32 v25, v8;
	v14 =	vperm.xlane v9, v2;
	v10 =	vor.u32 v10, v13  }
0xb4: {  	vm4 =	vmand vm3, vm2;
	vm2 =	vcmask $0xF0C;
	v13 =	vperm.xlane v10, v6  }
0xb5: {  	v7 =	vor.u32 v12, v7;
	v62 =	vperm.xlane v8, v0;
	vm4 =	vmand vm4, vm2  }
0xb6: {  	v9 =	vor.u32 v14, v9;
	vm4 =	vmneg vm4;
	v10 =	vor.u32 v13, v10  }
0xb7: {  	vm4 =	vmand vm4, vm3;
	vm3 =	veq.s32 v10, $0x0;
	v10 =	vperm.xlane v9, v4  }
0xb8: {  	v7 =	vor.u32 v11, v7;
	v8 =	vor.u32 v8, v62  }
0xb9: {  	v63 =	vperm.xlane v7, v0;
	v9 =	vor.u32 v10, v9;
	v10 =	vperm.xlane v8, v2  }
0xba: {  	vm5 =	vmand vm4, vm3;
	vm3 =	vcmask $0x1310;
	v11 =	vperm.xlane v9, v6  }
0xbb: {  	v7 =	vor.u32 v7, v63;
	vm5 =	vmand vm5, vm3;
	v8 =	vor.u32 v10, v8  }
0xbc: {  	vm5 =	vmneg vm5;
	v9 =	vor.u32 v11, v9;
	v10 =	vperm.xlane v8, v4  }
0xbd: {  	vm5 =	vmand vm5, vm4;
	vm4 =	veq.s32 v9, $0x0;
	v9 =	vperm.xlane v7, v2  }
0xbe: {  	vm6 =	vmand vm5, vm4;
	v8 =	vor.u32 v10, v8  }
0xbf: {  	vm4 =	vcmask $0x1714;
	v10 =	vperm.xlane v8, v6;
	v7 =	vor.u32 v9, v7  }
0xc0: {  	vm6 =	vmand vm6, vm4;
	v9 =	vperm.xlane v7, v4  }
0xc1: {  	vm6 =	vmneg vm6;
	v8 =	vor.u32 v10, v8  }
0xc2: {  	vm6 =	vmand vm6, vm5;
	vm5 =	veq.s32 v8, $0x0;
	v7 =	vor.u32 v9, v7  }
0xc3: {  	vm7 =	vmand vm6, vm5;
	vm5 =	vcmask $0x1B18;
	v8 =	vperm.xlane v7, v6  }
0xc4: {  	vm7 =	vmand vm7, vm5  }
0xc5: {  	vm7 =	vmneg vm7;
	v7 =	vor.u32 v8, v7  }
0xc6: {  	vm7 =	vmand vm7, vm6;
	vm6 =	veq.s32 v7, $0x0  }
0xc7: {  	vm8 =	vmand vm7, vm6;
	vm6 =	vcmask $0x1F1C  }
0xc8: {  	vm8 =	vmand vm8, vm6  }
0xc9: {  	vm8 =	vmneg vm8  }
0xca: {  	vm8 =	vmand vm8, vm7;
	vm7 =	vmmov $0xff  }
0xcb: {  	v7 =	vimm.s32 $0x0;
	vm9 =	vmand vm8, vm7  }
0xcc: {  	v8 =	vsel vm9, $0x1, v7  }
0xcd: {  	v9 =	vperm.xlane v8, v0;
	_ =	sdelay $0x1  }
0xce: {  	v8 =	vor.u32 v8, v9  }
0xcf: {  	v9 =	vperm.xlane v8, v2;
	_ =	sdelay $0x1  }
0xd0: {  	v8 =	vor.u32 v9, v8  }
0xd1: {  	v9 =	vperm.xlane v8, v4;
	_ =	sdelay $0x1  }
0xd2: {  	v8 =	vor.u32 v9, v8  }
0xd3: {  	v9 =	vperm.xlane v8, v6;
	_ =	sdelay $0x1  }
0xd4: {  	v8 =	vor.u32 v9, v8  }
0xd5: {  	(v2sf) =	vpush v8, $0x0;
	_ =	sdelay $0xe  }
0xd6: {  	s8 =	spop (v2sf)  }
0xd7: {  	p0 =	seq.s32 s8, $0x0  }
.Ltmp1:
0xd8: {  	_ = 	snop;
	(pc) =	sbr.rel @p0 .LBB2_9-.Ltmp1, $3  }
0xd9: {  	_ =	sdelay $0x1  }
0xda: {  	s7 =	sshll.u32 s1, $0x5;
	v11 =	vsel vm8, $0xFFFFFFFF, v7  }
0xdb: {  	s9 =	sor.u32 $0x10, s7;
	[tilespmem:$0x2600] =	vst v11;
	v8 =	vlaneseq.u32;
	s8 =	sshrl.u32 s7, $0x2  }
.Ltmp2:
0xdc: {  	(pc) =	sbr.rel .LBB2_4-.Ltmp2, $3  }
0xdd: {  	_ =	sdelay $0x1  }
0xde: {  	s11 =	simm.s32 $0x1  }
0xdf: {  	s10 =	simm.s32 $0x1;
	vm8 =	vmmov $0x1;
	[dreg:$0x7] =	wrdreg s11  }
.LBB2_14:
0xe0: {  	v11 =	vpsel p1, v11, v9  }
.LBB2_8:
0xe1: {  	s10 =	sadd.s32 $0x1, s10  }
0xe2: {  	p0 =	sne.s32 s10, $0x200  }
.Ltmp3:
0xe3: {  	_ = 	snop;
	(pc) =	sbr.rel @!p0 .LBB2_9-.Ltmp3, $1  }
0xe4: {  	_ =	sdelay $0x3  }
.LBB2_4:
0xe5: {  	vm9 =	vlt.s32 v11, $0x0  }
0xe6: {  	vm9 =	vmand vm9, vm7  }
0xe7: {  	v9 =	vsel vm9, $0x1, v7  }
0xe8: {  	v10 =	vperm.xlane v9, v0;
	_ =	sdelay $0x1  }
0xe9: {  	v9 =	vor.u32 v9, v10  }
0xea: {  	v10 =	vperm.xlane v9, v1;
	_ =	sdelay $0x1  }
0xeb: {  	v9 =	vor.u32 v10, v9  }
0xec: {  	v10 =	vperm.xlane v9, v3;
	_ =	sdelay $0x1  }
0xed: {  	v9 =	vor.u32 v10, v9  }
0xee: {  	v10 =	vperm.xlane v9, v5;
	_ =	sdelay $0x1  }
0xef: {  	v9 =	vor.u32 v10, v9  }
0xf0: {  	(v2sf) =	vpush v9, $0x0;
	_ =	sdelay $0xe  }
0xf1: {  	s11 =	spop (v2sf)  }
0xf2: {  	p1 =	seq.s32 s11, $0x0  }
0xf3: {  	s11 =	sshll.u32 @!p1 s10, $0x4  }
0xf4: {  	s12 =	sshll.u32 @!p1 s10, $0x7;
	s11 =	sand.u32 @!p1 $0x70, s11  }
0xf5: {  	s13 =	simm.s32 @!p1 $0x80;
	s12 =	sand.u32 @!p1 $0xFC00, s12;
	s11 =	sadd.s32 @!p1 s6, s11  }
0xf6: {  	s14 =	simm.s32 @!p1 $0x400;
	s12 =	sadd.s32 @!p1 s12, s11;
	s11 =	simm.s32 @!p1 $0x2000  }
0xf7: {  	[tilespmem:s11], [sflag:$0x1] =	stream.strided.gather @!p1 [hbm4b:s12+s13], $0x400, s14, s13, $0x38;
	[tilespmem:$0x2808] =	vst v63  }
0xf8: {  	s12 =	simm.s32 @!p1 $0x1  }
0xf9: {  	_ =	swait.ge @!p1 [sflag:s12], $0x400  }
0xfa: {  	v10 =	vimm.s32 @!p1 $0xFEDCBA98;
	[sflag:s12] =	ssyncset.done @!p1 $0x0  }
0xfb: {  	v12 =	vimm.s32 @!p1 $0x76543210;
	v10 =	vunpack.c.l.s4.s8 @!p1 v10;
	[sflag:s12] =	ssyncadd.s32 @!p1 $0xFFFFFC00  }
0xfc: {  	v12 =	vunpack.c.l.s4.s8 @!p1 v12;
	v9 =	vld @!p1 [tilespmem:$0x2600]  }
0xfd: {  	v13 =	vunpack.c.0.s8.s32 @!p1 v10  }
0xfe: {  	vm10 =	vmmov @!p1 $0xff;
	v12 =	vunpack.c.0.s8.s32 @!p1 v12  }
0xff: {  	v14 =	vimm.s32 @!p1 $0xBA98FEDC;
	v16 =	vimm.s32 @!p1 $0xDCFE98BA;
	v13 =	vand.u32 @!p1 $0xF, v13  }
0x100: {  	v12 =	vcombine.low @!p1 v13, v12;
	v13 =	vunpack.c.l.s4.s8 @!p1 v14;
	v14 =	vimm.s32 @!p1 $0x32107654  }
0x101: {  	v17 =	vimm.s32 @!p1 $0x54761032;
	v14 =	vunpack.c.l.s4.s8 @!p1 v14;
	vm9 =	vlt.s32 @!p1 v9, $0x0  }
0x102: {  	v16 =	vunpack.c.l.s4.s8 @!p1 v16;
	v10 =	vimm.s32 @!p1 $0x0;
	vm9 =	vmand @!p1 vm9, vm10  }
0x103: {  	v13 =	vunpack.c.0.s8.s32 @!p1 v13;
	v14 =	vunpack.c.0.s8.s32 @!p1 v14;
	v15 =	vsel @!p1 vm9, $0x1, v10  }
0x104: {  	v17 =	vunpack.c.l.s4.s8 @!p1 v17;
	v12 =	vperm.xlane @!p1 v15, v12  }
0x105: {  	v13 =	vcombine.low @!p1 v14, v13;
	v14 =	vunpack.c.0.s8.s32 @!p1 v16;
	v16 =	vimm.s32 @!p1 $0xEFCDAB89  }
0x106: {  	v12 =	vor.u32 @!p1 v15, v12;
	v15 =	vunpack.c.0.s8.s32 @!p1 v17;
	v17 =	vimm.s32 @!p1 $0x67452301  }
0x107: {  	v16 =	vunpack.c.l.s4.s8 @!p1 v16;
	v13 =	vperm.xlane @!p1 v12, v13;
	v17 =	vunpack.c.l.s4.s8 @!p1 v17  }
0x108: {  	v14 =	vcombine.low @!p1 v15, v14  }
0x109: {  	v12 =	vor.u32 @!p1 v13, v12;
	v13 =	vunpack.c.0.s8.s32 @!p1 v16;
	v15 =	vunpack.c.0.s8.s32 @!p1 v17  }
0x10a: {  	v14 =	vperm.xlane @!p1 v12, v14  }
0x10b: {  	v13 =	vcombine.low @!p1 v15, v13  }
0x10c: {  	v12 =	vor.u32 @!p1 v14, v12  }
0x10d: {  	v13 =	vperm.xlane @!p1 v12, v13;
	_ =	sdelay $0x1  }
0x10e: {  	v12 =	vor.u32 @!p1 v13, v12  }
0x10f: {  	(v2sf) =	vpush @!p1 v12, $0x0;
	_ =	sdelay $0xe  }
0x110: {  	s12 =	spop @!p1 (v2sf)  }
0x111: {  	p0 =	seq.s32 @!p1 s12, $0x0  }
0x112: {  	p0 =	por p1, p0  }
.Ltmp4:
0x113: {  	_ = 	snop;
	(pc) =	sbr.rel @p0 .LBB2_14-.Ltmp4, $1  }
0x114: {  	_ =	sdelay $0x3  }
0x115: {  	s12 =	simm.s32 @!p1 $0x0  }
0x116: {  	s13 =	sand.u32 $0x40, s12;
	s14 =	sand.u32 $0x1C00, s12  }
0x117: {  	v11 =	vld [tilespmem:s11+$0x0];
	s15 =	sor.u32 s13, s14  }
0x118: {  	v12 =	vld [tilespmem:s15+$0x0]  }
0x119: {  	v13 =	vld [tilespmem:s15+$0x80]  }
0x11a: {  	s16 =	sor.u32 s12, s12;
	s17 =	sand.u32 $0x380, s12;
	v14 =	vld [tilespmem:s15+$0x100]  }
0x11b: {  	s22 =	sor.u32 $0x380, s16;
	s23 =	sor.u32 $0x2000, s17;
	s24 =	sor.u32 $0x30, s13;
	v15 =	vld [tilespmem:s15+$0x180]  }
0x11c: {  	v16 =	vld [tilespmem:s22+$0x0];
	s25 =	sor.u32 s24, s23  }
0x11d: {  	s26 =	sor.u32 s24, s14;
	v17 =	vld [tilespmem:s25+$0x0]  }
0x11e: {  	v18 =	vld [tilespmem:s26+$0x0]  }
0x11f: {  	v19 =	vld [tilespmem:s26+$0x80]  }
0x120: {  	s28 =	sor.u32 $0x20, s13;
	v20 =	vld [tilespmem:s26+$0x100]  }
0x121: {  	s18 =	sor.u32 s28, s23;
	v21 =	vld [tilespmem:s26+$0x180]  }
0x122: {  	s29 =	sor.u32 s28, s14;
	v22 =	vld [tilespmem:s18+$0x0];
	v11 =	vtrunc.f32 v11  }
0x123: {  	v23 =	vld [tilespmem:s29+$0x0];
	v11 =	vcvt.f32.s32 v11  }
0x124: {  	v24 =	vld [tilespmem:s29+$0x80];
	v12 =	vtrunc.f32 v12;
	v13 =	vtrunc.f32 v13  }
0x125: {  	s13 =	sor.u32 $0x10, s13;
	v25 =	vld [tilespmem:s29+$0x100];
	v14 =	vtrunc.f32 v14;
	v15 =	vtrunc.f32 v15  }
0x126: {  	s16 =	sor.u32 s13, s23;
	v26 =	vld [tilespmem:s29+$0x180];
	v16 =	vtrunc.f32 v16;
	v17 =	vtrunc.f32 v17  }
0x127: {  	s13 =	sor.u32 s13, s14;
	v27 =	vld [tilespmem:s16+$0x0];
	v18 =	vtrunc.f32 v18;
	v19 =	vtrunc.f32 v19  }
0x128: {  	v28 =	vld [tilespmem:s13+$0x0];
	v29 =	vtrunc.f32 v20;
	v21 =	vtrunc.f32 v21  }
0x129: {  	p0 =	por @!p1 $0x0, $0x0;
	s15 =	rddreg [dreg:$0x7];
	v30 =	vld [tilespmem:s13+$0x100];
	v22 =	vtrunc.f32 v22;
	v23 =	vtrunc.f32 v23  }
0x12a: {  	s15 =	simm.s32 @!p0 $0x0;
	v31 =	vld [tilespmem:s13+$0x180];
	v24 =	vtrunc.f32 v24;
	v25 =	vtrunc.f32 v25  }
0x12b: {  	s30 =	sshll.u32 s15, $0x6;
	v12 =	vcvt.f32.s32 v12;
	v26 =	vtrunc.f32 v26  }
0x12c: {  	s31 =	sadd.s32 $0x0, s30;
	v13 =	vcvt.f32.s32 v13;
	v14 =	vcvt.f32.s32 v14  }
0x12d: {  	s14 =	sor.u32 $0x200, s31;
	v15 =	vcvt.f32.s32 v15;
	v16 =	vcvt.f32.s32 v16  }
0x12e: {  	s16 =	sor.u32 $0x280, s31;
	v32 =	vld [tilespmem:s14+$0x0];
	v27 =	vtrunc.f32 v27;
	v28 =	vtrunc.f32 v28  }
0x12f: {  	s17 =	sor.u32 $0x300, s31;
	v36 =	vld [tilespmem:s16+$0x0];
	v30 =	vtrunc.f32 v30;
	v31 =	vtrunc.f32 v31  }
0x130: {  	s18 =	sadd.s32 $0x30, s31;
	v37 =	vld [tilespmem:s17+$0x0];
	v39 =	vcvt.f32.s32 v29;
	v41 =	vcvt.f32.s32 v21  }
0x131: {  	s19 =	sor.u32 $0x200, s18;
	v20 =	vld [tilespmem:s13+$0x80];
	v22 =	vcvt.f32.s32 v22;
	v45 =	vcvt.f32.s32 v23  }
0x132: {  	s23 =	sor.u32 $0x380, s18;
	v38 =	vld [tilespmem:s19+$0x0];
	v46 =	vcvt.f32.s32 v24;
	v50 =	vcvt.f32.s32 v25  }
0x133: {  	s22 =	sadd.s32 $0x20, s31;
	s20 =	sor.u32 $0x280, s18;
	v42 =	vld [tilespmem:s23+$0x0];
	v21 =	vcvt.f32.s32 v27;
	v52 =	vcvt.f32.s32 v26  }
0x134: {  	s24 =	sor.u32 $0x200, s22;
	v29 =	vld [tilespmem:s20+$0x0];
	v53 =	vcvt.f32.s32 v28;
	v35 =	vcvt.f32.s32 v30;
	v28 =	vxor.u32 v11, v13  }
0x135: {  	s25 =	sor.u32 $0x280, s22;
	v26 =	vld [tilespmem:s24+$0x0];
	v24 =	vxor.u32 v11, v15;
	v13 =	vtrunc.f32 v32;
	v15 =	vtrunc.f32 v36  }
0x136: {  	s21 =	sor.u32 $0x300, s18;
	v27 =	vld [tilespmem:s25+$0x0];
	v25 =	vxor.u32 v11, v12;
	v33 =	vtrunc.f32 v20;
	v20 =	vcvt.f32.s32 v17  }
0x137: {  	s26 =	sor.u32 $0x300, s22;
	v40 =	vld [tilespmem:s21+$0x0];
	v23 =	vxor.u32 v11, v14;
	v17 =	vcvt.f32.s32 v18;
	v18 =	vcvt.f32.s32 v19  }
0x138: {  	s28 =	sor.u32 $0x380, s22;
	s13 =	sadd.s32 $0x10, s31;
	v12 =	vld [tilespmem:s26+$0x0];
	v36 =	vxor.u32 v22, v45;
	v38 =	vtrunc.f32 v38;
	v55 =	vtrunc.f32 v42  }
0x139: {  	s29 =	sor.u32 $0x200, s13;
	v14 =	vld [tilespmem:s28+$0x0];
	v32 =	vxor.u32 v22, v52;
	v34 =	vcvt.f32.s32 v33;
	v33 =	vcvt.f32.s32 v31  }
0x13a: {  	s31 =	sor.u32 $0x300, s13;
	v62 =	vld [tilespmem:s29+$0x0];
	v19 =	vxor.u32 v11, v16;
	v31 =	vtrunc.f32 v37;
	v54 =	vtrunc.f32 v29  }
0x13b: {  	s30 =	sor.u32 $0x280, s13;
	s13 =	sor.u32 $0x380, s13;
	v63 =	vld [tilespmem:s31+$0x0];
	v56 =	vtrunc.f32 v26;
	v43 =	vtrunc.f32 v27;
	v37 =	vxor.u32 v22, v46  }
0x13c: {  	v47 =	vld [tilespmem:s13+$0x0];
	v45 =	vcvt.f32.s32 v38;
	v38 =	vxor.u32 v21, v53;
	v52 =	vcvt.f32.s32 v55  }
0x13d: {  	v29 =	vxor.u32 v20, v17;
	v17 =	vtrunc.f32 v40;
	v44 =	vtrunc.f32 v12  }
0x13e: {  	v16 =	vld [tilespmem:s30+$0x0];
	v42 =	vtrunc.f32 v14;
	v26 =	vxor.u32 v20, v39;
	v39 =	vcvt.f32.s32 v13  }
0x13f: {  	v40 =	vcvt.f32.s32 v15;
	v27 =	vxor.u32 v20, v41;
	v41 =	vcvt.f32.s32 v31  }
0x140: {  	v30 =	vxor.u32 v20, v18;
	v51 =	vtrunc.f32 v62;
	v49 =	vtrunc.f32 v63  }
0x141: {  	v47 =	vtrunc.f32 v47;
	v31 =	vxor.u32 v22, v50;
	v50 =	vcvt.f32.s32 v54  }
0x142: {  	v53 =	vcvt.f32.s32 v56;
	v15 =	vmovc v10;
	v14 =	vmovc v10;
	v12 =	vmov v10;
	v13 =	vmov v10  }
0x143: {  	s13 =	simm.s32 $0x200;
	v46 =	vcvt.f32.s32 v17;
	v18 =	vmovc v10;
	v48 =	vtrunc.f32 v16;
	v16 =	vmovc v10;
	v17 =	vmov v10  }
.LBB2_6:
0x144: {  	v34 =	vxor.u32 v21, v34;
	v43 =	vcvt.f32.s32 v43;
	v44 =	vcvt.f32.s32 v44  }
0x145: {  	v35 =	vxor.u32 v21, v35;
	v51 =	vcvt.f32.s32 v51;
	v42 =	vcvt.f32.s32 v42  }
0x146: {  	v33 =	vxor.u32 v21, v33;
	v48 =	vcvt.f32.s32 v48;
	v49 =	vcvt.f32.s32 v49;
	s12 =	sadd.s32 $0x40, s12  }
0x147: {  	v47 =	vcvt.f32.s32 v47;
	s14 =	sand.u32 $0x1C00, s13;
	v10 =	vor.u32 v10, v25;
	v18 =	vor.u32 v18, v28;
	s11 =	sadd.s32 $0x40, s11;
	s15 =	sand.u32 $0x40, s12  }
0x148: {  	v15 =	vor.u32 v15, v23;
	v16 =	vor.u32 v16, v24;
	v39 =	vxor.u32 v11, v39;
	v25 =	vld [tilespmem:s11+$0x0];
	s16 =	sor.u32 s15, s14  }
0x149: {  	v40 =	vxor.u32 v11, v40;
	v11 =	vxor.u32 v11, v41;
	v10 =	vor.u32 v38, v10;
	v61 =	vld [tilespmem:s16+$0x0]  }
0x14a: {  	v57 =	vxor.u32 v20, v45;
	v58 =	vxor.u32 v20, v50;
	v10 =	vor.u32 v36, v10;
	v63 =	vld [tilespmem:s16+$0x80]  }
0x14b: {  	v59 =	vxor.u32 v22, v53;
	v46 =	vxor.u32 v20, v46;
	s17 =	sor.u32 s13, s12;
	s18 =	sand.u32 $0x380, s12;
	v10 =	vor.u32 v29, v10;
	v29 =	vld [tilespmem:s16+$0x100]  }
0x14c: {  	v18 =	vor.u32 v34, v18;
	v15 =	vor.u32 v35, v15;
	v16 =	vor.u32 v33, v16;
	s22 =	sor.u32 $0x380, s17;
	s23 =	sor.u32 $0x2000, s18;
	s24 =	sor.u32 $0x30, s15;
	v23 =	vld [tilespmem:s16+$0x180]  }
0x14d: {  	v43 =	vxor.u32 v22, v43;
	v44 =	vxor.u32 v22, v44;
	v18 =	vor.u32 v37, v18;
	v24 =	vld [tilespmem:s22+$0x0];
	s25 =	sor.u32 s24, s23  }
0x14e: {  	v60 =	vxor.u32 v21, v51;
	v15 =	vor.u32 v31, v15;
	v18 =	vor.u32 v30, v18;
	s26 =	sor.u32 s24, s14;
	v30 =	vld [tilespmem:s25+$0x0]  }
0x14f: {  	v28 =	vxor.u32 v21, v48;
	v62 =	vxor.u32 v21, v49;
	v15 =	vor.u32 v26, v15;
	v26 =	vld [tilespmem:s26+$0x0]  }
0x150: {  	v21 =	vxor.u32 v21, v47;
	v11 =	vor.u32 v12, v11;
	v12 =	vor.u32 v13, v19;
	v19 =	vld [tilespmem:s26+$0x80]  }
0x151: {  	v16 =	vor.u32 v32, v16;
	s28 =	sor.u32 $0x20, s15;
	v11 =	vor.u32 v62, v11;
	v12 =	vor.u32 v21, v12;
	v21 =	vld [tilespmem:s26+$0x100]  }
0x152: {  	v22 =	vxor.u32 v22, v42;
	v16 =	vor.u32 v27, v16;
	s29 =	sor.u32 s28, s14;
	v11 =	vor.u32 v44, v11;
	v27 =	vld [tilespmem:s26+$0x180]  }
0x153: {  	v22 =	vor.u32 v22, v12;
	v31 =	vld [tilespmem:s29+$0x80];
	v12 =	vor.u32 v46, v11;
	v11 =	vtrunc.f32 v25  }
0x154: {  	v14 =	vor.u32 v14, v40;
	s15 =	sor.u32 $0x10, s15;
	v48 =	vld [tilespmem:s29+$0x100];
	v11 =	vcvt.f32.s32 v11;
	v25 =	vtrunc.f32 v61  }
0x155: {  	v13 =	vor.u32 v28, v14;
	s17 =	sor.u32 s15, s23;
	v49 =	vld [tilespmem:s29+$0x180];
	v28 =	vtrunc.f32 v63;
	v29 =	vtrunc.f32 v29  }
0x156: {  	v20 =	vxor.u32 v20, v52;
	s14 =	sor.u32 s15, s14;
	v50 =	vld [tilespmem:s17+$0x0];
	v23 =	vtrunc.f32 v23;
	v24 =	vtrunc.f32 v24  }
0x157: {  	p0 =	por !p0, !p0;
	s16 =	rddreg [dreg:$0x7];
	v13 =	vor.u32 v43, v13;
	v51 =	vld [tilespmem:s14+$0x0];
	v30 =	vtrunc.f32 v30;
	v26 =	vtrunc.f32 v26  }
0x158: {  	s19 =	sor.u32 s28, s23;
	v52 =	vld [tilespmem:s14+$0x80];
	s16 =	simm.s32 @!p0 $0x0;
	v14 =	vor.u32 v58, v13;
	v19 =	vtrunc.f32 v19;
	v21 =	vtrunc.f32 v21  }
0x159: {  	v13 =	vor.u32 v20, v22;
	v20 =	vld [tilespmem:s19+$0x0];
	s30 =	sshll.u32 s16, $0x6;
	v27 =	vtrunc.f32 v27;
	v31 =	vtrunc.f32 v31  }
0x15a: {  	v22 =	vld [tilespmem:s29+$0x0];
	s31 =	sadd.s32 s30, s13;
	v32 =	vtrunc.f32 v48;
	v25 =	vcvt.f32.s32 v25  }
0x15b: {  	s16 =	sor.u32 $0x280, s31;
	v33 =	vtrunc.f32 v49;
	v28 =	vcvt.f32.s32 v28  }
0x15c: {  	v17 =	vor.u32 v17, v39;
	s17 =	sor.u32 $0x300, s31;
	v41 =	vld [tilespmem:s16+$0x0];
	v29 =	vcvt.f32.s32 v29;
	v39 =	vcvt.f32.s32 v23  }
0x15d: {  	s15 =	sor.u32 $0x200, s31;
	s18 =	sadd.s32 $0x30, s31;
	v58 =	vld [tilespmem:s17+$0x0];
	v40 =	vcvt.f32.s32 v24;
	v23 =	vtrunc.f32 v50  }
0x15e: {  	s20 =	sor.u32 $0x280, s18;
	v24 =	vld [tilespmem:s15+$0x0];
	v55 =	vtrunc.f32 v51;
	v56 =	vtrunc.f32 v52  }
0x15f: {  	v17 =	vor.u32 v60, v17;
	s22 =	sadd.s32 $0x20, s31;
	s21 =	sor.u32 $0x300, s18;
	v60 =	vld [tilespmem:s20+$0x0];
	v53 =	vtrunc.f32 v20;
	v54 =	vtrunc.f32 v22  }
0x160: {  	s24 =	sor.u32 $0x200, s22;
	v61 =	vld [tilespmem:s21+$0x0];
	v26 =	vcvt.f32.s32 v26;
	v45 =	vcvt.f32.s32 v21  }
0x161: {  	s25 =	sor.u32 $0x280, s22;
	v63 =	vld [tilespmem:s24+$0x0];
	v27 =	vcvt.f32.s32 v27;
	v31 =	vcvt.f32.s32 v31  }
0x162: {  	v49 =	vld [tilespmem:s25+$0x0];
	v32 =	vcvt.f32.s32 v32;
	v21 =	vcvt.f32.s32 v23  }
0x163: {  	v20 =	vld [tilespmem:s14+$0x100];
	v50 =	vcvt.f32.s32 v33;
	v52 =	vcvt.f32.s32 v55  }
0x164: {  	v22 =	vld [tilespmem:s14+$0x180];
	v34 =	vcvt.f32.s32 v56;
	v37 =	vcvt.f32.s32 v54  }
0x165: {  	v41 =	vtrunc.f32 v41;
	v54 =	vtrunc.f32 v58  }
0x166: {  	s19 =	sor.u32 $0x200, s18;
	v51 =	vtrunc.f32 v24;
	v46 =	vtrunc.f32 v60  }
0x167: {  	v17 =	vor.u32 v59, v17;
	s23 =	sor.u32 $0x380, s18;
	v44 =	vld [tilespmem:s19+$0x0];
	v38 =	vtrunc.f32 v61;
	v60 =	vtrunc.f32 v63  }
0x168: {  	v17 =	vor.u32 v57, v17;
	s26 =	sor.u32 $0x300, s22;
	v62 =	vld [tilespmem:s23+$0x0];
	s14 =	sadd.s32 $0x10, s31;
	v43 =	vtrunc.f32 v49;
	v57 =	vtrunc.f32 v20  }
0x169: {  	v36 =	vld [tilespmem:s26+$0x0];
	v25 =	vxor.u32 v11, v25;
	s29 =	sor.u32 $0x200, s14;
	v59 =	vtrunc.f32 v22;
	v20 =	vcvt.f32.s32 v30  }
0x16a: {  	s30 =	sor.u32 $0x280, s14;
	v55 =	vld [tilespmem:s29+$0x0];
	v24 =	vxor.u32 v11, v39;
	v30 =	vcvt.f32.s32 v19;
	v22 =	vcvt.f32.s32 v53  }
0x16b: {  	s31 =	sor.u32 $0x300, s14;
	s14 =	sor.u32 $0x380, s14;
	v56 =	vld [tilespmem:s30+$0x0];
	v19 =	vxor.u32 v11, v40;
	v39 =	vcvt.f32.s32 v51;
	v40 =	vcvt.f32.s32 v41  }
0x16c: {  	v28 =	vxor.u32 v11, v28;
	v47 =	vld [tilespmem:s14+$0x0];
	v41 =	vcvt.f32.s32 v54;
	v35 =	vcvt.f32.s32 v57  }
0x16d: {  	v23 =	vxor.u32 v11, v29;
	v33 =	vcvt.f32.s32 v59;
	v57 =	vtrunc.f32 v44  }
0x16e: {  	s28 =	sor.u32 $0x380, s22;
	v58 =	vld [tilespmem:s31+$0x0];
	v59 =	vtrunc.f32 v62;
	v44 =	vtrunc.f32 v36;
	v29 =	vxor.u32 v20, v26  }
0x16f: {  	p1 =	sne.s32 s13, $0x1E00;
	v53 =	vld [tilespmem:s28+$0x0];
	v30 =	vxor.u32 v20, v30;
	v26 =	vxor.u32 v20, v45;
	v51 =	vtrunc.f32 v55  }
.Ltmp5:
0x170: {  	v36 =	vxor.u32 v22, v37;
	v48 =	vtrunc.f32 v56;
	v37 =	vxor.u32 v22, v31;
	(pc) =	sbr.rel @p1 .LBB2_6-.Ltmp5, $4  }
0x171: {  	v47 =	vtrunc.f32 v47;
	v31 =	vxor.u32 v22, v32;
	v45 =	vcvt.f32.s32 v57  }
0x172: {  	v32 =	vxor.u32 v22, v50;
	v50 =	vcvt.f32.s32 v46;
	v46 =	vcvt.f32.s32 v38  }
0x173: {  	v38 =	vxor.u32 v21, v52;
	v52 =	vcvt.f32.s32 v59;
	v49 =	vtrunc.f32 v58  }
0x174: {  	s13 =	sadd.s32 $0x200, s13;
	v27 =	vxor.u32 v20, v27;
	v42 =	vtrunc.f32 v53;
	v53 =	vcvt.f32.s32 v60  }
0x175: {  	v34 =	vxor.u32 v21, v34;
	v43 =	vcvt.f32.s32 v43;
	v44 =	vcvt.f32.s32 v44  }
0x176: {  	v35 =	vxor.u32 v21, v35;
	v51 =	vcvt.f32.s32 v51;
	v42 =	vcvt.f32.s32 v42  }
0x177: {  	v33 =	vxor.u32 v21, v33;
	v48 =	vcvt.f32.s32 v48;
	v49 =	vcvt.f32.s32 v49  }
0x178: {  	v39 =	vxor.u32 v11, v39;
	v40 =	vxor.u32 v11, v40;
	v47 =	vcvt.f32.s32 v47  }
0x179: {  	v11 =	vxor.u32 v11, v41;
	v57 =	vxor.u32 v20, v45;
	v58 =	vxor.u32 v20, v50  }
0x17a: {  	v46 =	vxor.u32 v20, v46;
	v60 =	vxor.u32 v20, v52;
	v10 =	vor.u32 v10, v25  }
0x17b: {  	v18 =	vor.u32 v18, v28;
	v15 =	vor.u32 v15, v23;
	v16 =	vor.u32 v16, v24  }
0x17c: {  	vm9 =	vlt.s32 v9, $0x0;
	v59 =	vxor.u32 v22, v53;
	v10 =	vor.u32 v38, v10  }
0x17d: {  	v18 =	vor.u32 v34, v18;
	v17 =	vor.u32 v17, v39;
	v10 =	vor.u32 v36, v10  }
0x17e: {  	v15 =	vor.u32 v35, v15;
	v16 =	vor.u32 v33, v16;
	v10 =	vor.u32 v29, v10  }
0x17f: {  	v14 =	vor.u32 v14, v40;
	v11 =	vor.u32 v12, v11;
	v29 =	vperm.xlane v10, v0  }
0x180: {  	v40 =	vor.u32 v13, v19;
	v43 =	vxor.u32 v22, v43;
	v44 =	vxor.u32 v22, v44  }
0x181: {  	v61 =	vxor.u32 v22, v42;
	v18 =	vor.u32 v37, v18;
	v10 =	vor.u32 v10, v29  }
0x182: {  	v62 =	vxor.u32 v21, v51;
	v18 =	vor.u32 v30, v18;
	v38 =	vperm.xlane v10, v2  }
0x183: {  	v63 =	vxor.u32 v21, v48;
	v36 =	vxor.u32 v21, v49;
	v39 =	vperm.xlane v18, v0  }
0x184: {  	v37 =	vxor.u32 v21, v47;
	v15 =	vor.u32 v31, v15;
	v10 =	vor.u32 v38, v10  }
0x185: {  	v16 =	vor.u32 v32, v16;
	v18 =	vor.u32 v18, v39;
	v23 =	vperm.xlane v10, v4  }
0x186: {  	v17 =	vor.u32 v62, v17;
	v15 =	vor.u32 v26, v15;
	v24 =	vperm.xlane v18, v2  }
0x187: {  	v16 =	vor.u32 v27, v16;
	v41 =	vor.u32 v63, v14;
	v10 =	vor.u32 v23, v10  }
0x188: {  	v11 =	vor.u32 v36, v11;
	v18 =	vor.u32 v24, v18;
	v42 =	vperm.xlane v10, v6  }
0x189: {  	v12 =	vor.u32 v37, v40;
	v17 =	vor.u32 v59, v17;
	v47 =	vperm.xlane v18, v4  }
0x18a: {  	v13 =	vor.u32 v43, v41;
	v48 =	vperm.xlane v15, v0;
	v10 =	vor.u32 v42, v10  }
0x18b: {  	v49 =	vperm.xlane v16, v0;
	vm10 =	veq.s32 v10, $0x0;
	v10 =	vor.u32 v47, v18  }
0x18c: {  	v11 =	vor.u32 v44, v11;
	v14 =	vor.u32 v15, v48;
	v18 =	vperm.xlane v10, v6  }
0x18d: {  	v12 =	vor.u32 v61, v12;
	v15 =	vperm.xlane v14, v2;
	vm9 =	vmand vm9, vm10  }
0x18e: {  	v50 =	vor.u32 v16, v49;
	vm9 =	vmand vm9, vm8;
	v10 =	vor.u32 v18, v10  }
0x18f: {  	v9 =	vsel vm9, s10, v9;
	vm9 =	veq.s32 v10, $0x0;
	v10 =	vor.u32 v15, v14  }
0x190: {  	v17 =	vor.u32 v57, v17;
	v16 =	vperm.xlane v50, v2;
	v15 =	vperm.xlane v10, v4  }
0x191: {  	v13 =	vor.u32 v58, v13;
	v51 =	vperm.xlane v17, v0;
	vm10 =	vlt.s32 v9, $0x0  }
0x192: {  	v14 =	vor.u32 v16, v50;
	vm9 =	vmand vm10, vm9;
	v10 =	vor.u32 v15, v10  }
0x193: {  	v53 =	vperm.xlane v14, v4;
	vm9 =	vmand vm9, vm0;
	v52 =	vperm.xlane v10, v6  }
0x194: {  	v11 =	vor.u32 v46, v11;
	v9 =	vsel vm9, s10, v9;
	v15 =	vor.u32 v17, v51  }
0x195: {  	v14 =	vor.u32 v53, v14;
	v54 =	vperm.xlane v15, v2;
	v10 =	vor.u32 v52, v10  }
0x196: {  	vm10 =	vlt.s32 v9, $0x0;
	vm9 =	veq.s32 v10, $0x0;
	v10 =	vperm.xlane v14, v6  }
0x197: {  	v55 =	vperm.xlane v13, v0;
	v15 =	vor.u32 v54, v15;
	vm9 =	vmand vm10, vm9  }
0x198: {  	v56 =	vperm.xlane v15, v4;
	vm9 =	vmand vm9, vm1;
	v10 =	vor.u32 v10, v14  }
0x199: {  	v9 =	vsel vm9, s10, v9;
	vm9 =	veq.s32 v10, $0x0;
	v10 =	vor.u32 v13, v55  }
0x19a: {  	v12 =	vor.u32 v60, v12;
	v59 =	vperm.xlane v11, v0;
	v58 =	vperm.xlane v10, v2  }
0x19b: {  	v61 =	vperm.xlane v12, v0;
	v57 =	vor.u32 v56, v15;
	vm10 =	vlt.s32 v9, $0x0  }
0x19c: {  	v15 =	vperm.xlane v57, v6;
	vm9 =	vmand vm10, vm9;
	v10 =	vor.u32 v58, v10  }
0x19d: {  	v11 =	vor.u32 v11, v59;
	vm9 =	vmand vm9, vm2;
	v14 =	vperm.xlane v10, v4  }
0x19e: {  	v60 =	vperm.xlane v11, v2;
	v13 =	vor.u32 v15, v57;
	v9 =	vsel vm9, s10, v9  }
0x19f: {  	vm9 =	veq.s32 v13, $0x0;
	vm10 =	vlt.s32 v9, $0x0;
	v10 =	vor.u32 v14, v10  }
0x1a0: {  	v11 =	vor.u32 v60, v11;
	vm9 =	vmand vm10, vm9;
	v62 =	vperm.xlane v10, v6  }
0x1a1: {  	v12 =	vor.u32 v12, v61;
	v13 =	vperm.xlane v11, v4;
	vm9 =	vmand vm9, vm3  }
0x1a2: {  	v14 =	vperm.xlane v12, v2;
	v9 =	vsel vm9, s10, v9;
	v10 =	vor.u32 v62, v10  }
0x1a3: {  	vm10 =	vlt.s32 v9, $0x0;
	vm9 =	veq.s32 v10, $0x0;
	v10 =	vor.u32 v13, v11  }
0x1a4: {  	v12 =	vor.u32 v14, v12;
	vm9 =	vmand vm10, vm9;
	v11 =	vperm.xlane v10, v6  }
0x1a5: {  	v63 =	vperm.xlane v12, v4;
	vm9 =	vmand vm9, vm4  }
0x1a6: {  	v9 =	vsel vm9, s10, v9;
	v10 =	vor.u32 v11, v10  }
0x1a7: {  	vm9 =	veq.s32 v10, $0x0;
	vm10 =	vlt.s32 v9, $0x0;
	v10 =	vor.u32 v63, v12  }
0x1a8: {  	vm9 =	vmand vm10, vm9;
	v11 =	vperm.xlane v10, v6  }
0x1a9: {  	vm9 =	vmand vm9, vm5  }
0x1aa: {  	v9 =	vsel vm9, s10, v9;
	v10 =	vor.u32 v11, v10  }
.Ltmp6:
0x1ab: {  	vm9 =	veq.s32 v10, $0x0;
	vm10 =	vlt.s32 v9, $0x0;
	(pc) =	sbr.rel .LBB2_8-.Ltmp6, $4  }
0x1ac: {  	vm9 =	vmand vm10, vm9  }
0x1ad: {  	vm9 =	vmand vm9, vm6  }
0x1ae: {  	v11 =	vsel vm9, s10, v9  }
0x1af: {  	[tilespmem:$0x2600] =	vst v11  }
.LBB2_9:
0x1b0: {  	s6 =	simm.s32 $0x2  }
0x1b1: {  	_ =	swait.ge [sflag:s6], $0x200  }
0x1b2: {  	[sflag:s6] =	ssyncset.done $0x0  }
0x1b3: {  	s31 =	simm.s32 $0x2400;
	[sflag:s6] =	ssyncadd.s32 $0xFFFFFE00  }
0x1b4: {  	v5 =	vld [tilespmem:s31+$0x0];
	_ =	sdelay $0x3  }
0x1b5: {  	s4 =	sadd.s32 s4, s1;
	v1 =	vor.u32 s7, v8;
	v0 =	vor.u32 s9, v8;
	s3 =	sadd.s32 s3, s5;
	v3 =	vand.u32 $0xF, v11;
	s5 =	simm.s32 $0x0  }
0x1b6: {  	v2 =	vshra.s32 v11, $0x4;
	v4 =	vimm.f32 $-Inf;
	s7 =	simm.s32 $0x1;
	s6 =	sadd.s32 s8, s2;
	s8 =	simm.s32 $0x2410;
	v5 =	vperm.xlane v5, v3  }
.LBB2_10:
0x1b7: {  	v6 =	vld [tilespmem:s8+$0x0];
	p0 =	sne.s32 s7, $0x1F;
	vm0 =	veq.s32 v2, s5;
	s5 =	smov.u32 s7;
	s7 =	sadd.s32 $0x1, s7  }
.Ltmp7:
0x1b8: {  	v4 =	vsel vm0, v5, v4;
	(pc) =	sbr.rel @p0 .LBB2_10-.Ltmp7, $2  }
0x1b9: {  	_ =	sdelay $0x2  }
0x1ba: {  	s8 =	sadd.s32 $0x10, s8;
	v5 =	vperm.xlane v6, v3  }
0x1bb: {  	vm0 =	veq.s32 v2, s5  }
0x1bc: {  	v2 =	vsel vm0, v5, v4  }
0x1bd: {  	vm0 =	vlt.f32 v2, $-Inf;
	vm1 =	vgt.f32 v2, $-Inf;
	v2 =	vshra.s32 v11, $0x1F  }
0x1be: {  	vm0 =	vmor vm1, vm0;
	v2 =	vor.u32 v2, v11  }
0x1bf: {  	v2 =	vnsel vm0, $0xFFFFFFFF, v2  }
0x1c0: {  	s26 =	simm.s32 $0x0;
	s7 =	simm.s32 $0x2600;
	[tilespmem:$0x2600] =	vst v2  }
0x1c1: {  	[hbm4b:s4+s26] =	stream.linear.scatter [tilespmem:s7], [sflag:$0x3], $0x8, $0x38;
	[tilespmem:$0x2808] =	vst v63  }
0x1c2: {  	s28 =	simm.s32 $0x4  }
0x1c3: {  	[spmem:s6] =	stream.linear.scatter [tilespmem:s7], [sflag:$0x4], $0x8, $0x38;
	[tilespmem:$0x2808] =	vst v63  }
0x1c4: {  	_ =	swait.ge [sflag:s28], $0x8  }
0x1c5: {  	[sflag:s28] =	ssyncset.done $0x0  }
0x1c6: {  	[sflag:s28] =	ssyncadd.s32 $0xFFFFFFF8  }
0x1c7: {  	s29 =	simm.s32 $0x2680;
	[bflag:$0x0] =	sbarrier.arrive $0xFFFF  }
0x1c8: {  	[tilespmem:s29], [sflag:$0x4] =	stream.linear.gather [spmem:s2], $0x80, $0x38;
	[tilespmem:$0x2808] =	vst v63  }
0x1c9: {  	_ =	swait.ge [sflag:s28], $0x80  }
0x1ca: {  	[sflag:s28] =	ssyncset.done $0x0  }
0x1cb: {  	s30 =	simm.s32 $0x2;
	[sflag:s28] =	ssyncadd.s32 $0xFFFFFF80  }
0x1cc: {  	_ =	swait.ge [sflag:s30], $0x80  }
0x1cd: {  	[sflag:s30] =	ssyncset.done $0x0  }
0x1ce: {  	[sflag:s30] =	ssyncadd.s32 $0xFFFFFF80  }
0x1cf: {  	_ =	swait.ge [sflag:s30], $0x20  }
0x1d0: {  	[sflag:s30] =	ssyncset.done $0x0  }
0x1d1: {  	s31 =	simm.s32 $0x0;
	[sflag:s30] =	ssyncadd.s32 $0xFFFFFFE0  }
0x1d2: {  	v4 =	vld [tilespmem:s31+$0x2700]  }
0x1d3: {  	v18 =	vld [tilespmem:s31+$0x2680];
	_ =	sdelay $0x3  }
0x1d4: {  	v12 =	vbroadcast v4, $0x0;
	v2 =	vbroadcast v4, $0xD  }
0x1d5: {  	v6 =	vbroadcast v18, $0x0;
	v3 =	vbroadcast v18, $0xF  }
0x1d6: {  	v13 =	vbroadcast v4, $0x1;
	v19 =	vbroadcast v18, $0xB  }
0x1d7: {  	v11 =	vbroadcast v18, $0x8;
	v23 =	vbroadcast v18, $0xA  }
0x1d8: {  	v8 =	vbroadcast v4, $0x3;
	v5 =	vbroadcast v4, $0x6  }
0x1d9: {  	v15 =	vbroadcast v18, $0x7;
	v20 =	vbroadcast v18, $0x9  }
0x1da: {  	v9 =	vbroadcast v18, $0x3;
	v7 =	vbroadcast v4, $0x4  }
0x1db: {  	v21 =	vbroadcast v18, $0x6;
	v24 =	vbroadcast v18, $0xC  }
0x1dc: {  	v14 =	vbroadcast v18, $0xD;
	v17 =	vbroadcast v4, $0x2  }
0x1dd: {  	v10 =	vbroadcast v4, $0x5;
	v25 =	vbroadcast v18, $0x1  }
0x1de: {  	v62 =	vimm.s32 $0x0;
	v26 =	vbroadcast v18, $0x2;
	v16 =	vbroadcast v18, $0x5  }
0x1df: {  	vm5 =	veq.s32 v1, v6;
	vm6 =	veq.s32 v0, v6;
	v6 =	vbroadcast v18, $0x4  }
0x1e0: {  	vm15 =	veq.s32 v1, v9;
	vm0 =	veq.s32 v0, v9;
	v9 =	vimm.s32 $0x0  }
0x1e1: {  	vm4 =	veq.s32 v1, v26;
	vm3 =	veq.s32 v0, v26;
	vm1 =	veq.s32 v0, v21  }
0x1e2: {  	vm2 =	veq.s32 v1, v16;
	vm7 =	veq.s32 v0, v25;
	vm13 =	veq.s32 v1, v15  }
0x1e3: {  	v22 =	vld [tilespmem:$0x2780];
	vm8 =	veq.s32 v0, v15;
	v15 =	vimm.s32 $0x0;
	vm14 =	veq.s32 v1, v11  }
0x1e4: {  	v27 =	vld [tilespmem:$0x2790];
	vm12 =	veq.s32 v1, v20;
	vm10 =	veq.s32 v1, v19;
	vm9 =	veq.s32 v0, v24  }
0x1e5: {  	v9 =	vsel vm0, $0xFFFFFFFF, v9;
	v26 =	vsel vm1, $0xFFFFFFFF, v62;
	vm1 =	veq.s32 v1, v21  }
0x1e6: {  	v15 =	vsel vm8, $0xFFFFFFFF, v15;
	vm8 =	veq.s32 v0, v11;
	v11 =	vbroadcast v4, $0x9;
	[tilespmem:$0x1FF90] =	vst v9  }
0x1e7: {  	vm0 =	veq.s32 v0, v6;
	v9 =	vimm.s32 $0x0;
	[tilespmem:$0x1FFC0] =	vst v15;
	v15 =	vimm.s32 $0x0  }
0x1e8: {  	v9 =	vsel vm0, $0xFFFFFFFF, v9;
	vm0 =	veq.s32 v1, v6;
	v15 =	vsel vm8, $0xFFFFFFFF, v15  }
0x1e9: {  	v6 =	vbroadcast v4, $0x8;
	[tilespmem:$0x1FFD0] =	vst v15;
	v15 =	vmax.f32 v22, v12;
	v12 =	vmax.f32 v27, v12  }
0x1ea: {  	v15 =	vsel vm5, v15, v22;
	vm5 =	veq.s32 v1, v25;
	v12 =	vsel vm6, v12, v27  }
0x1eb: {  	vm6 =	veq.s32 v0, v20;
	v20 =	vbroadcast v18, $0xE;
	v21 =	vmax.f32 v15, v13  }
0x1ec: {  	v18 =	vimm.s32 $0x0;
	v22 =	vsel vm5, v21, v15;
	vm5 =	veq.s32 v0, v19  }
0x1ed: {  	vm8 =	veq.s32 v1, v23;
	[tilespmem:$0x1FFA0] =	vst v9;
	v9 =	vbroadcast v4, $0x7;
	v18 =	vsel vm5, $0xFFFFFFFF, v18  }
0x1ee: {  	v63 =	vmax.f32 v12, v13;
	vm5 =	veq.s32 v1, v24;
	[tilespmem:$0x1FFE0] =	vst v18;
	v18 =	vimm.s32 $0x0  }
0x1ef: {  	[tilespmem:$0x1FFB0] =	vst v26;
	v13 =	vbroadcast v4, $0xA;
	v21 =	vsel vm7, v63, v12;
	v18 =	vsel vm5, $0xFFFFFFFF, v18  }
0x1f0: {  	s2 =	simm.s32 $0x40;
	vm7 =	veq.s32 v0, v23;
	v15 =	vbroadcast v4, $0xB;
	v12 =	vbroadcast v4, $0xC;
	[tilespmem:$0x1FFF0] =	vst v18  }
.LBB2_12:
0x1f1: {  	v19 =	vimm.s32 $0x0;
	v24 =	vimm.s32 $0x0;
	vm5 =	veq.s32 v0, v14  }
0x1f2: {  	s4 =	sshra.s32 s2, $0x2;
	v41 =	vimm.s32 $0x0;
	v18 =	vmax.f32 v22, v17;
	v19 =	vsel vm5, $0xFFFFFFFF, v19  }
0x1f3: {  	v23 =	vld [tilespmem:s4+$0x2700];
	v22 =	vsel vm4, v18, v22;
	vm4 =	veq.s32 v1, v14;
	v14 =	vimm.s32 $0x0  }
0x1f4: {  	v18 =	vld [tilespmem:s4+$0x2680];
	[tilespmem:$0x1FF20] =	vst v19;
	v19 =	vbroadcast v4, $0xE;
	v14 =	vsel vm4, $0xFFFFFFFF, v14;
	vm4 =	veq.s32 v0, v20  }
0x1f5: {  	[tilespmem:$0x1FF10] =	vst v14;
	v14 =	vmax.f32 v22, v8;
	v24 =	vsel vm4, $0xFFFFFFFF, v24;
	vm4 =	veq.s32 v0, v3  }
0x1f6: {  	[tilespmem:$0x1FF40] =	vst v24;
	v24 =	vsel vm4, $0xFFFFFFFF, v41;
	vm4 =	veq.s32 v1, v20;
	v20 =	vimm.s32 $0x0  }
0x1f7: {  	v14 =	vsel vm15, v14, v22;
	v22 =	vmax.f32 v21, v17;
	v20 =	vsel vm4, $0xFFFFFFFF, v20  }
0x1f8: {  	v17 =	vmax.f32 v14, v7;
	v42 =	vsel vm3, v22, v21;
	v21 =	vbroadcast v23, $0x0  }
0x1f9: {  	v25 =	vbroadcast v23, $0xD;
	v14 =	vsel vm0, v17, v14;
	v17 =	vbroadcast v18, $0x0  }
0x1fa: {  	[tilespmem:$0x1FF30] =	vst v20;
	v20 =	vbroadcast v4, $0xF;
	vm0 =	veq.s32 v0, v16;
	v16 =	vmax.f32 v14, v10  }
0x1fb: {  	v4 =	vmovc v23;
	v23 =	vimm.s32 $0x0;
	v14 =	vsel vm2, v16, v14;
	vm2 =	veq.s32 v1, v17  }
0x1fc: {  	v23 =	vsel vm2, $0xFFFFFFFF, v23  }
0x1fd: {  	[tilespmem:$0x1FF70] =	vst v23;
	v23 =	vld [tilespmem:$0x1FF90];
	_ =	sdelay $0x1  }
0x1fe: {  	v28 =	vld [tilespmem:$0x1FFA0]  }
0x1ff: {  	v45 =	vimm.s32 $0x0  }
0x200: {  	v49 =	vimm.s32 $0x0;
	v50 =	vimm.s32 $0x0;
	v16 =	vmax.f32 v14, v5  }
0x201: {  	v8 =	vmax.f32 v42, v8;
	v14 =	vsel vm1, v16, v14;
	vm2 =	vnez.u8 v23  }
0x202: {  	vm1 =	veq.s32 v0, v17;
	v23 =	vsel vm2, v8, v42;
	v8 =	vimm.s32 $0x0  }
0x203: {  	v8 =	vsel vm1, $0xFFFFFFFF, v8;
	v7 =	vmax.f32 v23, v7;
	vm1 =	vnez.u8 v28  }
0x204: {  	v33 =	vld [tilespmem:$0x1FFB0];
	v30 =	vbroadcast v18, $0x3;
	v16 =	vmax.f32 v14, v9;
	v23 =	vsel vm1, v7, v23  }
0x205: {  	v51 =	vimm.s32 $0x0;
	v14 =	vsel vm13, v16, v14;
	v10 =	vmax.f32 v23, v10  }
0x206: {  	v35 =	vld [tilespmem:$0x1FFC0];
	v16 =	vimm.s32 $0x0;
	v23 =	vsel vm0, v10, v23;
	vm0 =	veq.s32 v0, v30  }
0x207: {  	vm4 =	veq.s32 v1, v3;
	v3 =	vimm.s32 $0x0;
	v16 =	vsel vm0, $0xFFFFFFFF, v16  }
0x208: {  	v36 =	vld [tilespmem:$0x1FFD0];
	v62 =	vimm.s32 $0x0;
	v3 =	vsel vm4, $0xFFFFFFFF, v3;
	[tilespmem:$0x1FF90] =	vst v16;
	v16 =	vmax.f32 v14, v6  }
0x209: {  	vm1 =	vnez.u8 v33;
	v32 =	vsel vm14, v16, v14;
	v16 =	vmax.f32 v23, v5  }
0x20a: {  	v43 =	vbroadcast v18, $0xB;
	v26 =	vbroadcast v18, $0x8;
	v23 =	vsel vm1, v16, v23  }
0x20b: {  	v27 =	vbroadcast v18, $0xA;
	vm1 =	vnez.u8 v35;
	v9 =	vmax.f32 v23, v9  }
0x20c: {  	v44 =	vbroadcast v18, $0x7;
	v29 =	vbroadcast v18, $0x9;
	v23 =	vsel vm1, v9, v23  }
0x20d: {  	v31 =	vbroadcast v18, $0x6;
	vm1 =	vnez.u8 v36;
	v48 =	vmax.f32 v23, v6  }
0x20e: {  	v46 =	vbroadcast v18, $0xC;
	v47 =	vbroadcast v18, $0x1;
	v23 =	vsel vm1, v48, v23  }
0x20f: {  	v52 =	vld [tilespmem:$0x1FFE0];
	v34 =	vbroadcast v18, $0x2;
	v9 =	vmax.f32 v32, v11;
	v11 =	vmax.f32 v23, v11  }
0x210: {  	v53 =	vld [tilespmem:$0x1FFF0];
	v32 =	vsel vm12, v9, v32;
	v11 =	vsel vm6, v11, v23;
	vm6 =	veq.s32 v0, v44  }
0x211: {  	[tilespmem:$0x1FF50] =	vst v3;
	v3 =	vbroadcast v18, $0xF;
	v23 =	vmax.f32 v32, v13;
	v28 =	vsel vm6, $0xFFFFFFFF, v50  }
0x212: {  	v55 =	vld [tilespmem:$0x1FF10];
	v23 =	vsel vm8, v23, v32;
	v13 =	vmax.f32 v11, v13;
	vm6 =	veq.s32 v0, v26  }
0x213: {  	[tilespmem:$0x1FFC0] =	vst v28;
	v28 =	vsel vm6, $0xFFFFFFFF, v51;
	v13 =	vsel vm7, v13, v11;
	v11 =	vmax.f32 v23, v15  }
0x214: {  	vm6 =	vnez.u8 v52;
	v23 =	vsel vm10, v11, v23;
	v15 =	vmax.f32 v13, v15  }
0x215: {  	vm7 =	vnez.u8 v53;
	v13 =	vsel vm6, v15, v13;
	v15 =	vmax.f32 v23, v12  }
0x216: {  	v22 =	vbroadcast v4, $0x1;
	vm15 =	veq.s32 v1, v30;
	v15 =	vsel vm7, v15, v23  }
0x217: {  	vm4 =	veq.s32 v1, v34;
	vm8 =	vnez.u8 v55;
	v23 =	vmax.f32 v15, v2  }
0x218: {  	vm3 =	veq.s32 v0, v34;
	v10 =	vbroadcast v18, $0x4;
	v23 =	vsel vm8, v23, v15;
	v15 =	vld [tilespmem:$0x1FF20]  }
0x219: {  	v57 =	vld [tilespmem:$0x1FF30];
	vm5 =	veq.s32 v0, v47;
	vm11 =	veq.s32 v1, v47;
	v17 =	vbroadcast v4, $0x6  }
0x21a: {  	v58 =	vld [tilespmem:$0x1FF40];
	vm13 =	veq.s32 v1, v44;
	[tilespmem:$0x1FF80] =	vst v8;
	v8 =	vbroadcast v4, $0x3;
	vm0 =	veq.s32 v0, v10  }
0x21b: {  	[tilespmem:$0x1FF60] =	vst v24;
	v60 =	vld [tilespmem:$0x1FF50];
	v7 =	vbroadcast v4, $0x4;
	v30 =	vsel vm0, $0xFFFFFFFF, v45;
	v12 =	vmax.f32 v13, v12  }
0x21c: {  	v61 =	vld [tilespmem:$0x1FF60];
	vm0 =	veq.s32 v1, v10;
	v14 =	vbroadcast v18, $0xD;
	v12 =	vsel vm9, v12, v13  }
0x21d: {  	v5 =	vmovc v17;
	v17 =	vbroadcast v4, $0x2;
	v54 =	vmax.f32 v12, v2;
	vm8 =	vnez.u8 v15  }
0x21e: {  	v63 =	vld [tilespmem:$0x1FF70];
	vm9 =	vnez.u8 v57;
	v56 =	vmax.f32 v23, v19;
	v12 =	vsel vm8, v54, v12  }
0x21f: {  	v23 =	vsel vm9, v56, v23;
	vm9 =	vnez.u8 v58;
	v19 =	vmax.f32 v12, v19  }
0x220: {  	v59 =	vmax.f32 v23, v20;
	v19 =	vsel vm9, v19, v12;
	vm9 =	vnez.u8 v60  }
0x221: {  	v20 =	vmax.f32 v19, v20;
	v23 =	vsel vm9, v59, v23;
	vm9 =	vnez.u8 v61  }
0x222: {  	v16 =	vbroadcast v18, $0x5;
	v19 =	vsel vm9, v20, v19;
	vm9 =	veq.s32 v0, v43  }
0x223: {  	v20 =	vmax.f32 v23, v21;
	v24 =	vsel vm9, $0xFFFFFFFF, v62;
	vm9 =	vnez.u8 v63  }
0x224: {  	v10 =	vbroadcast v4, $0x5;
	vm14 =	veq.s32 v1, v26;
	v20 =	vsel vm9, v20, v23;
	v23 =	vld [tilespmem:$0x1FF80]  }
0x225: {  	vm2 =	veq.s32 v1, v16;
	v6 =	vbroadcast v4, $0x8;
	vm1 =	veq.s32 v0, v31  }
0x226: {  	v9 =	vbroadcast v4, $0x7;
	vm12 =	veq.s32 v1, v29;
	v34 =	vsel vm1, $0xFFFFFFFF, v49  }
0x227: {  	vm1 =	veq.s32 v1, v31;
	v11 =	vbroadcast v4, $0x9;
	vm10 =	veq.s32 v1, v43  }
0x228: {  	p0 =	sne.s32 s2, $0x1C0;
	vm6 =	veq.s32 v0, v29;
	vm7 =	veq.s32 v0, v27;
	v13 =	vbroadcast v4, $0xA  }
.Ltmp8:
0x229: {  	[tilespmem:$0x1FFA0] =	vst v30;
	v15 =	vbroadcast v4, $0xB;
	v21 =	vmax.f32 v19, v21;
	vm9 =	vnez.u8 v23;
	(pc) =	sbr.rel @p0 .LBB2_12-.Ltmp8, $4  }
0x22a: {  	[tilespmem:$0x1FFB0] =	vst v34;
	v19 =	vsel vm9, v21, v19;
	vm9 =	veq.s32 v1, v46;
	v21 =	vimm.s32 $0x0  }
0x22b: {  	[tilespmem:$0x1FFD0] =	vst v28;
	vm8 =	veq.s32 v1, v27;
	v12 =	vbroadcast v4, $0xC;
	v21 =	vsel vm9, $0xFFFFFFFF, v21  }
0x22c: {  	v23 =	vmax.f32 v19, v22;
	vm9 =	veq.s32 v0, v46;
	[tilespmem:$0x1FFF0] =	vst v21;
	v21 =	vmax.f32 v20, v22  }
0x22d: {  	s2 =	sadd.s32 $0x40, s2;
	v2 =	vmovc v25;
	[tilespmem:$0x1FFE0] =	vst v24;
	v22 =	vsel vm11, v21, v20;
	v21 =	vsel vm5, v23, v19;
	v20 =	vbroadcast v18, $0xE  }
0x22e: {  	v31 =	vld [tilespmem:$0x1FF90];
	_ =	sdelay $0x1  }
0x22f: {  	v18 =	vmax.f32 v22, v17;
	v34 =	vld [tilespmem:$0x1FFA0]  }
0x230: {  	v29 =	vmax.f32 v21, v17;
	v18 =	vsel vm4, v18, v22  }
0x231: {  	v17 =	vsel vm3, v29, v21;
	v19 =	vmax.f32 v18, v8  }
0x232: {  	v30 =	vmax.f32 v17, v8;
	v18 =	vsel vm15, v19, v18;
	vm15 =	vnez.u8 v31  }
0x233: {  	v39 =	vld [tilespmem:$0x1FFB0];
	v32 =	vmax.f32 v18, v7;
	v8 =	vsel vm15, v30, v17  }
0x234: {  	vm5 =	vnez.u8 v34;
	v17 =	vsel vm0, v32, v18;
	v33 =	vmax.f32 v8, v7  }
0x235: {  	v42 =	vld [tilespmem:$0x1FFC0];
	v35 =	vmax.f32 v17, v10;
	v7 =	vsel vm5, v33, v8  }
0x236: {  	vm11 =	veq.s32 v0, v16;
	v8 =	vsel vm2, v35, v17;
	v36 =	vmax.f32 v7, v10  }
0x237: {  	v45 =	vld [tilespmem:$0x1FFD0];
	v37 =	vmax.f32 v8, v5;
	v7 =	vsel vm11, v36, v7  }
0x238: {  	vm15 =	vnez.u8 v39;
	v8 =	vsel vm1, v37, v8;
	v38 =	vmax.f32 v7, v5  }
0x239: {  	v40 =	vmax.f32 v8, v9;
	v5 =	vsel vm15, v38, v7  }
0x23a: {  	vm4 =	vnez.u8 v42;
	v7 =	vsel vm13, v40, v8;
	v41 =	vmax.f32 v5, v9  }
0x23b: {  	v43 =	vmax.f32 v7, v6;
	v5 =	vsel vm4, v41, v5  }
0x23c: {  	vm5 =	vnez.u8 v45;
	v7 =	vsel vm14, v43, v7;
	v44 =	vmax.f32 v5, v6  }
0x23d: {  	v52 =	vld [tilespmem:$0x1FFE0];
	v46 =	vmax.f32 v7, v11;
	v5 =	vsel vm5, v44, v5  }
0x23e: {  	v55 =	vld [tilespmem:$0x1FFF0];
	v6 =	vsel vm12, v46, v7;
	v47 =	vmax.f32 v5, v11  }
0x23f: {  	v48 =	vmax.f32 v6, v13;
	v5 =	vsel vm6, v47, v5  }
0x240: {  	v6 =	vsel vm8, v48, v6;
	v49 =	vmax.f32 v5, v13  }
0x241: {  	v56 =	vbroadcast v4, $0xE;
	v50 =	vmax.f32 v6, v15;
	v5 =	vsel vm7, v49, v5  }
0x242: {  	v6 =	vsel vm10, v50, v6;
	vm7 =	vnez.u8 v52;
	v51 =	vmax.f32 v5, v15  }
0x243: {  	vm8 =	vnez.u8 v55;
	v53 =	vmax.f32 v6, v12;
	v5 =	vsel vm7, v51, v5  }
0x244: {  	v59 =	vbroadcast v4, $0xF;
	v6 =	vsel vm8, v53, v6;
	v54 =	vmax.f32 v5, v12  }
0x245: {  	vm11 =	veq.s32 v1, v14;
	v57 =	vmax.f32 v6, v2;
	v5 =	vsel vm9, v54, v5  }
0x246: {  	vm10 =	veq.s32 v0, v14;
	v6 =	vsel vm11, v57, v6;
	v58 =	vmax.f32 v5, v2  }
0x247: {  	vm12 =	veq.s32 v1, v20;
	v60 =	vmax.f32 v6, v56;
	v2 =	vsel vm10, v58, v5  }
0x248: {  	vm13 =	veq.s32 v0, v20;
	v5 =	vsel vm12, v60, v6;
	v61 =	vmax.f32 v2, v56  }
0x249: {  	vm14 =	veq.s32 v1, v3;
	v62 =	vmax.f32 v5, v59;
	v2 =	vsel vm13, v61, v2  }
0x24a: {  	vm15 =	veq.s32 v0, v3;
	v1 =	vsel vm14, v62, v5;
	v63 =	vmax.f32 v2, v59  }
0x24b: {  	[tilespmem:$0x2780] =	vst v1;
	v0 =	vsel vm15, v63, v2  }
0x24c: {  	s2 =	simm.s32 $0x0;
	s4 =	simm.s32 $0x2780;
	s30 =	simm.s32 $0x4;
	[tilespmem:$0x2790] =	vst v0  }
0x24d: {  	[hbm4b:s3+s2] =	stream.linear.scatter [tilespmem:s4], [sflag:$0x4], $0x20, $0x38;
	[tilespmem:$0x2808] =	vst v63  }
0x24e: {  	_ =	swait.ge [sflag:s30], $0x20  }
0x24f: {  	[sflag:s30] =	ssyncset.done $0x0  }
0x250: {  	s31 =	simm.s32 $0x3;
	[sflag:s30] =	ssyncadd.s32 $0xFFFFFFE0  }
0x251: {  	_ =	swait.ge [sflag:s31], $0x8  }
0x252: {  	[sflag:s31] =	ssyncset.done $0x0  }
0x253: {  	[sflag:s31] =	ssyncadd.s32 $0xFFFFFFF8  }
0x254: {  	_ =	sfence.sel $0x180000  }
0x255: {  	[bflag:$0x0] =	sbarrier.arrive $0xFFFF  }
0x256: {  	p0 =	sne.s32 s1, $0x0;
	_ =	strace $0x90000047  }
0x257: {  	s0 =	sadd.s32 @!p0 $0x100000, s0;
	[bflag:$0x2] =	sbarrier.arrive $0xFFFF  }
0x258: {  	[sflag:s0] =	ssyncadd.tile.s32 @!p0 $0x1;
	_ =	shalt  }
.Lfunc_end2:
_tile_overlayer_lowered:
.L_overlay_start_2:
0x259: {  	(tag) =	ssettag $0x2  }
0x25a: {  	s0 =	rddreg [dreg:$0x0];
	s2 =	stileid.u32  }
0x25b: {  	s1 =	rddreg [dreg:$0x1];
	p0 =	sne.s32 s2, $0x0  }
0x25c: {  	s3 =	rddreg [dreg:$0x2];
	[bflag:$0x3] =	sbarrier.arrive $0xFFFF;
	s2 =	simm.s32 @!p0 $0x1C04  }
0x25d: {  	[timem:s3], [sflag:s2] =	dma.local @!p0 [hbm:s0], s1  }
0x25e: {  	s0 =	simm.s32 @!p0 $0x4  }
0x25f: {  	_ =	swait.ge @!p0 [sflag:s0], s1  }
0x260: {  	s1 =	ssub.s32 @!p0 $0x0, s1;
	[sflag:s0] =	ssyncset.done @!p0 $0x0  }
0x261: {  	[sflag:s0] =	ssyncadd.s32 @!p0 s1  }
0x262: {  	[bflag:$0x3] =	sbarrier.arrive $0xFFFF  }
0x263: {  	_ =	shalt  }

</sc_bundles>
